<compile_context>
chip_gen: v7x
topology: tpu7x:2x2x1
jax: 0.10.2.dev20260603
libtpu: 0.0.44.dev20260713+nightly
codegen_flags: <defaults>
</compile_context>

<pallas_src>
import functools

import jax
import jax.numpy as jnp
from jax import lax
from jax.experimental import pallas as pl
from jax.experimental.pallas import tpu as pltpu
from jax.experimental.pallas import tpu_sc as plsc

N = 2048
E = 4096
B = 128
D_IN = 78
H1 = 10
C1 = 1024
C2 = 512
ET = 512
NT = E // ET
LT = N // ET
PH = 128
NEG_SLOPE = 0.2


def _leaky(x):
    return jnp.where(x >= 0, x, NEG_SLOPE * x)


def _elu(x):
    return jnp.where(x > 0, x, jnp.exp(jnp.minimum(x, 0.0)) - 1.0)


def _logits1_body(x_ref, w1_ref, a1s_ref, a1d_ref, als_ref, ald_ref):
    x = x_ref[...]
    cols_s = []
    cols_d = []
    for h in range(H1):
        wblk = w1_ref[:, h * C1:(h + 1) * C1]
        ws = jax.lax.dot_general(wblk, a1s_ref[h:h + 1, :],
                                 (((1,), (1,)), ((), ())),
                                 preferred_element_type=jnp.float32)
        wd = jax.lax.dot_general(wblk, a1d_ref[h:h + 1, :],
                                 (((1,), (1,)), ((), ())),
                                 preferred_element_type=jnp.float32)
        cols_s.append(ws)
        cols_d.append(wd)
    ws_all = jnp.concatenate(cols_s, axis=1)
    wd_all = jnp.concatenate(cols_d, axis=1)
    als_ref[...] = jnp.dot(x, ws_all, preferred_element_type=jnp.float32)
    ald_ref[...] = jnp.dot(x, wd_all, preferred_element_type=jnp.float32)


def _edge1_body(als_ref, ald_ref, x_ref, src_ref, dst_ref, num_ref):
    i = pl.program_id(0)
    sv = src_ref[0]
    dv = dst_ref[0]
    iota = jax.lax.broadcasted_iota(jnp.int32, (ET, N), 1)
    S = (iota == sv).astype(jnp.float32)
    D = (iota == dv).astype(jnp.float32)

    ase = jax.lax.dot_general(S, als_ref[0], (((1,), (0,)), ((), ())),
                              preferred_element_type=jnp.float32)
    ade = jax.lax.dot_general(D, ald_ref[0], (((1,), (0,)), ((), ())),
                              preferred_element_type=jnp.float32)
    p = jnp.exp(_leaky(ase + ade))
    xs = jax.lax.dot_general(S, x_ref[0], (((1,), (0,)), ((), ())),
                             preferred_element_type=jnp.float32)
    xa = jnp.concatenate(
        [xs, jnp.ones((ET, 1), jnp.float32),
         jnp.zeros((ET, PH - D_IN - 1), jnp.float32)], axis=1)
    V = jnp.concatenate([p[:, h:h + 1] * xa for h in range(H1)], axis=1)

    @pl.when(i % NT == 0)
    def _():
        num_ref[0] = jnp.zeros_like(num_ref[0])

    num_ref[0] += jax.lax.dot_general(D, V, (((0,), (0,)), ((), ())),
                                      preferred_element_type=jnp.float32)

    j = i % NT

    @pl.when(j < LT)
    def _():
        r = j * ET
        als_l = als_ref[0, pl.ds(r, ET), :]
        ald_l = ald_ref[0, pl.ds(r, ET), :]
        xl = x_ref[0, pl.ds(r, ET), :]
        pl_ = jnp.exp(_leaky(als_l + ald_l))
        xla = jnp.concatenate(
            [xl, jnp.ones((ET, 1), jnp.float32),
             jnp.zeros((ET, PH - D_IN - 1), jnp.float32)], axis=1)
        Vl = jnp.concatenate([pl_[:, h:h + 1] * xla for h in range(H1)],
                             axis=1)
        num_ref[0, pl.ds(r, ET), :] += Vl


def _heads_body(num_ref, w1_ref, b1_ref, w2_ref, a2s_ref, a2d_ref,
                h2_ref, al2_ref):
    h = pl.program_id(1)
    blk = num_ref[0]
    z = blk[:, :D_IN]
    s = blk[:, D_IN:D_IN + 1]
    A = z / s
    Y = jnp.dot(A, w1_ref[...], preferred_element_type=jnp.float32)
    Y = _elu(Y + b1_ref[0])
    contrib = jnp.dot(Y, w2_ref[0], preferred_element_type=jnp.float32)

    @pl.when(h == 0)
    def _():
        h2_ref[...] = jnp.zeros_like(h2_ref[...])

    h2_ref[...] += contrib

    @pl.when(h == H1 - 1)
    def _():
        hh = h2_ref[...]
        s2 = jax.lax.dot_general(hh, a2s_ref[...], (((1,), (1,)), ((), ())),
                                 preferred_element_type=jnp.float32)
        d2 = jax.lax.dot_general(hh, a2d_ref[...], (((1,), (1,)), ((), ())),
                                 preferred_element_type=jnp.float32)
        rows = hh.shape[0]
        al2_ref[...] = jnp.concatenate(
            [s2, d2, jnp.zeros((rows, 14), jnp.float32)], axis=1)


FW = 32
EPT = E // 16
ECH = 256
NCH = E // ECH


def _make_sc_edge2():
    mesh = plsc.VectorSubcoreMesh(core_axis_name="c", subcore_axis_name="s")

    @functools.partial(
        pl.kernel,
        mesh=mesh,
        compiler_params=pltpu.CompilerParams(needs_layout_passes=False,
                                             use_tc_tiling_on_sc=False),
        out_type=(jax.ShapeDtypeStruct((16, 2 * N, FW), jnp.float32),
                  jax.ShapeDtypeStruct((2 * N,), jnp.float32)),
        scratch_types=[
            pltpu.VMEM((N,), jnp.float32),
            pltpu.VMEM((N,), jnp.float32),
            pltpu.VMEM((E,), jnp.int32),
            pltpu.VMEM((E,), jnp.int32),
            pltpu.VMEM((E,), jnp.float32),
            pltpu.VMEM((ECH, 128), jnp.float32),
            pltpu.VMEM((N, FW), jnp.float32),
            pltpu.VMEM((N + 16,), jnp.float32),
            pltpu.VMEM((16, N // 16), jnp.float32),
            pltpu.VMEM_SHARED((16, N), jnp.float32),
            pltpu.SemaphoreType.DMA,
        ],
    )
    def k(als_hbm, ald_hbm, h2q_hbm, src_hbm, dst_hbm, feat_hbm, den_hbm,
          als_v, ald_v, idx_v, dst_v, p_v, rows_v, acc, denp_v,
          denr_v, dpart, sem):
        c = lax.axis_index("c")
        t = lax.axis_index("s")
        coff = c * N

        pltpu.sync_copy(als_hbm.at[c], als_v)
        pltpu.sync_copy(ald_hbm.at[c], ald_v)
        pltpu.sync_copy(src_hbm.at[c], idx_v)
        pltpu.sync_copy(dst_hbm.at[c], dst_v)

        def pbody(g, _):
            isrc = idx_v[pl.ds(g * 16, 16)]
            idst = dst_v[pl.ds(g * 16, 16)]
            a = plsc.load_gather(als_v, [isrc])
            b = plsc.load_gather(ald_v, [idst])
            e = a + b
            e = jnp.where(e >= 0.0, e, NEG_SLOPE * e)
            p_v[pl.ds(g * 16, 16)] = jnp.exp(e)
            return 0

        lax.fori_loop(0, E // 16, pbody, 0)

        one0 = (lax.iota(jnp.int32, 16) == 0).astype(jnp.float32)

        def zdns(i, _):
            denp_v[pl.ds(i * 16, 16)] = jnp.zeros((16,), jnp.float32)
            return 0

        lax.fori_loop(0, (N + 16) // 16, zdns, 0)

        ebase = t * EPT

        def dbody(g, _):
            dv = dst_v[pl.ds(ebase + g * 16, 16)]
            pg = p_v[pl.ds(ebase + g * 16, 16)]
            for lane in range(16):
                row = dv[lane]
                plsc.addupdate(denp_v.at[pl.ds(row, 16)], pg[lane] * one0)
            return 0

        lax.fori_loop(0, EPT // 16, dbody, 0)
        pltpu.sync_copy(denp_v.at[pl.ds(0, N)], dpart.at[t])

        slab = t // 4
        qt = t % 4

        def obody(g, _):
            iv = idx_v[pl.ds(g * 16, 16)]
            idx_v[pl.ds(g * 16, 16)] = (iv + coff) * 4 + slab
            return 0

        lax.fori_loop(0, E // 16, obody, 0)

        def zacc(i, _):
            acc[i // (FW // 16), pl.ds((i % (FW // 16)) * 16, 16)] = (
                jnp.zeros((16,), jnp.float32))
            return 0

        lax.fori_loop(0, N * FW // 16, zacc, 0)

        def chbody(ch, _):
            pltpu.async_copy(
                h2q_hbm.at[idx_v.at[pl.ds(ch * ECH, ECH)]], rows_v, sem
            ).wait()

            def sbody(g, _):
                dv = dst_v[pl.ds(ch * ECH + g * 16, 16)]
                pg = p_v[pl.ds(ch * ECH + g * 16, 16)]
                for lane in range(16):
                    i = g * 16 + lane
                    row = dv[lane]
                    pb = jnp.zeros((16,), jnp.float32) + pg[lane]
                    r0 = rows_v[i, pl.ds(qt * 32, 16)]
                    r1 = rows_v[i, pl.ds(qt * 32 + 16, 16)]
                    plsc.addupdate(acc.at[row, pl.ds(0, 16)], r0 * pb)
                    plsc.addupdate(acc.at[row, pl.ds(16, 16)], r1 * pb)
                return 0

            lax.fori_loop(0, ECH // 16, sbody, 0)
            return 0

        lax.fori_loop(0, NCH, chbody, 0)

        pltpu.sync_copy(acc, feat_hbm.at[t, pl.ds(coff, N)])

        plsc.subcore_barrier()
        rsl = N // 16
        pltpu.sync_copy(dpart.at[:, pl.ds(t * rsl, rsl)], denr_v)

        def rbody(g, _):
            tot = jnp.zeros((16,), jnp.float32)
            for tt in range(16):
                tot = tot + denr_v[tt, pl.ds(g * 16, 16)]
            denr_v[0, pl.ds(g * 16, 16)] = tot
            return 0

        lax.fori_loop(0, rsl // 16, rbody, 0)
        pltpu.sync_copy(denr_v.at[0], den_hbm.at[pl.ds(coff + t * rsl, rsl)])

    return k


def _edge2_body(al2_ref, h2_ref, src_ref, dst_ref, agg_ref):
    i = pl.program_id(0)
    sv = src_ref[0]
    dv = dst_ref[0]
    iota = jax.lax.broadcasted_iota(jnp.int32, (ET, N), 1)
    S = (iota == sv).astype(jnp.float32)
    D = (iota == dv).astype(jnp.float32)

    als = al2_ref[0][:, 0:1]
    ald = al2_ref[0][:, 1:2]
    ase = jax.lax.dot_general(S, als, (((1,), (0,)), ((), ())),
                              preferred_element_type=jnp.float32)
    ade = jax.lax.dot_general(D, ald, (((1,), (0,)), ((), ())),
                              preferred_element_type=jnp.float32)
    p = jnp.exp(_leaky(ase + ade))
    hs = jax.lax.dot_general(S, h2_ref[0], (((1,), (0,)), ((), ())),
                             preferred_element_type=jnp.float32)
    V = jnp.concatenate(
        [p * hs, p, jnp.zeros((ET, 127), jnp.float32)], axis=1)

    @pl.when(i % NT == 0)
    def _():
        agg_ref[0] = jnp.zeros_like(agg_ref[0])

    agg_ref[0] += jax.lax.dot_general(D, V, (((0,), (0,)), ((), ())),
                                      preferred_element_type=jnp.float32)


def _pool_body(feat_ref, den_ref, h2_ref, al2_ref, b2_ref, wg_ref, bg_ref,
               v_ref):
    z = jnp.concatenate([feat_ref[t] for t in range(16)], axis=1)
    s = den_ref[:, 0:1]
    p_l = jnp.exp(_leaky(al2_ref[:, 0:1] + al2_ref[:, 1:2]))
    hout = _elu((z + p_l * h2_ref[...]) / (s + p_l) + b2_ref[...])
    g = jnp.max(hout.reshape(ET // 16, 16, C2), axis=1)
    v = jnp.dot(g, wg_ref[...], preferred_element_type=jnp.float32)
    v_ref[...] = jnp.maximum(v + bg_ref[...], 0.0)


def _head_body(v_ref, cell_ref,
               wr1_ref, br1_ref, wr2_ref, br2_ref, wr3_ref, br3_ref,
               wf1_ref, bf1_ref, wf2_ref, bf2_ref, wf3_ref, bf3_ref,
               wo_ref, bo_ref, out_ref):
    def l2norm(x):
        nrm = jnp.sqrt(jnp.sum(x * x, axis=1, keepdims=True))
        return x / jnp.maximum(nrm, 1e-12)

    def ff(x, w, b):
        return jnp.maximum(
            jnp.dot(x, w[...], preferred_element_type=jnp.float32) + b[...],
            0.0)

    c = l2norm(cell_ref[...])
    c = ff(c, wr1_ref, br1_ref)
    c = ff(c, wr2_ref, br2_ref)
    c = ff(c, wr3_ref, br3_ref)
    v = v_ref[...]
    xc = jnp.concatenate([v[:B], v[B:], c], axis=1)
    xc = l2norm(xc)
    xc = ff(xc, wf1_ref, bf1_ref)
    xc = ff(xc, wf2_ref, bf2_ref)
    xc = ff(xc, wf3_ref, bf3_ref)
    out_ref[...] = (jnp.dot(xc, wo_ref[...],
                            preferred_element_type=jnp.float32) + bo_ref[...])


def kernel(x1, edge_index1, batch1, x2, edge_index2, batch2, cell,
           W1, a1s, a1d, b1, W2, a2s, a2d, b2, Wg, bg,
           Wr1, br1, Wr2, br2, Wr3, br3,
           Wf1, bf1, Wf2, bf2, Wf3, bf3, Wo, bo):
    f32 = jnp.float32
    x_stack = jnp.concatenate([x1, x2], axis=0)
    x_pair = x_stack.reshape(2, N, D_IN)
    src3 = jnp.concatenate(
        [edge_index1[0], edge_index2[0]]).reshape(2 * NT, ET, 1)
    dst3 = jnp.concatenate(
        [edge_index1[1], edge_index2[1]]).reshape(2 * NT, ET, 1)

    als1, ald1 = pl.pallas_call(
        _logits1_body,
        out_shape=(jax.ShapeDtypeStruct((2 * N, H1), f32),
                   jax.ShapeDtypeStruct((2 * N, H1), f32)),
    )(x_stack, W1, a1s, a1d)
    als_p = als1.reshape(2, N, H1)
    ald_p = ald1.reshape(2, N, H1)

    num = pl.pallas_call(
        _edge1_body,
        grid=(2 * NT,),
        in_specs=[
            pl.BlockSpec((1, N, H1), lambda i: (i // NT, 0, 0)),
            pl.BlockSpec((1, N, H1), lambda i: (i // NT, 0, 0)),
            pl.BlockSpec((1, N, D_IN), lambda i: (i // NT, 0, 0)),
            pl.BlockSpec((1, ET, 1), lambda i: (i, 0, 0)),
            pl.BlockSpec((1, ET, 1), lambda i: (i, 0, 0)),
        ],
        out_specs=pl.BlockSpec((1, N, H1 * PH), lambda i: (i // NT, 0, 0)),
        out_shape=jax.ShapeDtypeStruct((2, N, H1 * PH), f32),
    )(als_p, ald_p, x_pair, src3, dst3)

    W2r = W2.reshape(H1, C1, C2)
    b1r = b1.reshape(H1, 1, C1)
    RT = 4
    RTS = 2 * N // RT
    _h_out = pl.pallas_call(
        _heads_body,
        grid=(RT, H1),
        in_specs=[
            pl.BlockSpec((1, RTS, PH), lambda nt, h: (nt // 2, nt % 2, h)),
            pl.BlockSpec((D_IN, C1), lambda nt, h: (0, h)),
            pl.BlockSpec((1, 1, C1), lambda nt, h: (h, 0, 0)),
            pl.BlockSpec((1, C1, C2), lambda nt, h: (h, 0, 0)),
            pl.BlockSpec((1, C2), lambda nt, h: (0, 0)),
            pl.BlockSpec((1, C2), lambda nt, h: (0, 0)),
        ],
        out_specs=(pl.BlockSpec((RTS, C2), lambda nt, h: (nt, 0)),
                   pl.BlockSpec((RTS, 16), lambda nt, h: (nt, 0))),
        out_shape=(jax.ShapeDtypeStruct((2 * N, C2), f32),
                   jax.ShapeDtypeStruct((2 * N, 16), f32)),
    )(num, W1, b1r, W2r, a2s, a2d)
    h2, al2 = _h_out

    al2s2 = al2[:, 0].reshape(2, N)
    al2d2 = al2[:, 1].reshape(2, N)
    src2 = jnp.stack([edge_index1[0], edge_index2[0]])
    dst2 = jnp.stack([edge_index1[1], edge_index2[1]])
    feat3, den = _make_sc_edge2()(
        al2s2, al2d2, h2.reshape(2 * N * 4, 128), src2, dst2)
    den2 = den.reshape(2 * N, 1)

    v = pl.pallas_call(
        _pool_body,
        grid=(2 * N // ET,),
        in_specs=[
            pl.BlockSpec((16, ET, FW), lambda i: (0, i, 0)),
            pl.BlockSpec((ET, 1), lambda i: (i, 0)),
            pl.BlockSpec((ET, C2), lambda i: (i, 0)),
            pl.BlockSpec((ET, 16), lambda i: (i, 0)),
            pl.BlockSpec((1, C2), lambda i: (0, 0)),
            pl.BlockSpec((C2, B), lambda i: (0, 0)),
            pl.BlockSpec((1, B), lambda i: (0, 0)),
        ],
        out_specs=pl.BlockSpec((ET // 16, B), lambda i: (i, 0)),
        out_shape=jax.ShapeDtypeStruct((2 * B, B), f32),
    )(feat3, den2, h2, al2, b2.reshape(1, C2), Wg, bg.reshape(1, B))

    out = pl.pallas_call(
        _head_body,
        out_shape=jax.ShapeDtypeStruct((B, 2), f32),
    )(v, cell,
      Wr1, br1.reshape(1, -1), Wr2, br2.reshape(1, -1),
      Wr3, br3.reshape(1, -1),
      Wf1, bf1.reshape(1, -1), Wf2, bf2.reshape(1, -1),
      Wf3, bf3.reshape(1, -1), Wo, bo.reshape(1, -1))
    return out

# --- scband reference (transcript-rebuilt; emitter-appended) ---
"""Pipeline reference for scband-gatnet-79783312490627 (READ-ONLY COPY).

The authoritative reference and input builder live on the scoring server;
editing this copy changes nothing except your own understanding.
"""

import jax, jax.numpy as jnp
import numpy as np

N = 2048
E = 4096
B = 128
D_IN = 78
D_XT = 954


def _dense(k, fi, fo):
    return jax.random.normal(k, (fi, fo), jnp.float32) / np.sqrt(fi)


def setup_inputs(seed: int = 0):
    key = jax.random.key(seed)
    ks = jax.random.split(key, 40)
    d = {}
    d["x1"] = jax.random.normal(ks[0], (N, D_IN), jnp.float32)
    d["edge_index1"] = jax.random.randint(ks[1], (2, E), 0, N, dtype=jnp.int32)
    d["batch1"] = jnp.repeat(jnp.arange(B, dtype=jnp.int32), N // B)
    d["x2"] = jax.random.normal(ks[2], (N, D_IN), jnp.float32)
    d["edge_index2"] = jax.random.randint(ks[3], (2, E), 0, N, dtype=jnp.int32)
    d["batch2"] = d["batch1"]
    d["cell"] = jax.random.normal(ks[4], (B, D_XT), jnp.float32)
    # GATConv(78, 1024, heads=10)
    d["W1"] = _dense(ks[5], D_IN, 10 * 1024)
    d["a1s"] = jax.random.normal(ks[6], (10, 1024), jnp.float32) / np.sqrt(1024)
    d["a1d"] = jax.random.normal(ks[7], (10, 1024), jnp.float32) / np.sqrt(1024)
    d["b1"] = jnp.zeros((10 * 1024,), jnp.float32)
    # GATConv(10240, 512, heads=1)
    d["W2"] = _dense(ks[8], 10 * 1024, 512)
    d["a2s"] = jax.random.normal(ks[9], (1, 512), jnp.float32) / np.sqrt(512)
    d["a2d"] = jax.random.normal(ks[10], (1, 512), jnp.float32) / np.sqrt(512)
    d["b2"] = jnp.zeros((512,), jnp.float32)
    # drug1_fc_g1
    d["Wg"] = _dense(ks[11], 512, 128)
    d["bg"] = jnp.zeros((128,), jnp.float32)
    # reduction MLP 954->2048->512->256
    d["Wr1"] = _dense(ks[12], D_XT, 2048); d["br1"] = jnp.zeros((2048,), jnp.float32)
    d["Wr2"] = _dense(ks[13], 2048, 512); d["br2"] = jnp.zeros((512,), jnp.float32)
    d["Wr3"] = _dense(ks[14], 512, 256); d["br3"] = jnp.zeros((256,), jnp.float32)
    # head MLP 512->1024->512->128->2
    d["Wf1"] = _dense(ks[15], 512, 1024); d["bf1"] = jnp.zeros((1024,), jnp.float32)
    d["Wf2"] = _dense(ks[16], 1024, 512); d["bf2"] = jnp.zeros((512,), jnp.float32)
    d["Wf3"] = _dense(ks[17], 512, 128); d["bf3"] = jnp.zeros((128,), jnp.float32)
    d["Wo"] = _dense(ks[18], 128, 2); d["bo"] = jnp.zeros((2,), jnp.float32)
    return d


def _gat(x, ei, W, a_s, a_d, b, heads, ch):
    n = x.shape[0]
    h = (x @ W).reshape(n, heads, ch)
    al_s = jnp.sum(h * a_s[None], axis=-1)  # [N, H]
    al_d = jnp.sum(h * a_d[None], axis=-1)
    loop = jnp.arange(n, dtype=ei.dtype)
    src = jnp.concatenate([ei[0], loop])
    dst = jnp.concatenate([ei[1], loop])
    e = jax.nn.leaky_relu(al_s[src] + al_d[dst], negative_slope=0.2)  # [Et, H]
    m = jax.ops.segment_max(e, dst, num_segments=n)
    p = jnp.exp(e - m[dst])
    s = jax.ops.segment_sum(p, dst, num_segments=n)
    alpha = p / (s[dst] + 1e-16)
    out = jax.ops.segment_sum(h[src] * alpha[:, :, None], dst, num_segments=n)
    return out.reshape(n, heads * ch) + b


def _l2norm(x, eps=1e-12):
    nrm = jnp.sqrt(jnp.sum(x * x, axis=1, keepdims=True))
    return x / jnp.maximum(nrm, eps)


def _branch(x, ei, batch, W1, a1s, a1d, b1, W2, a2s, a2d, b2, Wg, bg):
    h = _gat(x, ei, W1, a1s, a1d, b1, 10, 1024)
    h = jax.nn.elu(h)
    h = _gat(h, ei, W2, a2s, a2d, b2, 1, 512)
    h = jax.nn.elu(h)
    g = jax.ops.segment_max(h, batch, num_segments=B)  # global max pool
    return jax.nn.relu(g @ Wg + bg)


def _forward(x1, edge_index1, batch1, x2, edge_index2, batch2, cell,
             W1, a1s, a1d, b1, W2, a2s, a2d, b2, Wg, bg,
             Wr1, br1, Wr2, br2, Wr3, br3,
             Wf1, bf1, Wf2, bf2, Wf3, bf3, Wo, bo):
    v1 = _branch(x1, edge_index1, batch1, W1, a1s, a1d, b1, W2, a2s, a2d, b2, Wg, bg)
    v2 = _branch(x2, edge_index2, batch2, W1, a1s, a1d, b1, W2, a2s, a2d, b2, Wg, bg)
    c = _l2norm(cell)
    c = jax.nn.relu(c @ Wr1 + br1)
    c = jax.nn.relu(c @ Wr2 + br2)
    c = jax.nn.relu(c @ Wr3 + br3)
    xc = jnp.concatenate([v1, v2, c], axis=1)  # [B, 512]
    xc = _l2norm(xc)
    xc = jax.nn.relu(xc @ Wf1 + bf1)
    xc = jax.nn.relu(xc @ Wf2 + bf2)
    xc = jax.nn.relu(xc @ Wf3 + bf3)
    return xc @ Wo + bo


def reference(x1, edge_index1, batch1, x2, edge_index2, batch2, cell,
              W1, a1s, a1d, b1, W2, a2s, a2d, b2, Wg, bg,
              Wr1, br1, Wr2, br2, Wr3, br3,
              Wf1, bf1, Wf2, bf2, Wf3, bf3, Wo, bo):
    return _forward(x1, edge_index1, batch1, x2, edge_index2, batch2, cell,
                    W1, a1s, a1d, b1, W2, a2s, a2d, b2, Wg, bg,
                    Wr1, br1, Wr2, br2, Wr3, br3,
                    Wf1, bf1, Wf2, bf2, Wf3, bf3, Wo, bo)

if __name__ == "__main__":
    import jax
    _d = setup_inputs()
    print(jax.jit(kernel)(*tuple(_d.values())))

</pallas_src>

<mosaic_0001>
#map = affine_map<(d0, d1) -> (0, 0)>
#map1 = affine_map<(d0, d1) -> (0, 0, 0)>
#map2 = affine_map<(d0, d1) -> (0)>
module attributes {stable_mosaic.version = 14 : i64} {
  func.func @k(%arg0: i32, %arg1: i32, %arg2: memref<2x2048xf32, #tpu.memory_space<hbm>>, %arg3: memref<2x2048xf32, #tpu.memory_space<hbm>>, %arg4: memref<16384x128xf32, #tpu.memory_space<hbm>>, %arg5: memref<2x4096xi32, #tpu.memory_space<hbm>>, %arg6: memref<2x4096xi32, #tpu.memory_space<hbm>>, %arg7: memref<16x4096x32xf32, #tpu.memory_space<hbm>>, %arg8: memref<4096xf32, #tpu.memory_space<hbm>>, %arg9: memref<2048xf32, #tpu.memory_space<vmem>>, %arg10: memref<2048xf32, #tpu.memory_space<vmem>>, %arg11: memref<4096xi32, #tpu.memory_space<vmem>>, %arg12: memref<4096xi32, #tpu.memory_space<vmem>>, %arg13: memref<4096xf32, #tpu.memory_space<vmem>>, %arg14: memref<256x128xf32, #tpu.memory_space<vmem>>, %arg15: memref<2048x32xf32, #tpu.memory_space<vmem>>, %arg16: memref<2064xf32, #tpu.memory_space<vmem>>, %arg17: memref<16x128xf32, #tpu.memory_space<vmem>>, %arg18: memref<16x2048xf32, #tpu.memory_space<vmem_shared>>, %arg19: memref<!tpu.dma_semaphore, #tpu.memory_space<semaphore_mem>>) attributes {dimension_semantics = [#tpu.dimension_semantics<core_parallel>, #tpu.dimension_semantics<subcore_parallel>], iteration_bounds = array<i64: 2, 16>, scalar_prefetch = 0 : i64, scratch_operands = 11 : i64, tpu.core_type = #tpu.core_type<sc_vector_subcore>, window_params = [{transform_indices = #map}, {transform_indices = #map}, {transform_indices = #map}, {transform_indices = #map}, {transform_indices = #map}, {transform_indices = #map1}, {transform_indices = #map2}]} {
    %mul3A = arith.constant 2048 : i32
    %mul3A_0 = arith.muli %arg0, %mul3A : i32
    "tpu.region"() ({
      %run_scoped3A_89 = tpu.sem_alloc : memref<!tpu.dma_semaphore, #tpu.memory_space<semaphore_mem>>
      %dma_start3A = arith.constant 0 : i32
      %dma_start3A_90 = tpu.memref_slice %arg2[%arg0, %dma_start3A] : memref<2x2048xf32, #tpu.memory_space<hbm>> -> memref<1x2048xf32, #tpu.memory_space<hbm>>
      %dma_start3A_91 = tpu.memref_squeeze %dma_start3A_90 : memref<1x2048xf32, #tpu.memory_space<hbm>> -> memref<2048xf32, #tpu.memory_space<hbm>>
      %dma_start3A_92 = arith.constant 0 : i32
      %dma_start3A_93 = tpu.memref_slice %arg2[%arg0, %dma_start3A_92] : memref<2x2048xf32, #tpu.memory_space<hbm>> -> memref<1x2048xf32, #tpu.memory_space<hbm>>
      %dma_start3A_94 = tpu.memref_squeeze %dma_start3A_93 : memref<1x2048xf32, #tpu.memory_space<hbm>> -> memref<2048xf32, #tpu.memory_space<hbm>>
      tpu.enqueue_dma source(%dma_start3A_94 : memref<2048xf32, #tpu.memory_space<hbm>>) target(%arg9 : memref<2048xf32, #tpu.memory_space<vmem>>) target_semaphore(%run_scoped3A_89 : memref<!tpu.dma_semaphore, #tpu.memory_space<semaphore_mem>>)
      %dma_wait3A = arith.constant 0 : i32
      %dma_wait3A_95 = tpu.memref_slice %arg2[%arg0, %dma_wait3A] : memref<2x2048xf32, #tpu.memory_space<hbm>> -> memref<1x2048xf32, #tpu.memory_space<hbm>>
      %dma_wait3A_96 = tpu.memref_squeeze %dma_wait3A_95 : memref<1x2048xf32, #tpu.memory_space<hbm>> -> memref<2048xf32, #tpu.memory_space<hbm>>
      %dma_wait3A_97 = arith.constant 0 : i32
      %dma_wait3A_98 = tpu.memref_slice %arg2[%arg0, %dma_wait3A_97] : memref<2x2048xf32, #tpu.memory_space<hbm>> -> memref<1x2048xf32, #tpu.memory_space<hbm>>
      %dma_wait3A_99 = tpu.memref_squeeze %dma_wait3A_98 : memref<1x2048xf32, #tpu.memory_space<hbm>> -> memref<2048xf32, #tpu.memory_space<hbm>>
      tpu.wait_dma2 semaphore(%run_scoped3A_89 : memref<!tpu.dma_semaphore, #tpu.memory_space<semaphore_mem>>) src(%dma_wait3A_99 : memref<2048xf32, #tpu.memory_space<hbm>>) dst(%arg9 : memref<2048xf32, #tpu.memory_space<vmem>>)
      tpu.yield
    }) : () -> ()
    "tpu.region"() ({
      %run_scoped3A_89 = tpu.sem_alloc : memref<!tpu.dma_semaphore, #tpu.memory_space<semaphore_mem>>
      %dma_start3A = arith.constant 0 : i32
      %dma_start3A_90 = tpu.memref_slice %arg3[%arg0, %dma_start3A] : memref<2x2048xf32, #tpu.memory_space<hbm>> -> memref<1x2048xf32, #tpu.memory_space<hbm>>
      %dma_start3A_91 = tpu.memref_squeeze %dma_start3A_90 : memref<1x2048xf32, #tpu.memory_space<hbm>> -> memref<2048xf32, #tpu.memory_space<hbm>>
      %dma_start3A_92 = arith.constant 0 : i32
      %dma_start3A_93 = tpu.memref_slice %arg3[%arg0, %dma_start3A_92] : memref<2x2048xf32, #tpu.memory_space<hbm>> -> memref<1x2048xf32, #tpu.memory_space<hbm>>
      %dma_start3A_94 = tpu.memref_squeeze %dma_start3A_93 : memref<1x2048xf32, #tpu.memory_space<hbm>> -> memref<2048xf32, #tpu.memory_space<hbm>>
      tpu.enqueue_dma source(%dma_start3A_94 : memref<2048xf32, #tpu.memory_space<hbm>>) target(%arg10 : memref<2048xf32, #tpu.memory_space<vmem>>) target_semaphore(%run_scoped3A_89 : memref<!tpu.dma_semaphore, #tpu.memory_space<semaphore_mem>>)
      %dma_wait3A = arith.constant 0 : i32
      %dma_wait3A_95 = tpu.memref_slice %arg3[%arg0, %dma_wait3A] : memref<2x2048xf32, #tpu.memory_space<hbm>> -> memref<1x2048xf32, #tpu.memory_space<hbm>>
      %dma_wait3A_96 = tpu.memref_squeeze %dma_wait3A_95 : memref<1x2048xf32, #tpu.memory_space<hbm>> -> memref<2048xf32, #tpu.memory_space<hbm>>
      %dma_wait3A_97 = arith.constant 0 : i32
      %dma_wait3A_98 = tpu.memref_slice %arg3[%arg0, %dma_wait3A_97] : memref<2x2048xf32, #tpu.memory_space<hbm>> -> memref<1x2048xf32, #tpu.memory_space<hbm>>
      %dma_wait3A_99 = tpu.memref_squeeze %dma_wait3A_98 : memref<1x2048xf32, #tpu.memory_space<hbm>> -> memref<2048xf32, #tpu.memory_space<hbm>>
      tpu.wait_dma2 semaphore(%run_scoped3A_89 : memref<!tpu.dma_semaphore, #tpu.memory_space<semaphore_mem>>) src(%dma_wait3A_99 : memref<2048xf32, #tpu.memory_space<hbm>>) dst(%arg10 : memref<2048xf32, #tpu.memory_space<vmem>>)
      tpu.yield
    }) : () -> ()
    "tpu.region"() ({
      %run_scoped3A_89 = tpu.sem_alloc : memref<!tpu.dma_semaphore, #tpu.memory_space<semaphore_mem>>
      %dma_start3A = arith.constant 0 : i32
      %dma_start3A_90 = tpu.memref_slice %arg5[%arg0, %dma_start3A] : memref<2x4096xi32, #tpu.memory_space<hbm>> -> memref<1x4096xi32, #tpu.memory_space<hbm>>
      %dma_start3A_91 = tpu.memref_squeeze %dma_start3A_90 : memref<1x4096xi32, #tpu.memory_space<hbm>> -> memref<4096xi32, #tpu.memory_space<hbm>>
      %dma_start3A_92 = arith.constant 0 : i32
      %dma_start3A_93 = tpu.memref_slice %arg5[%arg0, %dma_start3A_92] : memref<2x4096xi32, #tpu.memory_space<hbm>> -> memref<1x4096xi32, #tpu.memory_space<hbm>>
      %dma_start3A_94 = tpu.memref_squeeze %dma_start3A_93 : memref<1x4096xi32, #tpu.memory_space<hbm>> -> memref<4096xi32, #tpu.memory_space<hbm>>
      tpu.enqueue_dma source(%dma_start3A_94 : memref<4096xi32, #tpu.memory_space<hbm>>) target(%arg11 : memref<4096xi32, #tpu.memory_space<vmem>>) target_semaphore(%run_scoped3A_89 : memref<!tpu.dma_semaphore, #tpu.memory_space<semaphore_mem>>)
      %dma_wait3A = arith.constant 0 : i32
      %dma_wait3A_95 = tpu.memref_slice %arg5[%arg0, %dma_wait3A] : memref<2x4096xi32, #tpu.memory_space<hbm>> -> memref<1x4096xi32, #tpu.memory_space<hbm>>
      %dma_wait3A_96 = tpu.memref_squeeze %dma_wait3A_95 : memref<1x4096xi32, #tpu.memory_space<hbm>> -> memref<4096xi32, #tpu.memory_space<hbm>>
      %dma_wait3A_97 = arith.constant 0 : i32
      %dma_wait3A_98 = tpu.memref_slice %arg5[%arg0, %dma_wait3A_97] : memref<2x4096xi32, #tpu.memory_space<hbm>> -> memref<1x4096xi32, #tpu.memory_space<hbm>>
      %dma_wait3A_99 = tpu.memref_squeeze %dma_wait3A_98 : memref<1x4096xi32, #tpu.memory_space<hbm>> -> memref<4096xi32, #tpu.memory_space<hbm>>
      tpu.wait_dma2 semaphore(%run_scoped3A_89 : memref<!tpu.dma_semaphore, #tpu.memory_space<semaphore_mem>>) src(%dma_wait3A_99 : memref<4096xi32, #tpu.memory_space<hbm>>) dst(%arg11 : memref<4096xi32, #tpu.memory_space<vmem>>)
      tpu.yield
    }) : () -> ()
    "tpu.region"() ({
      %run_scoped3A_89 = tpu.sem_alloc : memref<!tpu.dma_semaphore, #tpu.memory_space<semaphore_mem>>
      %dma_start3A = arith.constant 0 : i32
      %dma_start3A_90 = tpu.memref_slice %arg6[%arg0, %dma_start3A] : memref<2x4096xi32, #tpu.memory_space<hbm>> -> memref<1x4096xi32, #tpu.memory_space<hbm>>
      %dma_start3A_91 = tpu.memref_squeeze %dma_start3A_90 : memref<1x4096xi32, #tpu.memory_space<hbm>> -> memref<4096xi32, #tpu.memory_space<hbm>>
      %dma_start3A_92 = arith.constant 0 : i32
      %dma_start3A_93 = tpu.memref_slice %arg6[%arg0, %dma_start3A_92] : memref<2x4096xi32, #tpu.memory_space<hbm>> -> memref<1x4096xi32, #tpu.memory_space<hbm>>
      %dma_start3A_94 = tpu.memref_squeeze %dma_start3A_93 : memref<1x4096xi32, #tpu.memory_space<hbm>> -> memref<4096xi32, #tpu.memory_space<hbm>>
      tpu.enqueue_dma source(%dma_start3A_94 : memref<4096xi32, #tpu.memory_space<hbm>>) target(%arg12 : memref<4096xi32, #tpu.memory_space<vmem>>) target_semaphore(%run_scoped3A_89 : memref<!tpu.dma_semaphore, #tpu.memory_space<semaphore_mem>>)
      %dma_wait3A = arith.constant 0 : i32
      %dma_wait3A_95 = tpu.memref_slice %arg6[%arg0, %dma_wait3A] : memref<2x4096xi32, #tpu.memory_space<hbm>> -> memref<1x4096xi32, #tpu.memory_space<hbm>>
      %dma_wait3A_96 = tpu.memref_squeeze %dma_wait3A_95 : memref<1x4096xi32, #tpu.memory_space<hbm>> -> memref<4096xi32, #tpu.memory_space<hbm>>
      %dma_wait3A_97 = arith.constant 0 : i32
      %dma_wait3A_98 = tpu.memref_slice %arg6[%arg0, %dma_wait3A_97] : memref<2x4096xi32, #tpu.memory_space<hbm>> -> memref<1x4096xi32, #tpu.memory_space<hbm>>
      %dma_wait3A_99 = tpu.memref_squeeze %dma_wait3A_98 : memref<1x4096xi32, #tpu.memory_space<hbm>> -> memref<4096xi32, #tpu.memory_space<hbm>>
      tpu.wait_dma2 semaphore(%run_scoped3A_89 : memref<!tpu.dma_semaphore, #tpu.memory_space<semaphore_mem>>) src(%dma_wait3A_99 : memref<4096xi32, #tpu.memory_space<hbm>>) dst(%arg12 : memref<4096xi32, #tpu.memory_space<vmem>>)
      tpu.yield
    }) : () -> ()
    %scan3A = arith.constant 0 : i32
    %scan3A_1 = arith.constant 0 : i32
    %scan3A_2 = arith.constant 256 : i32
    %scan3A_3 = arith.addi %scan3A_1, %scan3A_2 : i32
    %scan3A_4 = arith.constant 1 : i32
    %scan3A_5 = scf.for %scan3A_89 = %scan3A_1 to %scan3A_3 step %scan3A_4 iter_args(%scan3A_90 = %scan3A) -> (i32)  : i32 {
      %mul3A_91 = arith.constant 16 : i32
      %mul3A_92 = arith.muli %scan3A_89, %mul3A_91 : i32
      %get3A = arith.index_cast %mul3A_92 : i32 to index
      %get3A_93 = tpu.vector_load %arg11[%get3A] {strides = array<i32>} : memref<4096xi32, #tpu.memory_space<vmem>>, vector<16xi32>,
      %mul3A_94 = arith.constant 16 : i32
      %mul3A_95 = arith.muli %scan3A_89, %mul3A_94 : i32
      %get3A_96 = arith.index_cast %mul3A_95 : i32 to index
      %get3A_97 = tpu.vector_load %arg12[%get3A_96] {strides = array<i32>} : memref<4096xi32, #tpu.memory_space<vmem>>, vector<16xi32>,
      %gather3A = tpu.vector_load_idx %arg9[%get3A_93] : memref<2048xf32, #tpu.memory_space<vmem>>[vector<16xi32>], vector<16xf32>,
      %gather3A_98 = tpu.vector_load_idx %arg10[%get3A_97] : memref<2048xf32, #tpu.memory_space<vmem>>[vector<16xi32>], vector<16xf32>,
      %add3A_99 = arith.addf %gather3A, %gather3A_98 : vector<16xf32>
      %ge3A = arith.constant 0.000000e+00 : f32
      %ge3A_100 = vector.broadcast %ge3A : f32 to vector<16xf32>
      %ge3A_101 = arith.cmpf oge, %add3A_99, %ge3A_100 : vector<16xf32>
      %mul3A_102 = arith.constant 2.000000e-01 : f32
      %mul3A_103 = vector.broadcast %mul3A_102 : f32 to vector<16xf32>
      %mul3A_104 = arith.mulf %mul3A_103, %add3A_99 : vector<16xf32>
      %select_n3A_105 = arith.select %ge3A_101, %add3A_99, %mul3A_104 : vector<16xi1>, vector<16xf32>
      %exp3A = math.exp %select_n3A_105 : vector<16xf32>
      %mul3A_106 = arith.constant 16 : i32
      %mul3A_107 = arith.muli %scan3A_89, %mul3A_106 : i32
      %swap3A = arith.index_cast %mul3A_107 : i32 to index
      %swap3A_108 = tpu.vector_load %arg13[%swap3A] {strides = array<i32>} : memref<4096xf32, #tpu.memory_space<vmem>>, vector<16xf32>,
      tpu.vector_store %arg13[%swap3A], %exp3A {strides = array<i32>} : memref<4096xf32, #tpu.memory_space<vmem>>, vector<16xf32>,
      %scan3A_109 = arith.constant 0 : i32
      scf.yield %scan3A_109 : i32
    }
    %scan3A_6 = arith.constant 256 : i32
    %iota3A = tpu.iota {dimensions = array<i32: 0>} : vector<16xi32>
    %eq3A = arith.constant 0 : i32
    %eq3A_7 = vector.broadcast %eq3A : i32 to vector<16xi32>
    %eq3A_8 = arith.cmpi eq, %iota3A, %eq3A_7 : vector<16xi32>
    %convert_element_type3A = arith.extui %eq3A_8 : vector<16xi1> to vector<16xi32>
    %convert_element_type3A_9 = arith.sitofp %convert_element_type3A : vector<16xi32> to vector<16xf32>
    %scan3A_10 = arith.constant 0 : i32
    %scan3A_11 = arith.constant 0 : i32
    %scan3A_12 = arith.constant 129 : i32
    %scan3A_13 = arith.addi %scan3A_11, %scan3A_12 : i32
    %scan3A_14 = arith.constant 1 : i32
    %scan3A_15 = scf.for %scan3A_89 = %scan3A_11 to %scan3A_13 step %scan3A_14 iter_args(%scan3A_90 = %scan3A_10) -> (i32)  : i32 {
      %broadcast_in_dim3A = arith.constant 0.000000e+00 : f32
      %broadcast_in_dim3A_91 = vector.broadcast %broadcast_in_dim3A : f32 to vector<16xf32>
      %mul3A_92 = arith.constant 16 : i32
      %mul3A_93 = arith.muli %scan3A_89, %mul3A_92 : i32
      %swap3A = arith.index_cast %mul3A_93 : i32 to index
      %swap3A_94 = tpu.vector_load %arg16[%swap3A] {strides = array<i32>} : memref<2064xf32, #tpu.memory_space<vmem>>, vector<16xf32>,
      tpu.vector_store %arg16[%swap3A], %broadcast_in_dim3A_91 {strides = array<i32>} : memref<2064xf32, #tpu.memory_space<vmem>>, vector<16xf32>,
      %scan3A_95 = arith.constant 0 : i32
      scf.yield %scan3A_95 : i32
    }
    %scan3A_16 = arith.constant 129 : i32
    %mul3A_17 = arith.constant 256 : i32
    %mul3A_18 = arith.muli %arg1, %mul3A_17 : i32
    %scan3A_19 = arith.constant 0 : i32
    %scan3A_20 = arith.constant 0 : i32
    %scan3A_21 = arith.constant 16 : i32
    %scan3A_22 = arith.addi %scan3A_20, %scan3A_21 : i32
    %scan3A_23 = arith.constant 1 : i32
    %scan3A_24 = scf.for %scan3A_89 = %scan3A_20 to %scan3A_22 step %scan3A_23 iter_args(%scan3A_90 = %scan3A_19) -> (i32)  : i32 {
      %mul3A_91 = arith.constant 16 : i32
      %mul3A_92 = arith.muli %scan3A_89, %mul3A_91 : i32
      %add3A_93 = arith.addi %mul3A_18, %mul3A_92 : i32
      %get3A = arith.index_cast %add3A_93 : i32 to index
      %get3A_94 = tpu.vector_load %arg12[%get3A] {strides = array<i32>} : memref<4096xi32, #tpu.memory_space<vmem>>, vector<16xi32>,
      %mul3A_95 = arith.constant 16 : i32
      %mul3A_96 = arith.muli %scan3A_89, %mul3A_95 : i32
      %add3A_97 = arith.addi %mul3A_18, %mul3A_96 : i32
      %get3A_98 = arith.index_cast %add3A_97 : i32 to index
      %get3A_99 = tpu.vector_load %arg13[%get3A_98] {strides = array<i32>} : memref<4096xf32, #tpu.memory_space<vmem>>, vector<16xf32>,
      %slice3A = vector.extract_strided_slice %get3A_94 {offsets = [0], sizes = [1], strides = [1]} : vector<16xi32> to vector<1xi32>
      %squeeze3A = vector.extract %slice3A[0] : i32 from vector<1xi32>
      %slice3A_100 = vector.extract_strided_slice %get3A_99 {offsets = [0], sizes = [1], strides = [1]} : vector<16xf32> to vector<1xf32>
      %squeeze3A_101 = vector.extract %slice3A_100[0] : f32 from vector<1xf32>
      %mul3A_102 = vector.broadcast %squeeze3A_101 : f32 to vector<16xf32>
      %mul3A_103 = arith.mulf %mul3A_102, %convert_element_type3A_9 : vector<16xf32>
      %swap3A = arith.index_cast %squeeze3A : i32 to index
      %swap3A_104 = tpu.vector_load %arg16[%swap3A] {strides = array<i32>} : memref<2064xf32, #tpu.memory_space<vmem>>, vector<16xf32>,
      tpu.vector_store %arg16[%swap3A], %mul3A_103 {add = true, strides = array<i32>} : memref<2064xf32, #tpu.memory_space<vmem>>, vector<16xf32>,
      %slice3A_105 = vector.extract_strided_slice %get3A_94 {offsets = [1], sizes = [1], strides = [1]} : vector<16xi32> to vector<1xi32>
      %squeeze3A_106 = vector.extract %slice3A_105[0] : i32 from vector<1xi32>
      %slice3A_107 = vector.extract_strided_slice %get3A_99 {offsets = [1], sizes = [1], strides = [1]} : vector<16xf32> to vector<1xf32>
      %squeeze3A_108 = vector.extract %slice3A_107[0] : f32 from vector<1xf32>
      %mul3A_109 = vector.broadcast %squeeze3A_108 : f32 to vector<16xf32>
      %mul3A_110 = arith.mulf %mul3A_109, %convert_element_type3A_9 : vector<16xf32>
      %swap3A_111 = arith.index_cast %squeeze3A_106 : i32 to index
      %swap3A_112 = tpu.vector_load %arg16[%swap3A_111] {strides = array<i32>} : memref<2064xf32, #tpu.memory_space<vmem>>, vector<16xf32>,
      tpu.vector_store %arg16[%swap3A_111], %mul3A_110 {add = true, strides = array<i32>} : memref<2064xf32, #tpu.memory_space<vmem>>, vector<16xf32>,
      %slice3A_113 = vector.extract_strided_slice %get3A_94 {offsets = [2], sizes = [1], strides = [1]} : vector<16xi32> to vector<1xi32>
      %squeeze3A_114 = vector.extract %slice3A_113[0] : i32 from vector<1xi32>
      %slice3A_115 = vector.extract_strided_slice %get3A_99 {offsets = [2], sizes = [1], strides = [1]} : vector<16xf32> to vector<1xf32>
      %squeeze3A_116 = vector.extract %slice3A_115[0] : f32 from vector<1xf32>
      %mul3A_117 = vector.broadcast %squeeze3A_116 : f32 to vector<16xf32>
      %mul3A_118 = arith.mulf %mul3A_117, %convert_element_type3A_9 : vector<16xf32>
      %swap3A_119 = arith.index_cast %squeeze3A_114 : i32 to index
      %swap3A_120 = tpu.vector_load %arg16[%swap3A_119] {strides = array<i32>} : memref<2064xf32, #tpu.memory_space<vmem>>, vector<16xf32>,
      tpu.vector_store %arg16[%swap3A_119], %mul3A_118 {add = true, strides = array<i32>} : memref<2064xf32, #tpu.memory_space<vmem>>, vector<16xf32>,
      %slice3A_121 = vector.extract_strided_slice %get3A_94 {offsets = [3], sizes = [1], strides = [1]} : vector<16xi32> to vector<1xi32>
      %squeeze3A_122 = vector.extract %slice3A_121[0] : i32 from vector<1xi32>
      %slice3A_123 = vector.extract_strided_slice %get3A_99 {offsets = [3], sizes = [1], strides = [1]} : vector<16xf32> to vector<1xf32>
      %squeeze3A_124 = vector.extract %slice3A_123[0] : f32 from vector<1xf32>
      %mul3A_125 = vector.broadcast %squeeze3A_124 : f32 to vector<16xf32>
      %mul3A_126 = arith.mulf %mul3A_125, %convert_element_type3A_9 : vector<16xf32>
      %swap3A_127 = arith.index_cast %squeeze3A_122 : i32 to index
      %swap3A_128 = tpu.vector_load %arg16[%swap3A_127] {strides = array<i32>} : memref<2064xf32, #tpu.memory_space<vmem>>, vector<16xf32>,
      tpu.vector_store %arg16[%swap3A_127], %mul3A_126 {add = true, strides = array<i32>} : memref<2064xf32, #tpu.memory_space<vmem>>, vector<16xf32>,
      %slice3A_129 = vector.extract_strided_slice %get3A_94 {offsets = [4], sizes = [1], strides = [1]} : vector<16xi32> to vector<1xi32>
      %squeeze3A_130 = vector.extract %slice3A_129[0] : i32 from vector<1xi32>
      %slice3A_131 = vector.extract_strided_slice %get3A_99 {offsets = [4], sizes = [1], strides = [1]} : vector<16xf32> to vector<1xf32>
      %squeeze3A_132 = vector.extract %slice3A_131[0] : f32 from vector<1xf32>
      %mul3A_133 = vector.broadcast %squeeze3A_132 : f32 to vector<16xf32>
      %mul3A_134 = arith.mulf %mul3A_133, %convert_element_type3A_9 : vector<16xf32>
      %swap3A_135 = arith.index_cast %squeeze3A_130 : i32 to index
      %swap3A_136 = tpu.vector_load %arg16[%swap3A_135] {strides = array<i32>} : memref<2064xf32, #tpu.memory_space<vmem>>, vector<16xf32>,
      tpu.vector_store %arg16[%swap3A_135], %mul3A_134 {add = true, strides = array<i32>} : memref<2064xf32, #tpu.memory_space<vmem>>, vector<16xf32>,
      %slice3A_137 = vector.extract_strided_slice %get3A_94 {offsets = [5], sizes = [1], strides = [1]} : vector<16xi32> to vector<1xi32>
      %squeeze3A_138 = vector.extract %slice3A_137[0] : i32 from vector<1xi32>
      %slice3A_139 = vector.extract_strided_slice %get3A_99 {offsets = [5], sizes = [1], strides = [1]} : vector<16xf32> to vector<1xf32>
      %squeeze3A_140 = vector.extract %slice3A_139[0] : f32 from vector<1xf32>
      %mul3A_141 = vector.broadcast %squeeze3A_140 : f32 to vector<16xf32>
      %mul3A_142 = arith.mulf %mul3A_141, %convert_element_type3A_9 : vector<16xf32>
      %swap3A_143 = arith.index_cast %squeeze3A_138 : i32 to index
      %swap3A_144 = tpu.vector_load %arg16[%swap3A_143] {strides = array<i32>} : memref<2064xf32, #tpu.memory_space<vmem>>, vector<16xf32>,
      tpu.vector_store %arg16[%swap3A_143], %mul3A_142 {add = true, strides = array<i32>} : memref<2064xf32, #tpu.memory_space<vmem>>, vector<16xf32>,
      %slice3A_145 = vector.extract_strided_slice %get3A_94 {offsets = [6], sizes = [1], strides = [1]} : vector<16xi32> to vector<1xi32>
      %squeeze3A_146 = vector.extract %slice3A_145[0] : i32 from vector<1xi32>
      %slice3A_147 = vector.extract_strided_slice %get3A_99 {offsets = [6], sizes = [1], strides = [1]} : vector<16xf32> to vector<1xf32>
      %squeeze3A_148 = vector.extract %slice3A_147[0] : f32 from vector<1xf32>
      %mul3A_149 = vector.broadcast %squeeze3A_148 : f32 to vector<16xf32>
      %mul3A_150 = arith.mulf %mul3A_149, %convert_element_type3A_9 : vector<16xf32>
      %swap3A_151 = arith.index_cast %squeeze3A_146 : i32 to index
      %swap3A_152 = tpu.vector_load %arg16[%swap3A_151] {strides = array<i32>} : memref<2064xf32, #tpu.memory_space<vmem>>, vector<16xf32>,
      tpu.vector_store %arg16[%swap3A_151], %mul3A_150 {add = true, strides = array<i32>} : memref<2064xf32, #tpu.memory_space<vmem>>, vector<16xf32>,
      %slice3A_153 = vector.extract_strided_slice %get3A_94 {offsets = [7], sizes = [1], strides = [1]} : vector<16xi32> to vector<1xi32>
      %squeeze3A_154 = vector.extract %slice3A_153[0] : i32 from vector<1xi32>
      %slice3A_155 = vector.extract_strided_slice %get3A_99 {offsets = [7], sizes = [1], strides = [1]} : vector<16xf32> to vector<1xf32>
      %squeeze3A_156 = vector.extract %slice3A_155[0] : f32 from vector<1xf32>
      %mul3A_157 = vector.broadcast %squeeze3A_156 : f32 to vector<16xf32>
      %mul3A_158 = arith.mulf %mul3A_157, %convert_element_type3A_9 : vector<16xf32>
      %swap3A_159 = arith.index_cast %squeeze3A_154 : i32 to index
      %swap3A_160 = tpu.vector_load %arg16[%swap3A_159] {strides = array<i32>} : memref<2064xf32, #tpu.memory_space<vmem>>, vector<16xf32>,
      tpu.vector_store %arg16[%swap3A_159], %mul3A_158 {add = true, strides = array<i32>} : memref<2064xf32, #tpu.memory_space<vmem>>, vector<16xf32>,
      %slice3A_161 = vector.extract_strided_slice %get3A_94 {offsets = [8], sizes = [1], strides = [1]} : vector<16xi32> to vector<1xi32>
      %squeeze3A_162 = vector.extract %slice3A_161[0] : i32 from vector<1xi32>
      %slice3A_163 = vector.extract_strided_slice %get3A_99 {offsets = [8], sizes = [1], strides = [1]} : vector<16xf32> to vector<1xf32>
      %squeeze3A_164 = vector.extract %slice3A_163[0] : f32 from vector<1xf32>
      %mul3A_165 = vector.broadcast %squeeze3A_164 : f32 to vector<16xf32>
      %mul3A_166 = arith.mulf %mul3A_165, %convert_element_type3A_9 : vector<16xf32>
      %swap3A_167 = arith.index_cast %squeeze3A_162 : i32 to index
      %swap3A_168 = tpu.vector_load %arg16[%swap3A_167] {strides = array<i32>} : memref<2064xf32, #tpu.memory_space<vmem>>, vector<16xf32>,
      tpu.vector_store %arg16[%swap3A_167], %mul3A_166 {add = true, strides = array<i32>} : memref<2064xf32, #tpu.memory_space<vmem>>, vector<16xf32>,
      %slice3A_169 = vector.extract_strided_slice %get3A_94 {offsets = [9], sizes = [1], strides = [1]} : vector<16xi32> to vector<1xi32>
      %squeeze3A_170 = vector.extract %slice3A_169[0] : i32 from vector<1xi32>
      %slice3A_171 = vector.extract_strided_slice %get3A_99 {offsets = [9], sizes = [1], strides = [1]} : vector<16xf32> to vector<1xf32>
      %squeeze3A_172 = vector.extract %slice3A_171[0] : f32 from vector<1xf32>
      %mul3A_173 = vector.broadcast %squeeze3A_172 : f32 to vector<16xf32>
      %mul3A_174 = arith.mulf %mul3A_173, %convert_element_type3A_9 : vector<16xf32>
      %swap3A_175 = arith.index_cast %squeeze3A_170 : i32 to index
      %swap3A_176 = tpu.vector_load %arg16[%swap3A_175] {strides = array<i32>} : memref<2064xf32, #tpu.memory_space<vmem>>, vector<16xf32>,
      tpu.vector_store %arg16[%swap3A_175], %mul3A_174 {add = true, strides = array<i32>} : memref<2064xf32, #tpu.memory_space<vmem>>, vector<16xf32>,
      %slice3A_177 = vector.extract_strided_slice %get3A_94 {offsets = [10], sizes = [1], strides = [1]} : vector<16xi32> to vector<1xi32>
      %squeeze3A_178 = vector.extract %slice3A_177[0] : i32 from vector<1xi32>
      %slice3A_179 = vector.extract_strided_slice %get3A_99 {offsets = [10], sizes = [1], strides = [1]} : vector<16xf32> to vector<1xf32>
      %squeeze3A_180 = vector.extract %slice3A_179[0] : f32 from vector<1xf32>
      %mul3A_181 = vector.broadcast %squeeze3A_180 : f32 to vector<16xf32>
      %mul3A_182 = arith.mulf %mul3A_181, %convert_element_type3A_9 : vector<16xf32>
      %swap3A_183 = arith.index_cast %squeeze3A_178 : i32 to index
      %swap3A_184 = tpu.vector_load %arg16[%swap3A_183] {strides = array<i32>} : memref<2064xf32, #tpu.memory_space<vmem>>, vector<16xf32>,
      tpu.vector_store %arg16[%swap3A_183], %mul3A_182 {add = true, strides = array<i32>} : memref<2064xf32, #tpu.memory_space<vmem>>, vector<16xf32>,
      %slice3A_185 = vector.extract_strided_slice %get3A_94 {offsets = [11], sizes = [1], strides = [1]} : vector<16xi32> to vector<1xi32>
      %squeeze3A_186 = vector.extract %slice3A_185[0] : i32 from vector<1xi32>
      %slice3A_187 = vector.extract_strided_slice %get3A_99 {offsets = [11], sizes = [1], strides = [1]} : vector<16xf32> to vector<1xf32>
      %squeeze3A_188 = vector.extract %slice3A_187[0] : f32 from vector<1xf32>
      %mul3A_189 = vector.broadcast %squeeze3A_188 : f32 to vector<16xf32>
      %mul3A_190 = arith.mulf %mul3A_189, %convert_element_type3A_9 : vector<16xf32>
      %swap3A_191 = arith.index_cast %squeeze3A_186 : i32 to index
      %swap3A_192 = tpu.vector_load %arg16[%swap3A_191] {strides = array<i32>} : memref<2064xf32, #tpu.memory_space<vmem>>, vector<16xf32>,
      tpu.vector_store %arg16[%swap3A_191], %mul3A_190 {add = true, strides = array<i32>} : memref<2064xf32, #tpu.memory_space<vmem>>, vector<16xf32>,
      %slice3A_193 = vector.extract_strided_slice %get3A_94 {offsets = [12], sizes = [1], strides = [1]} : vector<16xi32> to vector<1xi32>
      %squeeze3A_194 = vector.extract %slice3A_193[0] : i32 from vector<1xi32>
      %slice3A_195 = vector.extract_strided_slice %get3A_99 {offsets = [12], sizes = [1], strides = [1]} : vector<16xf32> to vector<1xf32>
      %squeeze3A_196 = vector.extract %slice3A_195[0] : f32 from vector<1xf32>
      %mul3A_197 = vector.broadcast %squeeze3A_196 : f32 to vector<16xf32>
      %mul3A_198 = arith.mulf %mul3A_197, %convert_element_type3A_9 : vector<16xf32>
      %swap3A_199 = arith.index_cast %squeeze3A_194 : i32 to index
      %swap3A_200 = tpu.vector_load %arg16[%swap3A_199] {strides = array<i32>} : memref<2064xf32, #tpu.memory_space<vmem>>, vector<16xf32>,
      tpu.vector_store %arg16[%swap3A_199], %mul3A_198 {add = true, strides = array<i32>} : memref<2064xf32, #tpu.memory_space<vmem>>, vector<16xf32>,
      %slice3A_201 = vector.extract_strided_slice %get3A_94 {offsets = [13], sizes = [1], strides = [1]} : vector<16xi32> to vector<1xi32>
      %squeeze3A_202 = vector.extract %slice3A_201[0] : i32 from vector<1xi32>
      %slice3A_203 = vector.extract_strided_slice %get3A_99 {offsets = [13], sizes = [1], strides = [1]} : vector<16xf32> to vector<1xf32>
      %squeeze3A_204 = vector.extract %slice3A_203[0] : f32 from vector<1xf32>
      %mul3A_205 = vector.broadcast %squeeze3A_204 : f32 to vector<16xf32>
      %mul3A_206 = arith.mulf %mul3A_205, %convert_element_type3A_9 : vector<16xf32>
      %swap3A_207 = arith.index_cast %squeeze3A_202 : i32 to index
      %swap3A_208 = tpu.vector_load %arg16[%swap3A_207] {strides = array<i32>} : memref<2064xf32, #tpu.memory_space<vmem>>, vector<16xf32>,
      tpu.vector_store %arg16[%swap3A_207], %mul3A_206 {add = true, strides = array<i32>} : memref<2064xf32, #tpu.memory_space<vmem>>, vector<16xf32>,
      %slice3A_209 = vector.extract_strided_slice %get3A_94 {offsets = [14], sizes = [1], strides = [1]} : vector<16xi32> to vector<1xi32>
      %squeeze3A_210 = vector.extract %slice3A_209[0] : i32 from vector<1xi32>
      %slice3A_211 = vector.extract_strided_slice %get3A_99 {offsets = [14], sizes = [1], strides = [1]} : vector<16xf32> to vector<1xf32>
      %squeeze3A_212 = vector.extract %slice3A_211[0] : f32 from vector<1xf32>
      %mul3A_213 = vector.broadcast %squeeze3A_212 : f32 to vector<16xf32>
      %mul3A_214 = arith.mulf %mul3A_213, %convert_element_type3A_9 : vector<16xf32>
      %swap3A_215 = arith.index_cast %squeeze3A_210 : i32 to index
      %swap3A_216 = tpu.vector_load %arg16[%swap3A_215] {strides = array<i32>} : memref<2064xf32, #tpu.memory_space<vmem>>, vector<16xf32>,
      tpu.vector_store %arg16[%swap3A_215], %mul3A_214 {add = true, strides = array<i32>} : memref<2064xf32, #tpu.memory_space<vmem>>, vector<16xf32>,
      %slice3A_217 = vector.extract_strided_slice %get3A_94 {offsets = [15], sizes = [1], strides = [1]} : vector<16xi32> to vector<1xi32>
      %squeeze3A_218 = vector.extract %slice3A_217[0] : i32 from vector<1xi32>
      %slice3A_219 = vector.extract_strided_slice %get3A_99 {offsets = [15], sizes = [1], strides = [1]} : vector<16xf32> to vector<1xf32>
      %squeeze3A_220 = vector.extract %slice3A_219[0] : f32 from vector<1xf32>
      %mul3A_221 = vector.broadcast %squeeze3A_220 : f32 to vector<16xf32>
      %mul3A_222 = arith.mulf %mul3A_221, %convert_element_type3A_9 : vector<16xf32>
      %swap3A_223 = arith.index_cast %squeeze3A_218 : i32 to index
      %swap3A_224 = tpu.vector_load %arg16[%swap3A_223] {strides = array<i32>} : memref<2064xf32, #tpu.memory_space<vmem>>, vector<16xf32>,
      tpu.vector_store %arg16[%swap3A_223], %mul3A_222 {add = true, strides = array<i32>} : memref<2064xf32, #tpu.memory_space<vmem>>, vector<16xf32>,
      %scan3A_225 = arith.constant 0 : i32
      scf.yield %scan3A_225 : i32
    }
    %scan3A_25 = arith.constant 16 : i32
    "tpu.region"() ({
      %run_scoped3A_89 = tpu.sem_alloc : memref<!tpu.dma_semaphore, #tpu.memory_space<semaphore_mem>>
      %dma_start3A = arith.constant 0 : i32
      %dma_start3A_90 = tpu.memref_slice %arg16[%dma_start3A] : memref<2064xf32, #tpu.memory_space<vmem>> -> memref<2048xf32, #tpu.memory_space<vmem>>
      %dma_start3A_91 = arith.constant 0 : i32
      %dma_start3A_92 = tpu.memref_slice %arg18[%arg1, %dma_start3A_91] : memref<16x2048xf32, #tpu.memory_space<vmem_shared>> -> memref<1x2048xf32, #tpu.memory_space<vmem_shared>>
      %dma_start3A_93 = tpu.memref_squeeze %dma_start3A_92 : memref<1x2048xf32, #tpu.memory_space<vmem_shared>> -> memref<2048xf32, #tpu.memory_space<vmem_shared>>
      %dma_start3A_94 = arith.constant 0 : i32
      %dma_start3A_95 = tpu.memref_slice %arg18[%arg1, %dma_start3A_94] : memref<16x2048xf32, #tpu.memory_space<vmem_shared>> -> memref<1x2048xf32, #tpu.memory_space<vmem_shared>>
      %dma_start3A_96 = tpu.memref_squeeze %dma_start3A_95 : memref<1x2048xf32, #tpu.memory_space<vmem_shared>> -> memref<2048xf32, #tpu.memory_space<vmem_shared>>
      %dma_start3A_97 = arith.constant 0 : i32
      %dma_start3A_98 = tpu.memref_slice %arg16[%dma_start3A_97] : memref<2064xf32, #tpu.memory_space<vmem>> -> memref<2048xf32, #tpu.memory_space<vmem>>
      tpu.enqueue_dma source(%dma_start3A_98 : memref<2048xf32, #tpu.memory_space<vmem>>) target(%dma_start3A_96 : memref<2048xf32, #tpu.memory_space<vmem_shared>>) target_semaphore(%run_scoped3A_89 : memref<!tpu.dma_semaphore, #tpu.memory_space<semaphore_mem>>)
      %dma_wait3A = arith.constant 0 : i32
      %dma_wait3A_99 = tpu.memref_slice %arg16[%dma_wait3A] : memref<2064xf32, #tpu.memory_space<vmem>> -> memref<2048xf32, #tpu.memory_space<vmem>>
      %dma_wait3A_100 = arith.constant 0 : i32
      %dma_wait3A_101 = tpu.memref_slice %arg18[%arg1, %dma_wait3A_100] : memref<16x2048xf32, #tpu.memory_space<vmem_shared>> -> memref<1x2048xf32, #tpu.memory_space<vmem_shared>>
      %dma_wait3A_102 = tpu.memref_squeeze %dma_wait3A_101 : memref<1x2048xf32, #tpu.memory_space<vmem_shared>> -> memref<2048xf32, #tpu.memory_space<vmem_shared>>
      %dma_wait3A_103 = arith.constant 0 : i32
      %dma_wait3A_104 = tpu.memref_slice %arg18[%arg1, %dma_wait3A_103] : memref<16x2048xf32, #tpu.memory_space<vmem_shared>> -> memref<1x2048xf32, #tpu.memory_space<vmem_shared>>
      %dma_wait3A_105 = tpu.memref_squeeze %dma_wait3A_104 : memref<1x2048xf32, #tpu.memory_space<vmem_shared>> -> memref<2048xf32, #tpu.memory_space<vmem_shared>>
      %dma_wait3A_106 = arith.constant 0 : i32
      %dma_wait3A_107 = tpu.memref_slice %arg16[%dma_wait3A_106] : memref<2064xf32, #tpu.memory_space<vmem>> -> memref<2048xf32, #tpu.memory_space<vmem>>
      tpu.wait_dma2 semaphore(%run_scoped3A_89 : memref<!tpu.dma_semaphore, #tpu.memory_space<semaphore_mem>>) src(%dma_wait3A_107 : memref<2048xf32, #tpu.memory_space<vmem>>) dst(%dma_wait3A_105 : memref<2048xf32, #tpu.memory_space<vmem_shared>>)
      tpu.yield
    }) : () -> ()
    %jit3A = arith.constant 4 : i32
    %div3A = arith.divsi %arg1, %jit3A : i32
    %sign3A = arith.constant 0 : i32
    %sign3A_26 = arith.cmpi sgt, %arg1, %sign3A : i32
    %sign3A_27 = arith.extui %sign3A_26 : i1 to i32
    %sign3A_28 = arith.constant 0 : i32
    %sign3A_29 = arith.cmpi slt, %arg1, %sign3A_28 : i32
    %sign3A_30 = arith.extui %sign3A_29 : i1 to i32
    %sign3A_31 = arith.subi %sign3A_27, %sign3A_30 : i32
    %sign3A_32 = arith.constant 0 : i32
    %sign3A_33 = arith.cmpi sgt, %jit3A, %sign3A_32 : i32
    %sign3A_34 = arith.extui %sign3A_33 : i1 to i32
    %sign3A_35 = arith.constant 0 : i32
    %sign3A_36 = arith.cmpi slt, %jit3A, %sign3A_35 : i32
    %sign3A_37 = arith.extui %sign3A_36 : i1 to i32
    %sign3A_38 = arith.subi %sign3A_34, %sign3A_37 : i32
    %ne3A = arith.cmpi ne, %sign3A_31, %sign3A_38 : i32
    %rem3A = arith.remsi %arg1, %jit3A : i32
    %ne3A_39 = arith.constant 0 : i32
    %ne3A_40 = arith.cmpi ne, %rem3A, %ne3A_39 : i32
    %and3A = arith.andi %ne3A, %ne3A_40 : i1
    %sub3A = arith.constant 1 : i32
    %sub3A_41 = arith.subi %div3A, %sub3A : i32
    %select_n3A = arith.select %and3A, %sub3A_41, %div3A : i32
    %jit3A_42 = arith.constant 4 : i32
    %eq3A_43 = arith.constant 0 : i32
    %eq3A_44 = arith.cmpi eq, %jit3A_42, %eq3A_43 : i32
    %jit3A_45 = arith.constant 1 : i32
    %select_n3A_46 = arith.select %eq3A_44, %jit3A_45, %jit3A_42 : i32
    %rem3A_47 = arith.remsi %arg1, %select_n3A_46 : i32
    %ne3A_48 = arith.constant 0 : i32
    %ne3A_49 = arith.cmpi ne, %rem3A_47, %ne3A_48 : i32
    %lt3A = arith.constant 0 : i32
    %lt3A_50 = arith.cmpi slt, %rem3A_47, %lt3A : i32
    %lt3A_51 = arith.constant 0 : i32
    %lt3A_52 = arith.cmpi slt, %select_n3A_46, %lt3A_51 : i32
    %ne3A_53 = arith.xori %lt3A_50, %lt3A_52 : i1
    %and3A_54 = arith.andi %ne3A_53, %ne3A_49 : i1
    %add3A = arith.addi %rem3A_47, %select_n3A_46 : i32
    %select_n3A_55 = arith.select %and3A_54, %add3A, %rem3A_47 : i32
    %scan3A_56 = arith.constant 0 : i32
    %scan3A_57 = arith.constant 0 : i32
    %scan3A_58 = arith.constant 256 : i32
    %scan3A_59 = arith.addi %scan3A_57, %scan3A_58 : i32
    %scan3A_60 = arith.constant 1 : i32
    %scan3A_61 = scf.for %scan3A_89 = %scan3A_57 to %scan3A_59 step %scan3A_60 iter_args(%scan3A_90 = %scan3A_56) -> (i32)  : i32 {
      %mul3A_91 = arith.constant 16 : i32
      %mul3A_92 = arith.muli %scan3A_89, %mul3A_91 : i32
      %get3A = arith.index_cast %mul3A_92 : i32 to index
      %get3A_93 = tpu.vector_load %arg11[%get3A] {strides = array<i32>} : memref<4096xi32, #tpu.memory_space<vmem>>, vector<16xi32>,
      %add3A_94 = vector.broadcast %mul3A_0 : i32 to vector<16xi32>
      %add3A_95 = arith.addi %get3A_93, %add3A_94 : vector<16xi32>
      %mul3A_96 = arith.constant 4 : i32
      %mul3A_97 = vector.broadcast %mul3A_96 : i32 to vector<16xi32>
      %mul3A_98 = arith.muli %add3A_95, %mul3A_97 : vector<16xi32>
      %add3A_99 = vector.broadcast %select_n3A : i32 to vector<16xi32>
      %add3A_100 = arith.addi %mul3A_98, %add3A_99 : vector<16xi32>
      %mul3A_101 = arith.constant 16 : i32
      %mul3A_102 = arith.muli %scan3A_89, %mul3A_101 : i32
      %swap3A = arith.index_cast %mul3A_102 : i32 to index
      %swap3A_103 = tpu.vector_load %arg11[%swap3A] {strides = array<i32>} : memref<4096xi32, #tpu.memory_space<vmem>>, vector<16xi32>,
      tpu.vector_store %arg11[%swap3A], %add3A_100 {strides = array<i32>} : memref<4096xi32, #tpu.memory_space<vmem>>, vector<16xi32>,
      %scan3A_104 = arith.constant 0 : i32
      scf.yield %scan3A_104 : i32
    }
    %scan3A_62 = arith.constant 256 : i32
    %scan3A_63 = arith.constant 0 : i32
    %scan3A_64 = arith.constant 0 : i32
    %scan3A_65 = arith.constant 4096 : i32
    %scan3A_66 = arith.addi %scan3A_64, %scan3A_65 : i32
    %scan3A_67 = arith.constant 1 : i32
    %scan3A_68 = scf.for %scan3A_89 = %scan3A_64 to %scan3A_66 step %scan3A_67 iter_args(%scan3A_90 = %scan3A_63) -> (i32)  : i32 {
      %broadcast_in_dim3A = arith.constant 0.000000e+00 : f32
      %broadcast_in_dim3A_91 = vector.broadcast %broadcast_in_dim3A : f32 to vector<16xf32>
      %jit3A_92 = arith.constant 2 : i32
      %div3A_93 = arith.divsi %scan3A_89, %jit3A_92 : i32
      %sign3A_94 = arith.constant 0 : i32
      %sign3A_95 = arith.cmpi sgt, %scan3A_89, %sign3A_94 : i32
      %sign3A_96 = arith.extui %sign3A_95 : i1 to i32
      %sign3A_97 = arith.constant 0 : i32
      %sign3A_98 = arith.cmpi slt, %scan3A_89, %sign3A_97 : i32
      %sign3A_99 = arith.extui %sign3A_98 : i1 to i32
      %sign3A_100 = arith.subi %sign3A_96, %sign3A_99 : i32
      %sign3A_101 = arith.constant 0 : i32
      %sign3A_102 = arith.cmpi sgt, %jit3A_92, %sign3A_101 : i32
      %sign3A_103 = arith.extui %sign3A_102 : i1 to i32
      %sign3A_104 = arith.constant 0 : i32
      %sign3A_105 = arith.cmpi slt, %jit3A_92, %sign3A_104 : i32
      %sign3A_106 = arith.extui %sign3A_105 : i1 to i32
      %sign3A_107 = arith.subi %sign3A_103, %sign3A_106 : i32
      %ne3A_108 = arith.cmpi ne, %sign3A_100, %sign3A_107 : i32
      %rem3A_109 = arith.remsi %scan3A_89, %jit3A_92 : i32
      %ne3A_110 = arith.constant 0 : i32
      %ne3A_111 = arith.cmpi ne, %rem3A_109, %ne3A_110 : i32
      %and3A_112 = arith.andi %ne3A_108, %ne3A_111 : i1
      %sub3A_113 = arith.constant 1 : i32
      %sub3A_114 = arith.subi %div3A_93, %sub3A_113 : i32
      %select_n3A_115 = arith.select %and3A_112, %sub3A_114, %div3A_93 : i32
      %jit3A_116 = arith.constant 2 : i32
      %eq3A_117 = arith.constant 0 : i32
      %eq3A_118 = arith.cmpi eq, %jit3A_116, %eq3A_117 : i32
      %jit3A_119 = arith.constant 1 : i32
      %select_n3A_120 = arith.select %eq3A_118, %jit3A_119, %jit3A_116 : i32
      %rem3A_121 = arith.remsi %scan3A_89, %select_n3A_120 : i32
      %ne3A_122 = arith.constant 0 : i32
      %ne3A_123 = arith.cmpi ne, %rem3A_121, %ne3A_122 : i32
      %lt3A_124 = arith.constant 0 : i32
      %lt3A_125 = arith.cmpi slt, %rem3A_121, %lt3A_124 : i32
      %lt3A_126 = arith.constant 0 : i32
      %lt3A_127 = arith.cmpi slt, %select_n3A_120, %lt3A_126 : i32
      %ne3A_128 = arith.xori %lt3A_125, %lt3A_127 : i1
      %and3A_129 = arith.andi %ne3A_128, %ne3A_123 : i1
      %add3A_130 = arith.addi %rem3A_121, %select_n3A_120 : i32
      %select_n3A_131 = arith.select %and3A_129, %add3A_130, %rem3A_121 : i32
      %mul3A_132 = arith.constant 16 : i32
      %mul3A_133 = arith.muli %select_n3A_131, %mul3A_132 : i32
      %swap3A = arith.index_cast %select_n3A_115 : i32 to index
      %swap3A_134 = arith.index_cast %mul3A_133 : i32 to index
      %swap3A_135 = tpu.vector_load %arg15[%swap3A, %swap3A_134] {strides = array<i32>} : memref<2048x32xf32, #tpu.memory_space<vmem>>, vector<16xf32>,
      tpu.vector_store %arg15[%swap3A, %swap3A_134], %broadcast_in_dim3A_91 {strides = array<i32>} : memref<2048x32xf32, #tpu.memory_space<vmem>>, vector<16xf32>,
      %scan3A_136 = arith.constant 0 : i32
      scf.yield %scan3A_136 : i32
    }
    %scan3A_69 = arith.constant 4096 : i32
    %scan3A_70 = arith.constant 0 : i32
    %scan3A_71 = arith.constant 0 : i32
    %scan3A_72 = arith.constant 16 : i32
    %scan3A_73 = arith.addi %scan3A_71, %scan3A_72 : i32
    %scan3A_74 = arith.constant 1 : i32
    %scan3A_75 = scf.for %scan3A_89 = %scan3A_71 to %scan3A_73 step %scan3A_74 iter_args(%scan3A_90 = %scan3A_70) -> (i32)  : i32 {
      %mul3A_91 = arith.constant 256 : i32
      %mul3A_92 = arith.muli %scan3A_89, %mul3A_91 : i32
      %dma_start3A = tpu.memref_slice %arg11[%mul3A_92] : memref<4096xi32, #tpu.memory_space<vmem>> -> memref<256xi32, #tpu.memory_space<vmem>>
      %dma_start3A_93 = arith.constant 0 : i32
      %dma_start3A_94 = arith.constant 0 : i32
      %dma_start3A_95 = tpu.memref_slice %arg4[%dma_start3A_93, %dma_start3A_94] : memref<16384x128xf32, #tpu.memory_space<hbm>> -> memref<16384x128xf32, #tpu.memory_space<hbm>>
      tpu.enqueue_indirect_dma source(%dma_start3A_95 : memref<16384x128xf32, #tpu.memory_space<hbm>>) target(%arg14 : memref<256x128xf32, #tpu.memory_space<vmem>>) offsets(%dma_start3A : memref<256xi32, #tpu.memory_space<vmem>>) semaphore(%arg19 : memref<!tpu.dma_semaphore, #tpu.memory_space<semaphore_mem>>)
      %dma_wait3A = tpu.memref_slice %arg11[%mul3A_92] : memref<4096xi32, #tpu.memory_space<vmem>> -> memref<256xi32, #tpu.memory_space<vmem>>
      %dma_wait3A_96 = arith.constant 0 : i32
      %dma_wait3A_97 = arith.constant 0 : i32
      %dma_wait3A_98 = tpu.memref_slice %arg4[%dma_wait3A_96, %dma_wait3A_97] : memref<16384x128xf32, #tpu.memory_space<hbm>> -> memref<16384x128xf32, #tpu.memory_space<hbm>>
      tpu.wait_indirect_dma semaphore(%arg19 : memref<!tpu.dma_semaphore, #tpu.memory_space<semaphore_mem>>) src(%dma_wait3A_98 : memref<16384x128xf32, #tpu.memory_space<hbm>>) dst(%arg14 : memref<256x128xf32, #tpu.memory_space<vmem>>)
      %scan3A_99 = arith.constant 0 : i32
      %scan3A_100 = arith.constant 0 : i32
      %scan3A_101 = arith.constant 16 : i32
      %scan3A_102 = arith.addi %scan3A_100, %scan3A_101 : i32
      %scan3A_103 = arith.constant 1 : i32
      %scan3A_104 = scf.for %scan3A_107 = %scan3A_100 to %scan3A_102 step %scan3A_103 iter_args(%scan3A_108 = %scan3A_99) -> (i32)  : i32 {
        %mul3A_109 = arith.constant 256 : i32
        %mul3A_110 = arith.muli %scan3A_89, %mul3A_109 : i32
        %mul3A_111 = arith.constant 16 : i32
        %mul3A_112 = arith.muli %scan3A_107, %mul3A_111 : i32
        %add3A_113 = arith.addi %mul3A_110, %mul3A_112 : i32
        %get3A = arith.index_cast %add3A_113 : i32 to index
        %get3A_114 = tpu.vector_load %arg12[%get3A] {strides = array<i32>} : memref<4096xi32, #tpu.memory_space<vmem>>, vector<16xi32>,
        %mul3A_115 = arith.constant 256 : i32
        %mul3A_116 = arith.muli %scan3A_89, %mul3A_115 : i32
        %mul3A_117 = arith.constant 16 : i32
        %mul3A_118 = arith.muli %scan3A_107, %mul3A_117 : i32
        %add3A_119 = arith.addi %mul3A_116, %mul3A_118 : i32
        %get3A_120 = arith.index_cast %add3A_119 : i32 to index
        %get3A_121 = tpu.vector_load %arg13[%get3A_120] {strides = array<i32>} : memref<4096xf32, #tpu.memory_space<vmem>>, vector<16xf32>,
        %mul3A_122 = arith.constant 16 : i32
        %mul3A_123 = arith.muli %scan3A_107, %mul3A_122 : i32
        %add3A_124 = arith.constant 0 : i32
        %add3A_125 = arith.addi %mul3A_123, %add3A_124 : i32
        %slice3A = vector.extract_strided_slice %get3A_114 {offsets = [0], sizes = [1], strides = [1]} : vector<16xi32> to vector<1xi32>
        %squeeze3A = vector.extract %slice3A[0] : i32 from vector<1xi32>
        %broadcast_in_dim3A = arith.constant 0.000000e+00 : f32
        %broadcast_in_dim3A_126 = vector.broadcast %broadcast_in_dim3A : f32 to vector<16xf32>
        %slice3A_127 = vector.extract_strided_slice %get3A_121 {offsets = [0], sizes = [1], strides = [1]} : vector<16xf32> to vector<1xf32>
        %squeeze3A_128 = vector.extract %slice3A_127[0] : f32 from vector<1xf32>
        %add3A_129 = vector.broadcast %squeeze3A_128 : f32 to vector<16xf32>
        %add3A_130 = arith.addf %broadcast_in_dim3A_126, %add3A_129 : vector<16xf32>
        %mul3A_131 = arith.constant 32 : i32
        %mul3A_132 = arith.muli %select_n3A_55, %mul3A_131 : i32
        %get3A_133 = arith.index_cast %add3A_125 : i32 to index
        %get3A_134 = arith.index_cast %mul3A_132 : i32 to index
        %get3A_135 = tpu.vector_load %arg14[%get3A_133, %get3A_134] {strides = array<i32>} : memref<256x128xf32, #tpu.memory_space<vmem>>, vector<16xf32>,
        %mul3A_136 = arith.constant 32 : i32
        %mul3A_137 = arith.muli %select_n3A_55, %mul3A_136 : i32
        %add3A_138 = arith.constant 16 : i32
        %add3A_139 = arith.addi %mul3A_137, %add3A_138 : i32
        %get3A_140 = arith.index_cast %add3A_125 : i32 to index
        %get3A_141 = arith.index_cast %add3A_139 : i32 to index
        %get3A_142 = tpu.vector_load %arg14[%get3A_140, %get3A_141] {strides = array<i32>} : memref<256x128xf32, #tpu.memory_space<vmem>>, vector<16xf32>,
        %mul3A_143 = arith.mulf %get3A_135, %add3A_130 : vector<16xf32>
        %swap3A = arith.index_cast %squeeze3A : i32 to index
        %swap3A_144 = arith.constant 0 : index
        %swap3A_145 = tpu.vector_load %arg15[%swap3A, %swap3A_144] {strides = array<i32>} : memref<2048x32xf32, #tpu.memory_space<vmem>>, vector<16xf32>,
        tpu.vector_store %arg15[%swap3A, %swap3A_144], %mul3A_143 {add = true, strides = array<i32>} : memref<2048x32xf32, #tpu.memory_space<vmem>>, vector<16xf32>,
        %mul3A_146 = arith.mulf %get3A_142, %add3A_130 : vector<16xf32>
        %swap3A_147 = arith.index_cast %squeeze3A : i32 to index
        %swap3A_148 = arith.constant 16 : index
        %swap3A_149 = tpu.vector_load %arg15[%swap3A_147, %swap3A_148] {strides = array<i32>} : memref<2048x32xf32, #tpu.memory_space<vmem>>, vector<16xf32>,
        tpu.vector_store %arg15[%swap3A_147, %swap3A_148], %mul3A_146 {add = true, strides = array<i32>} : memref<2048x32xf32, #tpu.memory_space<vmem>>, vector<16xf32>,
        %mul3A_150 = arith.constant 16 : i32
        %mul3A_151 = arith.muli %scan3A_107, %mul3A_150 : i32
        %add3A_152 = arith.constant 1 : i32
        %add3A_153 = arith.addi %mul3A_151, %add3A_152 : i32
        %slice3A_154 = vector.extract_strided_slice %get3A_114 {offsets = [1], sizes = [1], strides = [1]} : vector<16xi32> to vector<1xi32>
        %squeeze3A_155 = vector.extract %slice3A_154[0] : i32 from vector<1xi32>
        %broadcast_in_dim3A_156 = arith.constant 0.000000e+00 : f32
        %broadcast_in_dim3A_157 = vector.broadcast %broadcast_in_dim3A_156 : f32 to vector<16xf32>
        %slice3A_158 = vector.extract_strided_slice %get3A_121 {offsets = [1], sizes = [1], strides = [1]} : vector<16xf32> to vector<1xf32>
        %squeeze3A_159 = vector.extract %slice3A_158[0] : f32 from vector<1xf32>
        %add3A_160 = vector.broadcast %squeeze3A_159 : f32 to vector<16xf32>
        %add3A_161 = arith.addf %broadcast_in_dim3A_157, %add3A_160 : vector<16xf32>
        %mul3A_162 = arith.constant 32 : i32
        %mul3A_163 = arith.muli %select_n3A_55, %mul3A_162 : i32
        %get3A_164 = arith.index_cast %add3A_153 : i32 to index
        %get3A_165 = arith.index_cast %mul3A_163 : i32 to index
        %get3A_166 = tpu.vector_load %arg14[%get3A_164, %get3A_165] {strides = array<i32>} : memref<256x128xf32, #tpu.memory_space<vmem>>, vector<16xf32>,
        %mul3A_167 = arith.constant 32 : i32
        %mul3A_168 = arith.muli %select_n3A_55, %mul3A_167 : i32
        %add3A_169 = arith.constant 16 : i32
        %add3A_170 = arith.addi %mul3A_168, %add3A_169 : i32
        %get3A_171 = arith.index_cast %add3A_153 : i32 to index
        %get3A_172 = arith.index_cast %add3A_170 : i32 to index
        %get3A_173 = tpu.vector_load %arg14[%get3A_171, %get3A_172] {strides = array<i32>} : memref<256x128xf32, #tpu.memory_space<vmem>>, vector<16xf32>,
        %mul3A_174 = arith.mulf %get3A_166, %add3A_161 : vector<16xf32>
        %swap3A_175 = arith.index_cast %squeeze3A_155 : i32 to index
        %swap3A_176 = arith.constant 0 : index
        %swap3A_177 = tpu.vector_load %arg15[%swap3A_175, %swap3A_176] {strides = array<i32>} : memref<2048x32xf32, #tpu.memory_space<vmem>>, vector<16xf32>,
        tpu.vector_store %arg15[%swap3A_175, %swap3A_176], %mul3A_174 {add = true, strides = array<i32>} : memref<2048x32xf32, #tpu.memory_space<vmem>>, vector<16xf32>,
        %mul3A_178 = arith.mulf %get3A_173, %add3A_161 : vector<16xf32>
        %swap3A_179 = arith.index_cast %squeeze3A_155 : i32 to index
        %swap3A_180 = arith.constant 16 : index
        %swap3A_181 = tpu.vector_load %arg15[%swap3A_179, %swap3A_180] {strides = array<i32>} : memref<2048x32xf32, #tpu.memory_space<vmem>>, vector<16xf32>,
        tpu.vector_store %arg15[%swap3A_179, %swap3A_180], %mul3A_178 {add = true, strides = array<i32>} : memref<2048x32xf32, #tpu.memory_space<vmem>>, vector<16xf32>,
        %mul3A_182 = arith.constant 16 : i32
        %mul3A_183 = arith.muli %scan3A_107, %mul3A_182 : i32
        %add3A_184 = arith.constant 2 : i32
        %add3A_185 = arith.addi %mul3A_183, %add3A_184 : i32
        %slice3A_186 = vector.extract_strided_slice %get3A_114 {offsets = [2], sizes = [1], strides = [1]} : vector<16xi32> to vector<1xi32>
        %squeeze3A_187 = vector.extract %slice3A_186[0] : i32 from vector<1xi32>
        %broadcast_in_dim3A_188 = arith.constant 0.000000e+00 : f32
        %broadcast_in_dim3A_189 = vector.broadcast %broadcast_in_dim3A_188 : f32 to vector<16xf32>
        %slice3A_190 = vector.extract_strided_slice %get3A_121 {offsets = [2], sizes = [1], strides = [1]} : vector<16xf32> to vector<1xf32>
        %squeeze3A_191 = vector.extract %slice3A_190[0] : f32 from vector<1xf32>
        %add3A_192 = vector.broadcast %squeeze3A_191 : f32 to vector<16xf32>
        %add3A_193 = arith.addf %broadcast_in_dim3A_189, %add3A_192 : vector<16xf32>
        %mul3A_194 = arith.constant 32 : i32
        %mul3A_195 = arith.muli %select_n3A_55, %mul3A_194 : i32
        %get3A_196 = arith.index_cast %add3A_185 : i32 to index
        %get3A_197 = arith.index_cast %mul3A_195 : i32 to index
        %get3A_198 = tpu.vector_load %arg14[%get3A_196, %get3A_197] {strides = array<i32>} : memref<256x128xf32, #tpu.memory_space<vmem>>, vector<16xf32>,
        %mul3A_199 = arith.constant 32 : i32
        %mul3A_200 = arith.muli %select_n3A_55, %mul3A_199 : i32
        %add3A_201 = arith.constant 16 : i32
        %add3A_202 = arith.addi %mul3A_200, %add3A_201 : i32
        %get3A_203 = arith.index_cast %add3A_185 : i32 to index
        %get3A_204 = arith.index_cast %add3A_202 : i32 to index
        %get3A_205 = tpu.vector_load %arg14[%get3A_203, %get3A_204] {strides = array<i32>} : memref<256x128xf32, #tpu.memory_space<vmem>>, vector<16xf32>,
        %mul3A_206 = arith.mulf %get3A_198, %add3A_193 : vector<16xf32>
        %swap3A_207 = arith.index_cast %squeeze3A_187 : i32 to index
        %swap3A_208 = arith.constant 0 : index
        %swap3A_209 = tpu.vector_load %arg15[%swap3A_207, %swap3A_208] {strides = array<i32>} : memref<2048x32xf32, #tpu.memory_space<vmem>>, vector<16xf32>,
        tpu.vector_store %arg15[%swap3A_207, %swap3A_208], %mul3A_206 {add = true, strides = array<i32>} : memref<2048x32xf32, #tpu.memory_space<vmem>>, vector<16xf32>,
        %mul3A_210 = arith.mulf %get3A_205, %add3A_193 : vector<16xf32>
        %swap3A_211 = arith.index_cast %squeeze3A_187 : i32 to index
        %swap3A_212 = arith.constant 16 : index
        %swap3A_213 = tpu.vector_load %arg15[%swap3A_211, %swap3A_212] {strides = array<i32>} : memref<2048x32xf32, #tpu.memory_space<vmem>>, vector<16xf32>,
        tpu.vector_store %arg15[%swap3A_211, %swap3A_212], %mul3A_210 {add = true, strides = array<i32>} : memref<2048x32xf32, #tpu.memory_space<vmem>>, vector<16xf32>,
        %mul3A_214 = arith.constant 16 : i32
        %mul3A_215 = arith.muli %scan3A_107, %mul3A_214 : i32
        %add3A_216 = arith.constant 3 : i32
        %add3A_217 = arith.addi %mul3A_215, %add3A_216 : i32
        %slice3A_218 = vector.extract_strided_slice %get3A_114 {offsets = [3], sizes = [1], strides = [1]} : vector<16xi32> to vector<1xi32>
        %squeeze3A_219 = vector.extract %slice3A_218[0] : i32 from vector<1xi32>
        %broadcast_in_dim3A_220 = arith.constant 0.000000e+00 : f32
        %broadcast_in_dim3A_221 = vector.broadcast %broadcast_in_dim3A_220 : f32 to vector<16xf32>
        %slice3A_222 = vector.extract_strided_slice %get3A_121 {offsets = [3], sizes = [1], strides = [1]} : vector<16xf32> to vector<1xf32>
        %squeeze3A_223 = vector.extract %slice3A_222[0] : f32 from vector<1xf32>
        %add3A_224 = vector.broadcast %squeeze3A_223 : f32 to vector<16xf32>
        %add3A_225 = arith.addf %broadcast_in_dim3A_221, %add3A_224 : vector<16xf32>
        %mul3A_226 = arith.constant 32 : i32
        %mul3A_227 = arith.muli %select_n3A_55, %mul3A_226 : i32
        %get3A_228 = arith.index_cast %add3A_217 : i32 to index
        %get3A_229 = arith.index_cast %mul3A_227 : i32 to index
        %get3A_230 = tpu.vector_load %arg14[%get3A_228, %get3A_229] {strides = array<i32>} : memref<256x128xf32, #tpu.memory_space<vmem>>, vector<16xf32>,
        %mul3A_231 = arith.constant 32 : i32
        %mul3A_232 = arith.muli %select_n3A_55, %mul3A_231 : i32
        %add3A_233 = arith.constant 16 : i32
        %add3A_234 = arith.addi %mul3A_232, %add3A_233 : i32
        %get3A_235 = arith.index_cast %add3A_217 : i32 to index
        %get3A_236 = arith.index_cast %add3A_234 : i32 to index
        %get3A_237 = tpu.vector_load %arg14[%get3A_235, %get3A_236] {strides = array<i32>} : memref<256x128xf32, #tpu.memory_space<vmem>>, vector<16xf32>,
        %mul3A_238 = arith.mulf %get3A_230, %add3A_225 : vector<16xf32>
        %swap3A_239 = arith.index_cast %squeeze3A_219 : i32 to index
        %swap3A_240 = arith.constant 0 : index
        %swap3A_241 = tpu.vector_load %arg15[%swap3A_239, %swap3A_240] {strides = array<i32>} : memref<2048x32xf32, #tpu.memory_space<vmem>>, vector<16xf32>,
        tpu.vector_store %arg15[%swap3A_239, %swap3A_240], %mul3A_238 {add = true, strides = array<i32>} : memref<2048x32xf32, #tpu.memory_space<vmem>>, vector<16xf32>,
        %mul3A_242 = arith.mulf %get3A_237, %add3A_225 : vector<16xf32>
        %swap3A_243 = arith.index_cast %squeeze3A_219 : i32 to index
        %swap3A_244 = arith.constant 16 : index
        %swap3A_245 = tpu.vector_load %arg15[%swap3A_243, %swap3A_244] {strides = array<i32>} : memref<2048x32xf32, #tpu.memory_space<vmem>>, vector<16xf32>,
        tpu.vector_store %arg15[%swap3A_243, %swap3A_244], %mul3A_242 {add = true, strides = array<i32>} : memref<2048x32xf32, #tpu.memory_space<vmem>>, vector<16xf32>,
        %mul3A_246 = arith.constant 16 : i32
        %mul3A_247 = arith.muli %scan3A_107, %mul3A_246 : i32
        %add3A_248 = arith.constant 4 : i32
        %add3A_249 = arith.addi %mul3A_247, %add3A_248 : i32
        %slice3A_250 = vector.extract_strided_slice %get3A_114 {offsets = [4], sizes = [1], strides = [1]} : vector<16xi32> to vector<1xi32>
        %squeeze3A_251 = vector.extract %slice3A_250[0] : i32 from vector<1xi32>
        %broadcast_in_dim3A_252 = arith.constant 0.000000e+00 : f32
        %broadcast_in_dim3A_253 = vector.broadcast %broadcast_in_dim3A_252 : f32 to vector<16xf32>
        %slice3A_254 = vector.extract_strided_slice %get3A_121 {offsets = [4], sizes = [1], strides = [1]} : vector<16xf32> to vector<1xf32>
        %squeeze3A_255 = vector.extract %slice3A_254[0] : f32 from vector<1xf32>
        %add3A_256 = vector.broadcast %squeeze3A_255 : f32 to vector<16xf32>
        %add3A_257 = arith.addf %broadcast_in_dim3A_253, %add3A_256 : vector<16xf32>
        %mul3A_258 = arith.constant 32 : i32
        %mul3A_259 = arith.muli %select_n3A_55, %mul3A_258 : i32
        %get3A_260 = arith.index_cast %add3A_249 : i32 to index
        %get3A_261 = arith.index_cast %mul3A_259 : i32 to index
        %get3A_262 = tpu.vector_load %arg14[%get3A_260, %get3A_261] {strides = array<i32>} : memref<256x128xf32, #tpu.memory_space<vmem>>, vector<16xf32>,
        %mul3A_263 = arith.constant 32 : i32
        %mul3A_264 = arith.muli %select_n3A_55, %mul3A_263 : i32
        %add3A_265 = arith.constant 16 : i32
        %add3A_266 = arith.addi %mul3A_264, %add3A_265 : i32
        %get3A_267 = arith.index_cast %add3A_249 : i32 to index
        %get3A_268 = arith.index_cast %add3A_266 : i32 to index
        %get3A_269 = tpu.vector_load %arg14[%get3A_267, %get3A_268] {strides = array<i32>} : memref<256x128xf32, #tpu.memory_space<vmem>>, vector<16xf32>,
        %mul3A_270 = arith.mulf %get3A_262, %add3A_257 : vector<16xf32>
        %swap3A_271 = arith.index_cast %squeeze3A_251 : i32 to index
        %swap3A_272 = arith.constant 0 : index
        %swap3A_273 = tpu.vector_load %arg15[%swap3A_271, %swap3A_272] {strides = array<i32>} : memref<2048x32xf32, #tpu.memory_space<vmem>>, vector<16xf32>,
        tpu.vector_store %arg15[%swap3A_271, %swap3A_272], %mul3A_270 {add = true, strides = array<i32>} : memref<2048x32xf32, #tpu.memory_space<vmem>>, vector<16xf32>,
        %mul3A_274 = arith.mulf %get3A_269, %add3A_257 : vector<16xf32>
        %swap3A_275 = arith.index_cast %squeeze3A_251 : i32 to index
        %swap3A_276 = arith.constant 16 : index
        %swap3A_277 = tpu.vector_load %arg15[%swap3A_275, %swap3A_276] {strides = array<i32>} : memref<2048x32xf32, #tpu.memory_space<vmem>>, vector<16xf32>,
        tpu.vector_store %arg15[%swap3A_275, %swap3A_276], %mul3A_274 {add = true, strides = array<i32>} : memref<2048x32xf32, #tpu.memory_space<vmem>>, vector<16xf32>,
        %mul3A_278 = arith.constant 16 : i32
        %mul3A_279 = arith.muli %scan3A_107, %mul3A_278 : i32
        %add3A_280 = arith.constant 5 : i32
        %add3A_281 = arith.addi %mul3A_279, %add3A_280 : i32
        %slice3A_282 = vector.extract_strided_slice %get3A_114 {offsets = [5], sizes = [1], strides = [1]} : vector<16xi32> to vector<1xi32>
        %squeeze3A_283 = vector.extract %slice3A_282[0] : i32 from vector<1xi32>
        %broadcast_in_dim3A_284 = arith.constant 0.000000e+00 : f32
        %broadcast_in_dim3A_285 = vector.broadcast %broadcast_in_dim3A_284 : f32 to vector<16xf32>
        %slice3A_286 = vector.extract_strided_slice %get3A_121 {offsets = [5], sizes = [1], strides = [1]} : vector<16xf32> to vector<1xf32>
        %squeeze3A_287 = vector.extract %slice3A_286[0] : f32 from vector<1xf32>
        %add3A_288 = vector.broadcast %squeeze3A_287 : f32 to vector<16xf32>
        %add3A_289 = arith.addf %broadcast_in_dim3A_285, %add3A_288 : vector<16xf32>
        %mul3A_290 = arith.constant 32 : i32
        %mul3A_291 = arith.muli %select_n3A_55, %mul3A_290 : i32
        %get3A_292 = arith.index_cast %add3A_281 : i32 to index
        %get3A_293 = arith.index_cast %mul3A_291 : i32 to index
        %get3A_294 = tpu.vector_load %arg14[%get3A_292, %get3A_293] {strides = array<i32>} : memref<256x128xf32, #tpu.memory_space<vmem>>, vector<16xf32>,
        %mul3A_295 = arith.constant 32 : i32
        %mul3A_296 = arith.muli %select_n3A_55, %mul3A_295 : i32
        %add3A_297 = arith.constant 16 : i32
        %add3A_298 = arith.addi %mul3A_296, %add3A_297 : i32
        %get3A_299 = arith.index_cast %add3A_281 : i32 to index
        %get3A_300 = arith.index_cast %add3A_298 : i32 to index
        %get3A_301 = tpu.vector_load %arg14[%get3A_299, %get3A_300] {strides = array<i32>} : memref<256x128xf32, #tpu.memory_space<vmem>>, vector<16xf32>,
        %mul3A_302 = arith.mulf %get3A_294, %add3A_289 : vector<16xf32>
        %swap3A_303 = arith.index_cast %squeeze3A_283 : i32 to index
        %swap3A_304 = arith.constant 0 : index
        %swap3A_305 = tpu.vector_load %arg15[%swap3A_303, %swap3A_304] {strides = array<i32>} : memref<2048x32xf32, #tpu.memory_space<vmem>>, vector<16xf32>,
        tpu.vector_store %arg15[%swap3A_303, %swap3A_304], %mul3A_302 {add = true, strides = array<i32>} : memref<2048x32xf32, #tpu.memory_space<vmem>>, vector<16xf32>,
        %mul3A_306 = arith.mulf %get3A_301, %add3A_289 : vector<16xf32>
        %swap3A_307 = arith.index_cast %squeeze3A_283 : i32 to index
        %swap3A_308 = arith.constant 16 : index
        %swap3A_309 = tpu.vector_load %arg15[%swap3A_307, %swap3A_308] {strides = array<i32>} : memref<2048x32xf32, #tpu.memory_space<vmem>>, vector<16xf32>,
        tpu.vector_store %arg15[%swap3A_307, %swap3A_308], %mul3A_306 {add = true, strides = array<i32>} : memref<2048x32xf32, #tpu.memory_space<vmem>>, vector<16xf32>,
        %mul3A_310 = arith.constant 16 : i32
        %mul3A_311 = arith.muli %scan3A_107, %mul3A_310 : i32
        %add3A_312 = arith.constant 6 : i32
        %add3A_313 = arith.addi %mul3A_311, %add3A_312 : i32
        %slice3A_314 = vector.extract_strided_slice %get3A_114 {offsets = [6], sizes = [1], strides = [1]} : vector<16xi32> to vector<1xi32>
        %squeeze3A_315 = vector.extract %slice3A_314[0] : i32 from vector<1xi32>
        %broadcast_in_dim3A_316 = arith.constant 0.000000e+00 : f32
        %broadcast_in_dim3A_317 = vector.broadcast %broadcast_in_dim3A_316 : f32 to vector<16xf32>
        %slice3A_318 = vector.extract_strided_slice %get3A_121 {offsets = [6], sizes = [1], strides = [1]} : vector<16xf32> to vector<1xf32>
        %squeeze3A_319 = vector.extract %slice3A_318[0] : f32 from vector<1xf32>
        %add3A_320 = vector.broadcast %squeeze3A_319 : f32 to vector<16xf32>
        %add3A_321 = arith.addf %broadcast_in_dim3A_317, %add3A_320 : vector<16xf32>
        %mul3A_322 = arith.constant 32 : i32
        %mul3A_323 = arith.muli %select_n3A_55, %mul3A_322 : i32
        %get3A_324 = arith.index_cast %add3A_313 : i32 to index
        %get3A_325 = arith.index_cast %mul3A_323 : i32 to index
        %get3A_326 = tpu.vector_load %arg14[%get3A_324, %get3A_325] {strides = array<i32>} : memref<256x128xf32, #tpu.memory_space<vmem>>, vector<16xf32>,
        %mul3A_327 = arith.constant 32 : i32
        %mul3A_328 = arith.muli %select_n3A_55, %mul3A_327 : i32
        %add3A_329 = arith.constant 16 : i32
        %add3A_330 = arith.addi %mul3A_328, %add3A_329 : i32
        %get3A_331 = arith.index_cast %add3A_313 : i32 to index
        %get3A_332 = arith.index_cast %add3A_330 : i32 to index
        %get3A_333 = tpu.vector_load %arg14[%get3A_331, %get3A_332] {strides = array<i32>} : memref<256x128xf32, #tpu.memory_space<vmem>>, vector<16xf32>,
        %mul3A_334 = arith.mulf %get3A_326, %add3A_321 : vector<16xf32>
        %swap3A_335 = arith.index_cast %squeeze3A_315 : i32 to index
        %swap3A_336 = arith.constant 0 : index
        %swap3A_337 = tpu.vector_load %arg15[%swap3A_335, %swap3A_336] {strides = array<i32>} : memref<2048x32xf32, #tpu.memory_space<vmem>>, vector<16xf32>,
        tpu.vector_store %arg15[%swap3A_335, %swap3A_336], %mul3A_334 {add = true, strides = array<i32>} : memref<2048x32xf32, #tpu.memory_space<vmem>>, vector<16xf32>,
        %mul3A_338 = arith.mulf %get3A_333, %add3A_321 : vector<16xf32>
        %swap3A_339 = arith.index_cast %squeeze3A_315 : i32 to index
        %swap3A_340 = arith.constant 16 : index
        %swap3A_341 = tpu.vector_load %arg15[%swap3A_339, %swap3A_340] {strides = array<i32>} : memref<2048x32xf32, #tpu.memory_space<vmem>>, vector<16xf32>,
        tpu.vector_store %arg15[%swap3A_339, %swap3A_340], %mul3A_338 {add = true, strides = array<i32>} : memref<2048x32xf32, #tpu.memory_space<vmem>>, vector<16xf32>,
        %mul3A_342 = arith.constant 16 : i32
        %mul3A_343 = arith.muli %scan3A_107, %mul3A_342 : i32
        %add3A_344 = arith.constant 7 : i32
        %add3A_345 = arith.addi %mul3A_343, %add3A_344 : i32
        %slice3A_346 = vector.extract_strided_slice %get3A_114 {offsets = [7], sizes = [1], strides = [1]} : vector<16xi32> to vector<1xi32>
        %squeeze3A_347 = vector.extract %slice3A_346[0] : i32 from vector<1xi32>
        %broadcast_in_dim3A_348 = arith.constant 0.000000e+00 : f32
        %broadcast_in_dim3A_349 = vector.broadcast %broadcast_in_dim3A_348 : f32 to vector<16xf32>
        %slice3A_350 = vector.extract_strided_slice %get3A_121 {offsets = [7], sizes = [1], strides = [1]} : vector<16xf32> to vector<1xf32>
        %squeeze3A_351 = vector.extract %slice3A_350[0] : f32 from vector<1xf32>
        %add3A_352 = vector.broadcast %squeeze3A_351 : f32 to vector<16xf32>
        %add3A_353 = arith.addf %broadcast_in_dim3A_349, %add3A_352 : vector<16xf32>
        %mul3A_354 = arith.constant 32 : i32
        %mul3A_355 = arith.muli %select_n3A_55, %mul3A_354 : i32
        %get3A_356 = arith.index_cast %add3A_345 : i32 to index
        %get3A_357 = arith.index_cast %mul3A_355 : i32 to index
        %get3A_358 = tpu.vector_load %arg14[%get3A_356, %get3A_357] {strides = array<i32>} : memref<256x128xf32, #tpu.memory_space<vmem>>, vector<16xf32>,
        %mul3A_359 = arith.constant 32 : i32
        %mul3A_360 = arith.muli %select_n3A_55, %mul3A_359 : i32
        %add3A_361 = arith.constant 16 : i32
        %add3A_362 = arith.addi %mul3A_360, %add3A_361 : i32
        %get3A_363 = arith.index_cast %add3A_345 : i32 to index
        %get3A_364 = arith.index_cast %add3A_362 : i32 to index
        %get3A_365 = tpu.vector_load %arg14[%get3A_363, %get3A_364] {strides = array<i32>} : memref<256x128xf32, #tpu.memory_space<vmem>>, vector<16xf32>,
        %mul3A_366 = arith.mulf %get3A_358, %add3A_353 : vector<16xf32>
        %swap3A_367 = arith.index_cast %squeeze3A_347 : i32 to index
        %swap3A_368 = arith.constant 0 : index
        %swap3A_369 = tpu.vector_load %arg15[%swap3A_367, %swap3A_368] {strides = array<i32>} : memref<2048x32xf32, #tpu.memory_space<vmem>>, vector<16xf32>,
        tpu.vector_store %arg15[%swap3A_367, %swap3A_368], %mul3A_366 {add = true, strides = array<i32>} : memref<2048x32xf32, #tpu.memory_space<vmem>>, vector<16xf32>,
        %mul3A_370 = arith.mulf %get3A_365, %add3A_353 : vector<16xf32>
        %swap3A_371 = arith.index_cast %squeeze3A_347 : i32 to index
        %swap3A_372 = arith.constant 16 : index
        %swap3A_373 = tpu.vector_load %arg15[%swap3A_371, %swap3A_372] {strides = array<i32>} : memref<2048x32xf32, #tpu.memory_space<vmem>>, vector<16xf32>,
        tpu.vector_store %arg15[%swap3A_371, %swap3A_372], %mul3A_370 {add = true, strides = array<i32>} : memref<2048x32xf32, #tpu.memory_space<vmem>>, vector<16xf32>,
        %mul3A_374 = arith.constant 16 : i32
        %mul3A_375 = arith.muli %scan3A_107, %mul3A_374 : i32
        %add3A_376 = arith.constant 8 : i32
        %add3A_377 = arith.addi %mul3A_375, %add3A_376 : i32
        %slice3A_378 = vector.extract_strided_slice %get3A_114 {offsets = [8], sizes = [1], strides = [1]} : vector<16xi32> to vector<1xi32>
        %squeeze3A_379 = vector.extract %slice3A_378[0] : i32 from vector<1xi32>
        %broadcast_in_dim3A_380 = arith.constant 0.000000e+00 : f32
        %broadcast_in_dim3A_381 = vector.broadcast %broadcast_in_dim3A_380 : f32 to vector<16xf32>
        %slice3A_382 = vector.extract_strided_slice %get3A_121 {offsets = [8], sizes = [1], strides = [1]} : vector<16xf32> to vector<1xf32>
        %squeeze3A_383 = vector.extract %slice3A_382[0] : f32 from vector<1xf32>
        %add3A_384 = vector.broadcast %squeeze3A_383 : f32 to vector<16xf32>
        %add3A_385 = arith.addf %broadcast_in_dim3A_381, %add3A_384 : vector<16xf32>
        %mul3A_386 = arith.constant 32 : i32
        %mul3A_387 = arith.muli %select_n3A_55, %mul3A_386 : i32
        %get3A_388 = arith.index_cast %add3A_377 : i32 to index
        %get3A_389 = arith.index_cast %mul3A_387 : i32 to index
        %get3A_390 = tpu.vector_load %arg14[%get3A_388, %get3A_389] {strides = array<i32>} : memref<256x128xf32, #tpu.memory_space<vmem>>, vector<16xf32>,
        %mul3A_391 = arith.constant 32 : i32
        %mul3A_392 = arith.muli %select_n3A_55, %mul3A_391 : i32
        %add3A_393 = arith.constant 16 : i32
        %add3A_394 = arith.addi %mul3A_392, %add3A_393 : i32
        %get3A_395 = arith.index_cast %add3A_377 : i32 to index
        %get3A_396 = arith.index_cast %add3A_394 : i32 to index
        %get3A_397 = tpu.vector_load %arg14[%get3A_395, %get3A_396] {strides = array<i32>} : memref<256x128xf32, #tpu.memory_space<vmem>>, vector<16xf32>,
        %mul3A_398 = arith.mulf %get3A_390, %add3A_385 : vector<16xf32>
        %swap3A_399 = arith.index_cast %squeeze3A_379 : i32 to index
        %swap3A_400 = arith.constant 0 : index
        %swap3A_401 = tpu.vector_load %arg15[%swap3A_399, %swap3A_400] {strides = array<i32>} : memref<2048x32xf32, #tpu.memory_space<vmem>>, vector<16xf32>,
        tpu.vector_store %arg15[%swap3A_399, %swap3A_400], %mul3A_398 {add = true, strides = array<i32>} : memref<2048x32xf32, #tpu.memory_space<vmem>>, vector<16xf32>,
        %mul3A_402 = arith.mulf %get3A_397, %add3A_385 : vector<16xf32>
        %swap3A_403 = arith.index_cast %squeeze3A_379 : i32 to index
        %swap3A_404 = arith.constant 16 : index
        %swap3A_405 = tpu.vector_load %arg15[%swap3A_403, %swap3A_404] {strides = array<i32>} : memref<2048x32xf32, #tpu.memory_space<vmem>>, vector<16xf32>,
        tpu.vector_store %arg15[%swap3A_403, %swap3A_404], %mul3A_402 {add = true, strides = array<i32>} : memref<2048x32xf32, #tpu.memory_space<vmem>>, vector<16xf32>,
        %mul3A_406 = arith.constant 16 : i32
        %mul3A_407 = arith.muli %scan3A_107, %mul3A_406 : i32
        %add3A_408 = arith.constant 9 : i32
        %add3A_409 = arith.addi %mul3A_407, %add3A_408 : i32
        %slice3A_410 = vector.extract_strided_slice %get3A_114 {offsets = [9], sizes = [1], strides = [1]} : vector<16xi32> to vector<1xi32>
        %squeeze3A_411 = vector.extract %slice3A_410[0] : i32 from vector<1xi32>
        %broadcast_in_dim3A_412 = arith.constant 0.000000e+00 : f32
        %broadcast_in_dim3A_413 = vector.broadcast %broadcast_in_dim3A_412 : f32 to vector<16xf32>
        %slice3A_414 = vector.extract_strided_slice %get3A_121 {offsets = [9], sizes = [1], strides = [1]} : vector<16xf32> to vector<1xf32>
        %squeeze3A_415 = vector.extract %slice3A_414[0] : f32 from vector<1xf32>
        %add3A_416 = vector.broadcast %squeeze3A_415 : f32 to vector<16xf32>
        %add3A_417 = arith.addf %broadcast_in_dim3A_413, %add3A_416 : vector<16xf32>
        %mul3A_418 = arith.constant 32 : i32
        %mul3A_419 = arith.muli %select_n3A_55, %mul3A_418 : i32
        %get3A_420 = arith.index_cast %add3A_409 : i32 to index
        %get3A_421 = arith.index_cast %mul3A_419 : i32 to index
        %get3A_422 = tpu.vector_load %arg14[%get3A_420, %get3A_421] {strides = array<i32>} : memref<256x128xf32, #tpu.memory_space<vmem>>, vector<16xf32>,
        %mul3A_423 = arith.constant 32 : i32
        %mul3A_424 = arith.muli %select_n3A_55, %mul3A_423 : i32
        %add3A_425 = arith.constant 16 : i32
        %add3A_426 = arith.addi %mul3A_424, %add3A_425 : i32
        %get3A_427 = arith.index_cast %add3A_409 : i32 to index
        %get3A_428 = arith.index_cast %add3A_426 : i32 to index
        %get3A_429 = tpu.vector_load %arg14[%get3A_427, %get3A_428] {strides = array<i32>} : memref<256x128xf32, #tpu.memory_space<vmem>>, vector<16xf32>,
        %mul3A_430 = arith.mulf %get3A_422, %add3A_417 : vector<16xf32>
        %swap3A_431 = arith.index_cast %squeeze3A_411 : i32 to index
        %swap3A_432 = arith.constant 0 : index
        %swap3A_433 = tpu.vector_load %arg15[%swap3A_431, %swap3A_432] {strides = array<i32>} : memref<2048x32xf32, #tpu.memory_space<vmem>>, vector<16xf32>,
        tpu.vector_store %arg15[%swap3A_431, %swap3A_432], %mul3A_430 {add = true, strides = array<i32>} : memref<2048x32xf32, #tpu.memory_space<vmem>>, vector<16xf32>,
        %mul3A_434 = arith.mulf %get3A_429, %add3A_417 : vector<16xf32>
        %swap3A_435 = arith.index_cast %squeeze3A_411 : i32 to index
        %swap3A_436 = arith.constant 16 : index
        %swap3A_437 = tpu.vector_load %arg15[%swap3A_435, %swap3A_436] {strides = array<i32>} : memref<2048x32xf32, #tpu.memory_space<vmem>>, vector<16xf32>,
        tpu.vector_store %arg15[%swap3A_435, %swap3A_436], %mul3A_434 {add = true, strides = array<i32>} : memref<2048x32xf32, #tpu.memory_space<vmem>>, vector<16xf32>,
        %mul3A_438 = arith.constant 16 : i32
        %mul3A_439 = arith.muli %scan3A_107, %mul3A_438 : i32
        %add3A_440 = arith.constant 10 : i32
        %add3A_441 = arith.addi %mul3A_439, %add3A_440 : i32
        %slice3A_442 = vector.extract_strided_slice %get3A_114 {offsets = [10], sizes = [1], strides = [1]} : vector<16xi32> to vector<1xi32>
        %squeeze3A_443 = vector.extract %slice3A_442[0] : i32 from vector<1xi32>
        %broadcast_in_dim3A_444 = arith.constant 0.000000e+00 : f32
        %broadcast_in_dim3A_445 = vector.broadcast %broadcast_in_dim3A_444 : f32 to vector<16xf32>
        %slice3A_446 = vector.extract_strided_slice %get3A_121 {offsets = [10], sizes = [1], strides = [1]} : vector<16xf32> to vector<1xf32>
        %squeeze3A_447 = vector.extract %slice3A_446[0] : f32 from vector<1xf32>
        %add3A_448 = vector.broadcast %squeeze3A_447 : f32 to vector<16xf32>
        %add3A_449 = arith.addf %broadcast_in_dim3A_445, %add3A_448 : vector<16xf32>
        %mul3A_450 = arith.constant 32 : i32
        %mul3A_451 = arith.muli %select_n3A_55, %mul3A_450 : i32
        %get3A_452 = arith.index_cast %add3A_441 : i32 to index
        %get3A_453 = arith.index_cast %mul3A_451 : i32 to index
        %get3A_454 = tpu.vector_load %arg14[%get3A_452, %get3A_453] {strides = array<i32>} : memref<256x128xf32, #tpu.memory_space<vmem>>, vector<16xf32>,
        %mul3A_455 = arith.constant 32 : i32
        %mul3A_456 = arith.muli %select_n3A_55, %mul3A_455 : i32
        %add3A_457 = arith.constant 16 : i32
        %add3A_458 = arith.addi %mul3A_456, %add3A_457 : i32
        %get3A_459 = arith.index_cast %add3A_441 : i32 to index
        %get3A_460 = arith.index_cast %add3A_458 : i32 to index
        %get3A_461 = tpu.vector_load %arg14[%get3A_459, %get3A_460] {strides = array<i32>} : memref<256x128xf32, #tpu.memory_space<vmem>>, vector<16xf32>,
        %mul3A_462 = arith.mulf %get3A_454, %add3A_449 : vector<16xf32>
        %swap3A_463 = arith.index_cast %squeeze3A_443 : i32 to index
        %swap3A_464 = arith.constant 0 : index
        %swap3A_465 = tpu.vector_load %arg15[%swap3A_463, %swap3A_464] {strides = array<i32>} : memref<2048x32xf32, #tpu.memory_space<vmem>>, vector<16xf32>,
        tpu.vector_store %arg15[%swap3A_463, %swap3A_464], %mul3A_462 {add = true, strides = array<i32>} : memref<2048x32xf32, #tpu.memory_space<vmem>>, vector<16xf32>,
        %mul3A_466 = arith.mulf %get3A_461, %add3A_449 : vector<16xf32>
        %swap3A_467 = arith.index_cast %squeeze3A_443 : i32 to index
        %swap3A_468 = arith.constant 16 : index
        %swap3A_469 = tpu.vector_load %arg15[%swap3A_467, %swap3A_468] {strides = array<i32>} : memref<2048x32xf32, #tpu.memory_space<vmem>>, vector<16xf32>,
        tpu.vector_store %arg15[%swap3A_467, %swap3A_468], %mul3A_466 {add = true, strides = array<i32>} : memref<2048x32xf32, #tpu.memory_space<vmem>>, vector<16xf32>,
        %mul3A_470 = arith.constant 16 : i32
        %mul3A_471 = arith.muli %scan3A_107, %mul3A_470 : i32
        %add3A_472 = arith.constant 11 : i32
        %add3A_473 = arith.addi %mul3A_471, %add3A_472 : i32
        %slice3A_474 = vector.extract_strided_slice %get3A_114 {offsets = [11], sizes = [1], strides = [1]} : vector<16xi32> to vector<1xi32>
        %squeeze3A_475 = vector.extract %slice3A_474[0] : i32 from vector<1xi32>
        %broadcast_in_dim3A_476 = arith.constant 0.000000e+00 : f32
        %broadcast_in_dim3A_477 = vector.broadcast %broadcast_in_dim3A_476 : f32 to vector<16xf32>
        %slice3A_478 = vector.extract_strided_slice %get3A_121 {offsets = [11], sizes = [1], strides = [1]} : vector<16xf32> to vector<1xf32>
        %squeeze3A_479 = vector.extract %slice3A_478[0] : f32 from vector<1xf32>
        %add3A_480 = vector.broadcast %squeeze3A_479 : f32 to vector<16xf32>
        %add3A_481 = arith.addf %broadcast_in_dim3A_477, %add3A_480 : vector<16xf32>
        %mul3A_482 = arith.constant 32 : i32
        %mul3A_483 = arith.muli %select_n3A_55, %mul3A_482 : i32
        %get3A_484 = arith.index_cast %add3A_473 : i32 to index
        %get3A_485 = arith.index_cast %mul3A_483 : i32 to index
        %get3A_486 = tpu.vector_load %arg14[%get3A_484, %get3A_485] {strides = array<i32>} : memref<256x128xf32, #tpu.memory_space<vmem>>, vector<16xf32>,
        %mul3A_487 = arith.constant 32 : i32
        %mul3A_488 = arith.muli %select_n3A_55, %mul3A_487 : i32
        %add3A_489 = arith.constant 16 : i32
        %add3A_490 = arith.addi %mul3A_488, %add3A_489 : i32
        %get3A_491 = arith.index_cast %add3A_473 : i32 to index
        %get3A_492 = arith.index_cast %add3A_490 : i32 to index
        %get3A_493 = tpu.vector_load %arg14[%get3A_491, %get3A_492] {strides = array<i32>} : memref<256x128xf32, #tpu.memory_space<vmem>>, vector<16xf32>,
        %mul3A_494 = arith.mulf %get3A_486, %add3A_481 : vector<16xf32>
        %swap3A_495 = arith.index_cast %squeeze3A_475 : i32 to index
        %swap3A_496 = arith.constant 0 : index
        %swap3A_497 = tpu.vector_load %arg15[%swap3A_495, %swap3A_496] {strides = array<i32>} : memref<2048x32xf32, #tpu.memory_space<vmem>>, vector<16xf32>,
        tpu.vector_store %arg15[%swap3A_495, %swap3A_496], %mul3A_494 {add = true, strides = array<i32>} : memref<2048x32xf32, #tpu.memory_space<vmem>>, vector<16xf32>,
        %mul3A_498 = arith.mulf %get3A_493, %add3A_481 : vector<16xf32>
        %swap3A_499 = arith.index_cast %squeeze3A_475 : i32 to index
        %swap3A_500 = arith.constant 16 : index
        %swap3A_501 = tpu.vector_load %arg15[%swap3A_499, %swap3A_500] {strides = array<i32>} : memref<2048x32xf32, #tpu.memory_space<vmem>>, vector<16xf32>,
        tpu.vector_store %arg15[%swap3A_499, %swap3A_500], %mul3A_498 {add = true, strides = array<i32>} : memref<2048x32xf32, #tpu.memory_space<vmem>>, vector<16xf32>,
        %mul3A_502 = arith.constant 16 : i32
        %mul3A_503 = arith.muli %scan3A_107, %mul3A_502 : i32
        %add3A_504 = arith.constant 12 : i32
        %add3A_505 = arith.addi %mul3A_503, %add3A_504 : i32
        %slice3A_506 = vector.extract_strided_slice %get3A_114 {offsets = [12], sizes = [1], strides = [1]} : vector<16xi32> to vector<1xi32>
        %squeeze3A_507 = vector.extract %slice3A_506[0] : i32 from vector<1xi32>
        %broadcast_in_dim3A_508 = arith.constant 0.000000e+00 : f32
        %broadcast_in_dim3A_509 = vector.broadcast %broadcast_in_dim3A_508 : f32 to vector<16xf32>
        %slice3A_510 = vector.extract_strided_slice %get3A_121 {offsets = [12], sizes = [1], strides = [1]} : vector<16xf32> to vector<1xf32>
        %squeeze3A_511 = vector.extract %slice3A_510[0] : f32 from vector<1xf32>
        %add3A_512 = vector.broadcast %squeeze3A_511 : f32 to vector<16xf32>
        %add3A_513 = arith.addf %broadcast_in_dim3A_509, %add3A_512 : vector<16xf32>
        %mul3A_514 = arith.constant 32 : i32
        %mul3A_515 = arith.muli %select_n3A_55, %mul3A_514 : i32
        %get3A_516 = arith.index_cast %add3A_505 : i32 to index
        %get3A_517 = arith.index_cast %mul3A_515 : i32 to index
        %get3A_518 = tpu.vector_load %arg14[%get3A_516, %get3A_517] {strides = array<i32>} : memref<256x128xf32, #tpu.memory_space<vmem>>, vector<16xf32>,
        %mul3A_519 = arith.constant 32 : i32
        %mul3A_520 = arith.muli %select_n3A_55, %mul3A_519 : i32
        %add3A_521 = arith.constant 16 : i32
        %add3A_522 = arith.addi %mul3A_520, %add3A_521 : i32
        %get3A_523 = arith.index_cast %add3A_505 : i32 to index
        %get3A_524 = arith.index_cast %add3A_522 : i32 to index
        %get3A_525 = tpu.vector_load %arg14[%get3A_523, %get3A_524] {strides = array<i32>} : memref<256x128xf32, #tpu.memory_space<vmem>>, vector<16xf32>,
        %mul3A_526 = arith.mulf %get3A_518, %add3A_513 : vector<16xf32>
        %swap3A_527 = arith.index_cast %squeeze3A_507 : i32 to index
        %swap3A_528 = arith.constant 0 : index
        %swap3A_529 = tpu.vector_load %arg15[%swap3A_527, %swap3A_528] {strides = array<i32>} : memref<2048x32xf32, #tpu.memory_space<vmem>>, vector<16xf32>,
        tpu.vector_store %arg15[%swap3A_527, %swap3A_528], %mul3A_526 {add = true, strides = array<i32>} : memref<2048x32xf32, #tpu.memory_space<vmem>>, vector<16xf32>,
        %mul3A_530 = arith.mulf %get3A_525, %add3A_513 : vector<16xf32>
        %swap3A_531 = arith.index_cast %squeeze3A_507 : i32 to index
        %swap3A_532 = arith.constant 16 : index
        %swap3A_533 = tpu.vector_load %arg15[%swap3A_531, %swap3A_532] {strides = array<i32>} : memref<2048x32xf32, #tpu.memory_space<vmem>>, vector<16xf32>,
        tpu.vector_store %arg15[%swap3A_531, %swap3A_532], %mul3A_530 {add = true, strides = array<i32>} : memref<2048x32xf32, #tpu.memory_space<vmem>>, vector<16xf32>,
        %mul3A_534 = arith.constant 16 : i32
        %mul3A_535 = arith.muli %scan3A_107, %mul3A_534 : i32
        %add3A_536 = arith.constant 13 : i32
        %add3A_537 = arith.addi %mul3A_535, %add3A_536 : i32
        %slice3A_538 = vector.extract_strided_slice %get3A_114 {offsets = [13], sizes = [1], strides = [1]} : vector<16xi32> to vector<1xi32>
        %squeeze3A_539 = vector.extract %slice3A_538[0] : i32 from vector<1xi32>
        %broadcast_in_dim3A_540 = arith.constant 0.000000e+00 : f32
        %broadcast_in_dim3A_541 = vector.broadcast %broadcast_in_dim3A_540 : f32 to vector<16xf32>
        %slice3A_542 = vector.extract_strided_slice %get3A_121 {offsets = [13], sizes = [1], strides = [1]} : vector<16xf32> to vector<1xf32>
        %squeeze3A_543 = vector.extract %slice3A_542[0] : f32 from vector<1xf32>
        %add3A_544 = vector.broadcast %squeeze3A_543 : f32 to vector<16xf32>
        %add3A_545 = arith.addf %broadcast_in_dim3A_541, %add3A_544 : vector<16xf32>
        %mul3A_546 = arith.constant 32 : i32
        %mul3A_547 = arith.muli %select_n3A_55, %mul3A_546 : i32
        %get3A_548 = arith.index_cast %add3A_537 : i32 to index
        %get3A_549 = arith.index_cast %mul3A_547 : i32 to index
        %get3A_550 = tpu.vector_load %arg14[%get3A_548, %get3A_549] {strides = array<i32>} : memref<256x128xf32, #tpu.memory_space<vmem>>, vector<16xf32>,
        %mul3A_551 = arith.constant 32 : i32
        %mul3A_552 = arith.muli %select_n3A_55, %mul3A_551 : i32
        %add3A_553 = arith.constant 16 : i32
        %add3A_554 = arith.addi %mul3A_552, %add3A_553 : i32
        %get3A_555 = arith.index_cast %add3A_537 : i32 to index
        %get3A_556 = arith.index_cast %add3A_554 : i32 to index
        %get3A_557 = tpu.vector_load %arg14[%get3A_555, %get3A_556] {strides = array<i32>} : memref<256x128xf32, #tpu.memory_space<vmem>>, vector<16xf32>,
        %mul3A_558 = arith.mulf %get3A_550, %add3A_545 : vector<16xf32>
        %swap3A_559 = arith.index_cast %squeeze3A_539 : i32 to index
        %swap3A_560 = arith.constant 0 : index
        %swap3A_561 = tpu.vector_load %arg15[%swap3A_559, %swap3A_560] {strides = array<i32>} : memref<2048x32xf32, #tpu.memory_space<vmem>>, vector<16xf32>,
        tpu.vector_store %arg15[%swap3A_559, %swap3A_560], %mul3A_558 {add = true, strides = array<i32>} : memref<2048x32xf32, #tpu.memory_space<vmem>>, vector<16xf32>,
        %mul3A_562 = arith.mulf %get3A_557, %add3A_545 : vector<16xf32>
        %swap3A_563 = arith.index_cast %squeeze3A_539 : i32 to index
        %swap3A_564 = arith.constant 16 : index
        %swap3A_565 = tpu.vector_load %arg15[%swap3A_563, %swap3A_564] {strides = array<i32>} : memref<2048x32xf32, #tpu.memory_space<vmem>>, vector<16xf32>,
        tpu.vector_store %arg15[%swap3A_563, %swap3A_564], %mul3A_562 {add = true, strides = array<i32>} : memref<2048x32xf32, #tpu.memory_space<vmem>>, vector<16xf32>,
        %mul3A_566 = arith.constant 16 : i32
        %mul3A_567 = arith.muli %scan3A_107, %mul3A_566 : i32
        %add3A_568 = arith.constant 14 : i32
        %add3A_569 = arith.addi %mul3A_567, %add3A_568 : i32
        %slice3A_570 = vector.extract_strided_slice %get3A_114 {offsets = [14], sizes = [1], strides = [1]} : vector<16xi32> to vector<1xi32>
        %squeeze3A_571 = vector.extract %slice3A_570[0] : i32 from vector<1xi32>
        %broadcast_in_dim3A_572 = arith.constant 0.000000e+00 : f32
        %broadcast_in_dim3A_573 = vector.broadcast %broadcast_in_dim3A_572 : f32 to vector<16xf32>
        %slice3A_574 = vector.extract_strided_slice %get3A_121 {offsets = [14], sizes = [1], strides = [1]} : vector<16xf32> to vector<1xf32>
        %squeeze3A_575 = vector.extract %slice3A_574[0] : f32 from vector<1xf32>
        %add3A_576 = vector.broadcast %squeeze3A_575 : f32 to vector<16xf32>
        %add3A_577 = arith.addf %broadcast_in_dim3A_573, %add3A_576 : vector<16xf32>
        %mul3A_578 = arith.constant 32 : i32
        %mul3A_579 = arith.muli %select_n3A_55, %mul3A_578 : i32
        %get3A_580 = arith.index_cast %add3A_569 : i32 to index
        %get3A_581 = arith.index_cast %mul3A_579 : i32 to index
        %get3A_582 = tpu.vector_load %arg14[%get3A_580, %get3A_581] {strides = array<i32>} : memref<256x128xf32, #tpu.memory_space<vmem>>, vector<16xf32>,
        %mul3A_583 = arith.constant 32 : i32
        %mul3A_584 = arith.muli %select_n3A_55, %mul3A_583 : i32
        %add3A_585 = arith.constant 16 : i32
        %add3A_586 = arith.addi %mul3A_584, %add3A_585 : i32
        %get3A_587 = arith.index_cast %add3A_569 : i32 to index
        %get3A_588 = arith.index_cast %add3A_586 : i32 to index
        %get3A_589 = tpu.vector_load %arg14[%get3A_587, %get3A_588] {strides = array<i32>} : memref<256x128xf32, #tpu.memory_space<vmem>>, vector<16xf32>,
        %mul3A_590 = arith.mulf %get3A_582, %add3A_577 : vector<16xf32>
        %swap3A_591 = arith.index_cast %squeeze3A_571 : i32 to index
        %swap3A_592 = arith.constant 0 : index
        %swap3A_593 = tpu.vector_load %arg15[%swap3A_591, %swap3A_592] {strides = array<i32>} : memref<2048x32xf32, #tpu.memory_space<vmem>>, vector<16xf32>,
        tpu.vector_store %arg15[%swap3A_591, %swap3A_592], %mul3A_590 {add = true, strides = array<i32>} : memref<2048x32xf32, #tpu.memory_space<vmem>>, vector<16xf32>,
        %mul3A_594 = arith.mulf %get3A_589, %add3A_577 : vector<16xf32>
        %swap3A_595 = arith.index_cast %squeeze3A_571 : i32 to index
        %swap3A_596 = arith.constant 16 : index
        %swap3A_597 = tpu.vector_load %arg15[%swap3A_595, %swap3A_596] {strides = array<i32>} : memref<2048x32xf32, #tpu.memory_space<vmem>>, vector<16xf32>,
        tpu.vector_store %arg15[%swap3A_595, %swap3A_596], %mul3A_594 {add = true, strides = array<i32>} : memref<2048x32xf32, #tpu.memory_space<vmem>>, vector<16xf32>,
        %mul3A_598 = arith.constant 16 : i32
        %mul3A_599 = arith.muli %scan3A_107, %mul3A_598 : i32
        %add3A_600 = arith.constant 15 : i32
        %add3A_601 = arith.addi %mul3A_599, %add3A_600 : i32
        %slice3A_602 = vector.extract_strided_slice %get3A_114 {offsets = [15], sizes = [1], strides = [1]} : vector<16xi32> to vector<1xi32>
        %squeeze3A_603 = vector.extract %slice3A_602[0] : i32 from vector<1xi32>
        %broadcast_in_dim3A_604 = arith.constant 0.000000e+00 : f32
        %broadcast_in_dim3A_605 = vector.broadcast %broadcast_in_dim3A_604 : f32 to vector<16xf32>
        %slice3A_606 = vector.extract_strided_slice %get3A_121 {offsets = [15], sizes = [1], strides = [1]} : vector<16xf32> to vector<1xf32>
        %squeeze3A_607 = vector.extract %slice3A_606[0] : f32 from vector<1xf32>
        %add3A_608 = vector.broadcast %squeeze3A_607 : f32 to vector<16xf32>
        %add3A_609 = arith.addf %broadcast_in_dim3A_605, %add3A_608 : vector<16xf32>
        %mul3A_610 = arith.constant 32 : i32
        %mul3A_611 = arith.muli %select_n3A_55, %mul3A_610 : i32
        %get3A_612 = arith.index_cast %add3A_601 : i32 to index
        %get3A_613 = arith.index_cast %mul3A_611 : i32 to index
        %get3A_614 = tpu.vector_load %arg14[%get3A_612, %get3A_613] {strides = array<i32>} : memref<256x128xf32, #tpu.memory_space<vmem>>, vector<16xf32>,
        %mul3A_615 = arith.constant 32 : i32
        %mul3A_616 = arith.muli %select_n3A_55, %mul3A_615 : i32
        %add3A_617 = arith.constant 16 : i32
        %add3A_618 = arith.addi %mul3A_616, %add3A_617 : i32
        %get3A_619 = arith.index_cast %add3A_601 : i32 to index
        %get3A_620 = arith.index_cast %add3A_618 : i32 to index
        %get3A_621 = tpu.vector_load %arg14[%get3A_619, %get3A_620] {strides = array<i32>} : memref<256x128xf32, #tpu.memory_space<vmem>>, vector<16xf32>,
        %mul3A_622 = arith.mulf %get3A_614, %add3A_609 : vector<16xf32>
        %swap3A_623 = arith.index_cast %squeeze3A_603 : i32 to index
        %swap3A_624 = arith.constant 0 : index
        %swap3A_625 = tpu.vector_load %arg15[%swap3A_623, %swap3A_624] {strides = array<i32>} : memref<2048x32xf32, #tpu.memory_space<vmem>>, vector<16xf32>,
        tpu.vector_store %arg15[%swap3A_623, %swap3A_624], %mul3A_622 {add = true, strides = array<i32>} : memref<2048x32xf32, #tpu.memory_space<vmem>>, vector<16xf32>,
        %mul3A_626 = arith.mulf %get3A_621, %add3A_609 : vector<16xf32>
        %swap3A_627 = arith.index_cast %squeeze3A_603 : i32 to index
        %swap3A_628 = arith.constant 16 : index
        %swap3A_629 = tpu.vector_load %arg15[%swap3A_627, %swap3A_628] {strides = array<i32>} : memref<2048x32xf32, #tpu.memory_space<vmem>>, vector<16xf32>,
        tpu.vector_store %arg15[%swap3A_627, %swap3A_628], %mul3A_626 {add = true, strides = array<i32>} : memref<2048x32xf32, #tpu.memory_space<vmem>>, vector<16xf32>,
        %scan3A_630 = arith.constant 0 : i32
        scf.yield %scan3A_630 : i32
      }
      %scan3A_105 = arith.constant 16 : i32
      %scan3A_106 = arith.constant 0 : i32
      scf.yield %scan3A_106 : i32
    }
    %scan3A_76 = arith.constant 16 : i32
    "tpu.region"() ({
      %run_scoped3A_89 = tpu.sem_alloc : memref<!tpu.dma_semaphore, #tpu.memory_space<semaphore_mem>>
      %dma_start3A = arith.constant 0 : i32
      %dma_start3A_90 = tpu.memref_slice %arg7[%arg1, %mul3A_0, %dma_start3A] : memref<16x4096x32xf32, #tpu.memory_space<hbm>> -> memref<1x2048x32xf32, #tpu.memory_space<hbm>>
      %dma_start3A_91 = tpu.memref_squeeze %dma_start3A_90 : memref<1x2048x32xf32, #tpu.memory_space<hbm>> -> memref<2048x32xf32, #tpu.memory_space<hbm>>
      %dma_start3A_92 = arith.constant 0 : i32
      %dma_start3A_93 = tpu.memref_slice %arg7[%arg1, %mul3A_0, %dma_start3A_92] : memref<16x4096x32xf32, #tpu.memory_space<hbm>> -> memref<1x2048x32xf32, #tpu.memory_space<hbm>>
      %dma_start3A_94 = tpu.memref_squeeze %dma_start3A_93 : memref<1x2048x32xf32, #tpu.memory_space<hbm>> -> memref<2048x32xf32, #tpu.memory_space<hbm>>
      tpu.enqueue_dma source(%arg15 : memref<2048x32xf32, #tpu.memory_space<vmem>>) target(%dma_start3A_94 : memref<2048x32xf32, #tpu.memory_space<hbm>>) target_semaphore(%run_scoped3A_89 : memref<!tpu.dma_semaphore, #tpu.memory_space<semaphore_mem>>)
      %dma_wait3A = arith.constant 0 : i32
      %dma_wait3A_95 = tpu.memref_slice %arg7[%arg1, %mul3A_0, %dma_wait3A] : memref<16x4096x32xf32, #tpu.memory_space<hbm>> -> memref<1x2048x32xf32, #tpu.memory_space<hbm>>
      %dma_wait3A_96 = tpu.memref_squeeze %dma_wait3A_95 : memref<1x2048x32xf32, #tpu.memory_space<hbm>> -> memref<2048x32xf32, #tpu.memory_space<hbm>>
      %dma_wait3A_97 = arith.constant 0 : i32
      %dma_wait3A_98 = tpu.memref_slice %arg7[%arg1, %mul3A_0, %dma_wait3A_97] : memref<16x4096x32xf32, #tpu.memory_space<hbm>> -> memref<1x2048x32xf32, #tpu.memory_space<hbm>>
      %dma_wait3A_99 = tpu.memref_squeeze %dma_wait3A_98 : memref<1x2048x32xf32, #tpu.memory_space<hbm>> -> memref<2048x32xf32, #tpu.memory_space<hbm>>
      tpu.wait_dma2 semaphore(%run_scoped3A_89 : memref<!tpu.dma_semaphore, #tpu.memory_space<semaphore_mem>>) src(%arg15 : memref<2048x32xf32, #tpu.memory_space<vmem>>) dst(%dma_wait3A_99 : memref<2048x32xf32, #tpu.memory_space<hbm>>)
      tpu.yield
    }) : () -> ()
    %barrier3A = arith.constant 0 : index
    tpu.barrier barrier_id(%barrier3A)
    %mul3A_77 = arith.constant 128 : i32
    %mul3A_78 = arith.muli %arg1, %mul3A_77 : i32
    "tpu.region"() ({
      %run_scoped3A_89 = tpu.sem_alloc : memref<!tpu.dma_semaphore, #tpu.memory_space<semaphore_mem>>
      %dma_start3A = arith.constant 0 : i32
      %dma_start3A_90 = tpu.memref_slice %arg18[%dma_start3A, %mul3A_78] : memref<16x2048xf32, #tpu.memory_space<vmem_shared>> -> memref<16x128xf32, #tpu.memory_space<vmem_shared>>
      %dma_start3A_91 = arith.constant 0 : i32
      %dma_start3A_92 = tpu.memref_slice %arg18[%dma_start3A_91, %mul3A_78] : memref<16x2048xf32, #tpu.memory_space<vmem_shared>> -> memref<16x128xf32, #tpu.memory_space<vmem_shared>>
      tpu.enqueue_dma source(%dma_start3A_92 : memref<16x128xf32, #tpu.memory_space<vmem_shared>>) target(%arg17 : memref<16x128xf32, #tpu.memory_space<vmem>>) target_semaphore(%run_scoped3A_89 : memref<!tpu.dma_semaphore, #tpu.memory_space<semaphore_mem>>)
      %dma_wait3A = arith.constant 0 : i32
      %dma_wait3A_93 = tpu.memref_slice %arg18[%dma_wait3A, %mul3A_78] : memref<16x2048xf32, #tpu.memory_space<vmem_shared>> -> memref<16x128xf32, #tpu.memory_space<vmem_shared>>
      %dma_wait3A_94 = arith.constant 0 : i32
      %dma_wait3A_95 = tpu.memref_slice %arg18[%dma_wait3A_94, %mul3A_78] : memref<16x2048xf32, #tpu.memory_space<vmem_shared>> -> memref<16x128xf32, #tpu.memory_space<vmem_shared>>
      tpu.wait_dma2 semaphore(%run_scoped3A_89 : memref<!tpu.dma_semaphore, #tpu.memory_space<semaphore_mem>>) src(%dma_wait3A_95 : memref<16x128xf32, #tpu.memory_space<vmem_shared>>) dst(%arg17 : memref<16x128xf32, #tpu.memory_space<vmem>>)
      tpu.yield
    }) : () -> ()
    %scan3A_79 = arith.constant 0 : i32
    %scan3A_80 = arith.constant 0 : i32
    %scan3A_81 = arith.constant 8 : i32
    %scan3A_82 = arith.addi %scan3A_80, %scan3A_81 : i32
    %scan3A_83 = arith.constant 1 : i32
    %scan3A_84 = scf.for %scan3A_89 = %scan3A_80 to %scan3A_82 step %scan3A_83 iter_args(%scan3A_90 = %scan3A_79) -> (i32)  : i32 {
      %broadcast_in_dim3A = arith.constant 0.000000e+00 : f32
      %broadcast_in_dim3A_91 = vector.broadcast %broadcast_in_dim3A : f32 to vector<16xf32>
      %mul3A_92 = arith.constant 16 : i32
      %mul3A_93 = arith.muli %scan3A_89, %mul3A_92 : i32
      %get3A = arith.constant 0 : i32
      %get3A_94 = arith.index_cast %get3A : i32 to index
      %get3A_95 = arith.index_cast %mul3A_93 : i32 to index
      %get3A_96 = tpu.vector_load %arg17[%get3A_94, %get3A_95] {strides = array<i32>} : memref<16x128xf32, #tpu.memory_space<vmem>>, vector<16xf32>,
      %add3A_97 = arith.addf %broadcast_in_dim3A_91, %get3A_96 : vector<16xf32>
      %mul3A_98 = arith.constant 16 : i32
      %mul3A_99 = arith.muli %scan3A_89, %mul3A_98 : i32
      %get3A_100 = arith.constant 1 : i32
      %get3A_101 = arith.index_cast %get3A_100 : i32 to index
      %get3A_102 = arith.index_cast %mul3A_99 : i32 to index
      %get3A_103 = tpu.vector_load %arg17[%get3A_101, %get3A_102] {strides = array<i32>} : memref<16x128xf32, #tpu.memory_space<vmem>>, vector<16xf32>,
      %add3A_104 = arith.addf %add3A_97, %get3A_103 : vector<16xf32>
      %mul3A_105 = arith.constant 16 : i32
      %mul3A_106 = arith.muli %scan3A_89, %mul3A_105 : i32
      %get3A_107 = arith.constant 2 : i32
      %get3A_108 = arith.index_cast %get3A_107 : i32 to index
      %get3A_109 = arith.index_cast %mul3A_106 : i32 to index
      %get3A_110 = tpu.vector_load %arg17[%get3A_108, %get3A_109] {strides = array<i32>} : memref<16x128xf32, #tpu.memory_space<vmem>>, vector<16xf32>,
      %add3A_111 = arith.addf %add3A_104, %get3A_110 : vector<16xf32>
      %mul3A_112 = arith.constant 16 : i32
      %mul3A_113 = arith.muli %scan3A_89, %mul3A_112 : i32
      %get3A_114 = arith.constant 3 : i32
      %get3A_115 = arith.index_cast %get3A_114 : i32 to index
      %get3A_116 = arith.index_cast %mul3A_113 : i32 to index
      %get3A_117 = tpu.vector_load %arg17[%get3A_115, %get3A_116] {strides = array<i32>} : memref<16x128xf32, #tpu.memory_space<vmem>>, vector<16xf32>,
      %add3A_118 = arith.addf %add3A_111, %get3A_117 : vector<16xf32>
      %mul3A_119 = arith.constant 16 : i32
      %mul3A_120 = arith.muli %scan3A_89, %mul3A_119 : i32
      %get3A_121 = arith.constant 4 : i32
      %get3A_122 = arith.index_cast %get3A_121 : i32 to index
      %get3A_123 = arith.index_cast %mul3A_120 : i32 to index
      %get3A_124 = tpu.vector_load %arg17[%get3A_122, %get3A_123] {strides = array<i32>} : memref<16x128xf32, #tpu.memory_space<vmem>>, vector<16xf32>,
      %add3A_125 = arith.addf %add3A_118, %get3A_124 : vector<16xf32>
      %mul3A_126 = arith.constant 16 : i32
      %mul3A_127 = arith.muli %scan3A_89, %mul3A_126 : i32
      %get3A_128 = arith.constant 5 : i32
      %get3A_129 = arith.index_cast %get3A_128 : i32 to index
      %get3A_130 = arith.index_cast %mul3A_127 : i32 to index
      %get3A_131 = tpu.vector_load %arg17[%get3A_129, %get3A_130] {strides = array<i32>} : memref<16x128xf32, #tpu.memory_space<vmem>>, vector<16xf32>,
      %add3A_132 = arith.addf %add3A_125, %get3A_131 : vector<16xf32>
      %mul3A_133 = arith.constant 16 : i32
      %mul3A_134 = arith.muli %scan3A_89, %mul3A_133 : i32
      %get3A_135 = arith.constant 6 : i32
      %get3A_136 = arith.index_cast %get3A_135 : i32 to index
      %get3A_137 = arith.index_cast %mul3A_134 : i32 to index
      %get3A_138 = tpu.vector_load %arg17[%get3A_136, %get3A_137] {strides = array<i32>} : memref<16x128xf32, #tpu.memory_space<vmem>>, vector<16xf32>,
      %add3A_139 = arith.addf %add3A_132, %get3A_138 : vector<16xf32>
      %mul3A_140 = arith.constant 16 : i32
      %mul3A_141 = arith.muli %scan3A_89, %mul3A_140 : i32
      %get3A_142 = arith.constant 7 : i32
      %get3A_143 = arith.index_cast %get3A_142 : i32 to index
      %get3A_144 = arith.index_cast %mul3A_141 : i32 to index
      %get3A_145 = tpu.vector_load %arg17[%get3A_143, %get3A_144] {strides = array<i32>} : memref<16x128xf32, #tpu.memory_space<vmem>>, vector<16xf32>,
      %add3A_146 = arith.addf %add3A_139, %get3A_145 : vector<16xf32>
      %mul3A_147 = arith.constant 16 : i32
      %mul3A_148 = arith.muli %scan3A_89, %mul3A_147 : i32
      %get3A_149 = arith.constant 8 : i32
      %get3A_150 = arith.index_cast %get3A_149 : i32 to index
      %get3A_151 = arith.index_cast %mul3A_148 : i32 to index
      %get3A_152 = tpu.vector_load %arg17[%get3A_150, %get3A_151] {strides = array<i32>} : memref<16x128xf32, #tpu.memory_space<vmem>>, vector<16xf32>,
      %add3A_153 = arith.addf %add3A_146, %get3A_152 : vector<16xf32>
      %mul3A_154 = arith.constant 16 : i32
      %mul3A_155 = arith.muli %scan3A_89, %mul3A_154 : i32
      %get3A_156 = arith.constant 9 : i32
      %get3A_157 = arith.index_cast %get3A_156 : i32 to index
      %get3A_158 = arith.index_cast %mul3A_155 : i32 to index
      %get3A_159 = tpu.vector_load %arg17[%get3A_157, %get3A_158] {strides = array<i32>} : memref<16x128xf32, #tpu.memory_space<vmem>>, vector<16xf32>,
      %add3A_160 = arith.addf %add3A_153, %get3A_159 : vector<16xf32>
      %mul3A_161 = arith.constant 16 : i32
      %mul3A_162 = arith.muli %scan3A_89, %mul3A_161 : i32
      %get3A_163 = arith.constant 10 : i32
      %get3A_164 = arith.index_cast %get3A_163 : i32 to index
      %get3A_165 = arith.index_cast %mul3A_162 : i32 to index
      %get3A_166 = tpu.vector_load %arg17[%get3A_164, %get3A_165] {strides = array<i32>} : memref<16x128xf32, #tpu.memory_space<vmem>>, vector<16xf32>,
      %add3A_167 = arith.addf %add3A_160, %get3A_166 : vector<16xf32>
      %mul3A_168 = arith.constant 16 : i32
      %mul3A_169 = arith.muli %scan3A_89, %mul3A_168 : i32
      %get3A_170 = arith.constant 11 : i32
      %get3A_171 = arith.index_cast %get3A_170 : i32 to index
      %get3A_172 = arith.index_cast %mul3A_169 : i32 to index
      %get3A_173 = tpu.vector_load %arg17[%get3A_171, %get3A_172] {strides = array<i32>} : memref<16x128xf32, #tpu.memory_space<vmem>>, vector<16xf32>,
      %add3A_174 = arith.addf %add3A_167, %get3A_173 : vector<16xf32>
      %mul3A_175 = arith.constant 16 : i32
      %mul3A_176 = arith.muli %scan3A_89, %mul3A_175 : i32
      %get3A_177 = arith.constant 12 : i32
      %get3A_178 = arith.index_cast %get3A_177 : i32 to index
      %get3A_179 = arith.index_cast %mul3A_176 : i32 to index
      %get3A_180 = tpu.vector_load %arg17[%get3A_178, %get3A_179] {strides = array<i32>} : memref<16x128xf32, #tpu.memory_space<vmem>>, vector<16xf32>,
      %add3A_181 = arith.addf %add3A_174, %get3A_180 : vector<16xf32>
      %mul3A_182 = arith.constant 16 : i32
      %mul3A_183 = arith.muli %scan3A_89, %mul3A_182 : i32
      %get3A_184 = arith.constant 13 : i32
      %get3A_185 = arith.index_cast %get3A_184 : i32 to index
      %get3A_186 = arith.index_cast %mul3A_183 : i32 to index
      %get3A_187 = tpu.vector_load %arg17[%get3A_185, %get3A_186] {strides = array<i32>} : memref<16x128xf32, #tpu.memory_space<vmem>>, vector<16xf32>,
      %add3A_188 = arith.addf %add3A_181, %get3A_187 : vector<16xf32>
      %mul3A_189 = arith.constant 16 : i32
      %mul3A_190 = arith.muli %scan3A_89, %mul3A_189 : i32
      %get3A_191 = arith.constant 14 : i32
      %get3A_192 = arith.index_cast %get3A_191 : i32 to index
      %get3A_193 = arith.index_cast %mul3A_190 : i32 to index
      %get3A_194 = tpu.vector_load %arg17[%get3A_192, %get3A_193] {strides = array<i32>} : memref<16x128xf32, #tpu.memory_space<vmem>>, vector<16xf32>,
      %add3A_195 = arith.addf %add3A_188, %get3A_194 : vector<16xf32>
      %mul3A_196 = arith.constant 16 : i32
      %mul3A_197 = arith.muli %scan3A_89, %mul3A_196 : i32
      %get3A_198 = arith.constant 15 : i32
      %get3A_199 = arith.index_cast %get3A_198 : i32 to index
      %get3A_200 = arith.index_cast %mul3A_197 : i32 to index
      %get3A_201 = tpu.vector_load %arg17[%get3A_199, %get3A_200] {strides = array<i32>} : memref<16x128xf32, #tpu.memory_space<vmem>>, vector<16xf32>,
      %add3A_202 = arith.addf %add3A_195, %get3A_201 : vector<16xf32>
      %mul3A_203 = arith.constant 16 : i32
      %mul3A_204 = arith.muli %scan3A_89, %mul3A_203 : i32
      %swap3A = arith.constant 0 : i32
      %swap3A_205 = arith.index_cast %swap3A : i32 to index
      %swap3A_206 = arith.index_cast %mul3A_204 : i32 to index
      %swap3A_207 = tpu.vector_load %arg17[%swap3A_205, %swap3A_206] {strides = array<i32>} : memref<16x128xf32, #tpu.memory_space<vmem>>, vector<16xf32>,
      tpu.vector_store %arg17[%swap3A_205, %swap3A_206], %add3A_202 {strides = array<i32>} : memref<16x128xf32, #tpu.memory_space<vmem>>, vector<16xf32>,
      %scan3A_208 = arith.constant 0 : i32
      scf.yield %scan3A_208 : i32
    }
    %scan3A_85 = arith.constant 8 : i32
    %mul3A_86 = arith.constant 128 : i32
    %mul3A_87 = arith.muli %arg1, %mul3A_86 : i32
    %add3A_88 = arith.addi %mul3A_0, %mul3A_87 : i32
    %run_scoped3A = arith.constant 0 : i32
    "tpu.region"() ({
      %run_scoped3A_89 = tpu.sem_alloc : memref<!tpu.dma_semaphore, #tpu.memory_space<semaphore_mem>>
      %dma_start3A = arith.constant 0 : i32
      %dma_start3A_90 = tpu.memref_slice %arg17[%run_scoped3A, %dma_start3A] : memref<16x128xf32, #tpu.memory_space<vmem>> -> memref<1x128xf32, #tpu.memory_space<vmem>>
      %dma_start3A_91 = tpu.memref_squeeze %dma_start3A_90 : memref<1x128xf32, #tpu.memory_space<vmem>> -> memref<128xf32, #tpu.memory_space<vmem>>
      %dma_start3A_92 = tpu.memref_slice %arg8[%add3A_88] : memref<4096xf32, #tpu.memory_space<hbm>> -> memref<128xf32, #tpu.memory_space<hbm>>
      %dma_start3A_93 = tpu.memref_slice %arg8[%add3A_88] : memref<4096xf32, #tpu.memory_space<hbm>> -> memref<128xf32, #tpu.memory_space<hbm>>
      %dma_start3A_94 = arith.constant 0 : i32
      %dma_start3A_95 = tpu.memref_slice %arg17[%run_scoped3A, %dma_start3A_94] : memref<16x128xf32, #tpu.memory_space<vmem>> -> memref<1x128xf32, #tpu.memory_space<vmem>>
      %dma_start3A_96 = tpu.memref_squeeze %dma_start3A_95 : memref<1x128xf32, #tpu.memory_space<vmem>> -> memref<128xf32, #tpu.memory_space<vmem>>
      tpu.enqueue_dma source(%dma_start3A_96 : memref<128xf32, #tpu.memory_space<vmem>>) target(%dma_start3A_93 : memref<128xf32, #tpu.memory_space<hbm>>) target_semaphore(%run_scoped3A_89 : memref<!tpu.dma_semaphore, #tpu.memory_space<semaphore_mem>>)
      %dma_wait3A = arith.constant 0 : i32
      %dma_wait3A_97 = tpu.memref_slice %arg17[%run_scoped3A, %dma_wait3A] : memref<16x128xf32, #tpu.memory_space<vmem>> -> memref<1x128xf32, #tpu.memory_space<vmem>>
      %dma_wait3A_98 = tpu.memref_squeeze %dma_wait3A_97 : memref<1x128xf32, #tpu.memory_space<vmem>> -> memref<128xf32, #tpu.memory_space<vmem>>
      %dma_wait3A_99 = tpu.memref_slice %arg8[%add3A_88] : memref<4096xf32, #tpu.memory_space<hbm>> -> memref<128xf32, #tpu.memory_space<hbm>>
      %dma_wait3A_100 = tpu.memref_slice %arg8[%add3A_88] : memref<4096xf32, #tpu.memory_space<hbm>> -> memref<128xf32, #tpu.memory_space<hbm>>
      %dma_wait3A_101 = arith.constant 0 : i32
      %dma_wait3A_102 = tpu.memref_slice %arg17[%run_scoped3A, %dma_wait3A_101] : memref<16x128xf32, #tpu.memory_space<vmem>> -> memref<1x128xf32, #tpu.memory_space<vmem>>
      %dma_wait3A_103 = tpu.memref_squeeze %dma_wait3A_102 : memref<1x128xf32, #tpu.memory_space<vmem>> -> memref<128xf32, #tpu.memory_space<vmem>>
      tpu.wait_dma2 semaphore(%run_scoped3A_89 : memref<!tpu.dma_semaphore, #tpu.memory_space<semaphore_mem>>) src(%dma_wait3A_103 : memref<128xf32, #tpu.memory_space<vmem>>) dst(%dma_wait3A_100 : memref<128xf32, #tpu.memory_space<hbm>>)
      tpu.yield
    }) : () -> ()
    return
  }
}

module attributes {stable_mosaic.version = 14 : i64} {
  func.func @_logits1_body(%arg0: memref<4096x78xf32, #tpu.memory_space<vmem>>, %arg1: memref<78x10240xf32, #tpu.memory_space<vmem>>, %arg2: memref<10x1024xf32, #tpu.memory_space<vmem>>, %arg3: memref<10x1024xf32, #tpu.memory_space<vmem>>, %arg4: memref<4096x10xf32, #tpu.memory_space<vmem>>, %arg5: memref<4096x10xf32, #tpu.memory_space<vmem>>) attributes {dimension_semantics = [], scalar_prefetch = 0 : i64, scratch_operands = 0 : i64, tpu.core_type = #tpu.core_type<tc>} {
    %get3A = arith.constant 0 : index
    %get3A_0 = arith.constant 0 : index
    %get3A_1 = vector.load %arg0[%get3A, %get3A_0] : memref<4096x78xf32, #tpu.memory_space<vmem>>, vector<4096x78xf32>
    %get3A_2 = arith.constant 0 : index
    %get3A_3 = arith.constant 0 : index
    %get3A_4 = vector.load %arg1[%get3A_2, %get3A_3] : memref<78x10240xf32, #tpu.memory_space<vmem>>, vector<78x1024xf32>
    %get3A_5 = arith.constant 0 : index
    %get3A_6 = arith.constant 0 : index
    %get3A_7 = vector.load %arg2[%get3A_5, %get3A_6] : memref<10x1024xf32, #tpu.memory_space<vmem>>, vector<1x1024xf32>
    %dot_general3A = arith.constant dense<0.000000e+00> : vector<78x1xf32>
    %dot_general3A_8 = tpu.matmul %get3A_4, %get3A_7, %dot_general3A {dimension_numbers = #tpu.dot_dimension_numbers<[1], [1], [0], [0], [0, 0, 1, 0], [], []>, transpose_lhs_hint = false} : vector<78x1024xf32>, vector<1x1024xf32>, vector<78x1xf32> -> vector<78x1xf32>
    %get3A_9 = arith.constant 0 : index
    %get3A_10 = arith.constant 0 : index
    %get3A_11 = vector.load %arg3[%get3A_9, %get3A_10] : memref<10x1024xf32, #tpu.memory_space<vmem>>, vector<1x1024xf32>
    %dot_general3A_12 = arith.constant dense<0.000000e+00> : vector<78x1xf32>
    %dot_general3A_13 = tpu.matmul %get3A_4, %get3A_11, %dot_general3A_12 {dimension_numbers = #tpu.dot_dimension_numbers<[1], [1], [0], [0], [0, 0, 1, 0], [], []>, transpose_lhs_hint = false} : vector<78x1024xf32>, vector<1x1024xf32>, vector<78x1xf32> -> vector<78x1xf32>
    %get3A_14 = arith.constant 0 : index
    %get3A_15 = arith.constant 1024 : index
    %get3A_16 = vector.load %arg1[%get3A_14, %get3A_15] : memref<78x10240xf32, #tpu.memory_space<vmem>>, vector<78x1024xf32>
    %get3A_17 = arith.constant 1 : index
    %get3A_18 = arith.constant 0 : index
    %get3A_19 = vector.load %arg2[%get3A_17, %get3A_18] : memref<10x1024xf32, #tpu.memory_space<vmem>>, vector<1x1024xf32>
    %dot_general3A_20 = arith.constant dense<0.000000e+00> : vector<78x1xf32>
    %dot_general3A_21 = tpu.matmul %get3A_16, %get3A_19, %dot_general3A_20 {dimension_numbers = #tpu.dot_dimension_numbers<[1], [1], [0], [0], [0, 0, 1, 0], [], []>, transpose_lhs_hint = false} : vector<78x1024xf32>, vector<1x1024xf32>, vector<78x1xf32> -> vector<78x1xf32>
    %get3A_22 = arith.constant 1 : index
    %get3A_23 = arith.constant 0 : index
    %get3A_24 = vector.load %arg3[%get3A_22, %get3A_23] : memref<10x1024xf32, #tpu.memory_space<vmem>>, vector<1x1024xf32>
    %dot_general3A_25 = arith.constant dense<0.000000e+00> : vector<78x1xf32>
    %dot_general3A_26 = tpu.matmul %get3A_16, %get3A_24, %dot_general3A_25 {dimension_numbers = #tpu.dot_dimension_numbers<[1], [1], [0], [0], [0, 0, 1, 0], [], []>, transpose_lhs_hint = false} : vector<78x1024xf32>, vector<1x1024xf32>, vector<78x1xf32> -> vector<78x1xf32>
    %get3A_27 = arith.constant 0 : index
    %get3A_28 = arith.constant 2048 : index
    %get3A_29 = vector.load %arg1[%get3A_27, %get3A_28] : memref<78x10240xf32, #tpu.memory_space<vmem>>, vector<78x1024xf32>
    %get3A_30 = arith.constant 2 : index
    %get3A_31 = arith.constant 0 : index
    %get3A_32 = vector.load %arg2[%get3A_30, %get3A_31] : memref<10x1024xf32, #tpu.memory_space<vmem>>, vector<1x1024xf32>
    %dot_general3A_33 = arith.constant dense<0.000000e+00> : vector<78x1xf32>
    %dot_general3A_34 = tpu.matmul %get3A_29, %get3A_32, %dot_general3A_33 {dimension_numbers = #tpu.dot_dimension_numbers<[1], [1], [0], [0], [0, 0, 1, 0], [], []>, transpose_lhs_hint = false} : vector<78x1024xf32>, vector<1x1024xf32>, vector<78x1xf32> -> vector<78x1xf32>
    %get3A_35 = arith.constant 2 : index
    %get3A_36 = arith.constant 0 : index
    %get3A_37 = vector.load %arg3[%get3A_35, %get3A_36] : memref<10x1024xf32, #tpu.memory_space<vmem>>, vector<1x1024xf32>
    %dot_general3A_38 = arith.constant dense<0.000000e+00> : vector<78x1xf32>
    %dot_general3A_39 = tpu.matmul %get3A_29, %get3A_37, %dot_general3A_38 {dimension_numbers = #tpu.dot_dimension_numbers<[1], [1], [0], [0], [0, 0, 1, 0], [], []>, transpose_lhs_hint = false} : vector<78x1024xf32>, vector<1x1024xf32>, vector<78x1xf32> -> vector<78x1xf32>
    %get3A_40 = arith.constant 0 : index
    %get3A_41 = arith.constant 3072 : index
    %get3A_42 = vector.load %arg1[%get3A_40, %get3A_41] : memref<78x10240xf32, #tpu.memory_space<vmem>>, vector<78x1024xf32>
    %get3A_43 = arith.constant 3 : index
    %get3A_44 = arith.constant 0 : index
    %get3A_45 = vector.load %arg2[%get3A_43, %get3A_44] : memref<10x1024xf32, #tpu.memory_space<vmem>>, vector<1x1024xf32>
    %dot_general3A_46 = arith.constant dense<0.000000e+00> : vector<78x1xf32>
    %dot_general3A_47 = tpu.matmul %get3A_42, %get3A_45, %dot_general3A_46 {dimension_numbers = #tpu.dot_dimension_numbers<[1], [1], [0], [0], [0, 0, 1, 0], [], []>, transpose_lhs_hint = false} : vector<78x1024xf32>, vector<1x1024xf32>, vector<78x1xf32> -> vector<78x1xf32>
    %get3A_48 = arith.constant 3 : index
    %get3A_49 = arith.constant 0 : index
    %get3A_50 = vector.load %arg3[%get3A_48, %get3A_49] : memref<10x1024xf32, #tpu.memory_space<vmem>>, vector<1x1024xf32>
    %dot_general3A_51 = arith.constant dense<0.000000e+00> : vector<78x1xf32>
    %dot_general3A_52 = tpu.matmul %get3A_42, %get3A_50, %dot_general3A_51 {dimension_numbers = #tpu.dot_dimension_numbers<[1], [1], [0], [0], [0, 0, 1, 0], [], []>, transpose_lhs_hint = false} : vector<78x1024xf32>, vector<1x1024xf32>, vector<78x1xf32> -> vector<78x1xf32>
    %get3A_53 = arith.constant 0 : index
    %get3A_54 = arith.constant 4096 : index
    %get3A_55 = vector.load %arg1[%get3A_53, %get3A_54] : memref<78x10240xf32, #tpu.memory_space<vmem>>, vector<78x1024xf32>
    %get3A_56 = arith.constant 4 : index
    %get3A_57 = arith.constant 0 : index
    %get3A_58 = vector.load %arg2[%get3A_56, %get3A_57] : memref<10x1024xf32, #tpu.memory_space<vmem>>, vector<1x1024xf32>
    %dot_general3A_59 = arith.constant dense<0.000000e+00> : vector<78x1xf32>
    %dot_general3A_60 = tpu.matmul %get3A_55, %get3A_58, %dot_general3A_59 {dimension_numbers = #tpu.dot_dimension_numbers<[1], [1], [0], [0], [0, 0, 1, 0], [], []>, transpose_lhs_hint = false} : vector<78x1024xf32>, vector<1x1024xf32>, vector<78x1xf32> -> vector<78x1xf32>
    %get3A_61 = arith.constant 4 : index
    %get3A_62 = arith.constant 0 : index
    %get3A_63 = vector.load %arg3[%get3A_61, %get3A_62] : memref<10x1024xf32, #tpu.memory_space<vmem>>, vector<1x1024xf32>
    %dot_general3A_64 = arith.constant dense<0.000000e+00> : vector<78x1xf32>
    %dot_general3A_65 = tpu.matmul %get3A_55, %get3A_63, %dot_general3A_64 {dimension_numbers = #tpu.dot_dimension_numbers<[1], [1], [0], [0], [0, 0, 1, 0], [], []>, transpose_lhs_hint = false} : vector<78x1024xf32>, vector<1x1024xf32>, vector<78x1xf32> -> vector<78x1xf32>
    %get3A_66 = arith.constant 0 : index
    %get3A_67 = arith.constant 5120 : index
    %get3A_68 = vector.load %arg1[%get3A_66, %get3A_67] : memref<78x10240xf32, #tpu.memory_space<vmem>>, vector<78x1024xf32>
    %get3A_69 = arith.constant 5 : index
    %get3A_70 = arith.constant 0 : index
    %get3A_71 = vector.load %arg2[%get3A_69, %get3A_70] : memref<10x1024xf32, #tpu.memory_space<vmem>>, vector<1x1024xf32>
    %dot_general3A_72 = arith.constant dense<0.000000e+00> : vector<78x1xf32>
    %dot_general3A_73 = tpu.matmul %get3A_68, %get3A_71, %dot_general3A_72 {dimension_numbers = #tpu.dot_dimension_numbers<[1], [1], [0], [0], [0, 0, 1, 0], [], []>, transpose_lhs_hint = false} : vector<78x1024xf32>, vector<1x1024xf32>, vector<78x1xf32> -> vector<78x1xf32>
    %get3A_74 = arith.constant 5 : index
    %get3A_75 = arith.constant 0 : index
    %get3A_76 = vector.load %arg3[%get3A_74, %get3A_75] : memref<10x1024xf32, #tpu.memory_space<vmem>>, vector<1x1024xf32>
    %dot_general3A_77 = arith.constant dense<0.000000e+00> : vector<78x1xf32>
    %dot_general3A_78 = tpu.matmul %get3A_68, %get3A_76, %dot_general3A_77 {dimension_numbers = #tpu.dot_dimension_numbers<[1], [1], [0], [0], [0, 0, 1, 0], [], []>, transpose_lhs_hint = false} : vector<78x1024xf32>, vector<1x1024xf32>, vector<78x1xf32> -> vector<78x1xf32>
    %get3A_79 = arith.constant 0 : index
    %get3A_80 = arith.constant 6144 : index
    %get3A_81 = vector.load %arg1[%get3A_79, %get3A_80] : memref<78x10240xf32, #tpu.memory_space<vmem>>, vector<78x1024xf32>
    %get3A_82 = arith.constant 6 : index
    %get3A_83 = arith.constant 0 : index
    %get3A_84 = vector.load %arg2[%get3A_82, %get3A_83] : memref<10x1024xf32, #tpu.memory_space<vmem>>, vector<1x1024xf32>
    %dot_general3A_85 = arith.constant dense<0.000000e+00> : vector<78x1xf32>
    %dot_general3A_86 = tpu.matmul %get3A_81, %get3A_84, %dot_general3A_85 {dimension_numbers = #tpu.dot_dimension_numbers<[1], [1], [0], [0], [0, 0, 1, 0], [], []>, transpose_lhs_hint = false} : vector<78x1024xf32>, vector<1x1024xf32>, vector<78x1xf32> -> vector<78x1xf32>
    %get3A_87 = arith.constant 6 : index
    %get3A_88 = arith.constant 0 : index
    %get3A_89 = vector.load %arg3[%get3A_87, %get3A_88] : memref<10x1024xf32, #tpu.memory_space<vmem>>, vector<1x1024xf32>
    %dot_general3A_90 = arith.constant dense<0.000000e+00> : vector<78x1xf32>
    %dot_general3A_91 = tpu.matmul %get3A_81, %get3A_89, %dot_general3A_90 {dimension_numbers = #tpu.dot_dimension_numbers<[1], [1], [0], [0], [0, 0, 1, 0], [], []>, transpose_lhs_hint = false} : vector<78x1024xf32>, vector<1x1024xf32>, vector<78x1xf32> -> vector<78x1xf32>
    %get3A_92 = arith.constant 0 : index
    %get3A_93 = arith.constant 7168 : index
    %get3A_94 = vector.load %arg1[%get3A_92, %get3A_93] : memref<78x10240xf32, #tpu.memory_space<vmem>>, vector<78x1024xf32>
    %get3A_95 = arith.constant 7 : index
    %get3A_96 = arith.constant 0 : index
    %get3A_97 = vector.load %arg2[%get3A_95, %get3A_96] : memref<10x1024xf32, #tpu.memory_space<vmem>>, vector<1x1024xf32>
    %dot_general3A_98 = arith.constant dense<0.000000e+00> : vector<78x1xf32>
    %dot_general3A_99 = tpu.matmul %get3A_94, %get3A_97, %dot_general3A_98 {dimension_numbers = #tpu.dot_dimension_numbers<[1], [1], [0], [0], [0, 0, 1, 0], [], []>, transpose_lhs_hint = false} : vector<78x1024xf32>, vector<1x1024xf32>, vector<78x1xf32> -> vector<78x1xf32>
    %get3A_100 = arith.constant 7 : index
    %get3A_101 = arith.constant 0 : index
    %get3A_102 = vector.load %arg3[%get3A_100, %get3A_101] : memref<10x1024xf32, #tpu.memory_space<vmem>>, vector<1x1024xf32>
    %dot_general3A_103 = arith.constant dense<0.000000e+00> : vector<78x1xf32>
    %dot_general3A_104 = tpu.matmul %get3A_94, %get3A_102, %dot_general3A_103 {dimension_numbers = #tpu.dot_dimension_numbers<[1], [1], [0], [0], [0, 0, 1, 0], [], []>, transpose_lhs_hint = false} : vector<78x1024xf32>, vector<1x1024xf32>, vector<78x1xf32> -> vector<78x1xf32>
    %get3A_105 = arith.constant 0 : index
    %get3A_106 = arith.constant 8192 : index
    %get3A_107 = vector.load %arg1[%get3A_105, %get3A_106] : memref<78x10240xf32, #tpu.memory_space<vmem>>, vector<78x1024xf32>
    %get3A_108 = arith.constant 8 : index
    %get3A_109 = arith.constant 0 : index
    %get3A_110 = vector.load %arg2[%get3A_108, %get3A_109] : memref<10x1024xf32, #tpu.memory_space<vmem>>, vector<1x1024xf32>
    %dot_general3A_111 = arith.constant dense<0.000000e+00> : vector<78x1xf32>
    %dot_general3A_112 = tpu.matmul %get3A_107, %get3A_110, %dot_general3A_111 {dimension_numbers = #tpu.dot_dimension_numbers<[1], [1], [0], [0], [0, 0, 1, 0], [], []>, transpose_lhs_hint = false} : vector<78x1024xf32>, vector<1x1024xf32>, vector<78x1xf32> -> vector<78x1xf32>
    %get3A_113 = arith.constant 8 : index
    %get3A_114 = arith.constant 0 : index
    %get3A_115 = vector.load %arg3[%get3A_113, %get3A_114] : memref<10x1024xf32, #tpu.memory_space<vmem>>, vector<1x1024xf32>
    %dot_general3A_116 = arith.constant dense<0.000000e+00> : vector<78x1xf32>
    %dot_general3A_117 = tpu.matmul %get3A_107, %get3A_115, %dot_general3A_116 {dimension_numbers = #tpu.dot_dimension_numbers<[1], [1], [0], [0], [0, 0, 1, 0], [], []>, transpose_lhs_hint = false} : vector<78x1024xf32>, vector<1x1024xf32>, vector<78x1xf32> -> vector<78x1xf32>
    %get3A_118 = arith.constant 0 : index
    %get3A_119 = arith.constant 9216 : index
    %get3A_120 = vector.load %arg1[%get3A_118, %get3A_119] : memref<78x10240xf32, #tpu.memory_space<vmem>>, vector<78x1024xf32>
    %get3A_121 = arith.constant 9 : index
    %get3A_122 = arith.constant 0 : index
    %get3A_123 = vector.load %arg2[%get3A_121, %get3A_122] : memref<10x1024xf32, #tpu.memory_space<vmem>>, vector<1x1024xf32>
    %dot_general3A_124 = arith.constant dense<0.000000e+00> : vector<78x1xf32>
    %dot_general3A_125 = tpu.matmul %get3A_120, %get3A_123, %dot_general3A_124 {dimension_numbers = #tpu.dot_dimension_numbers<[1], [1], [0], [0], [0, 0, 1, 0], [], []>, transpose_lhs_hint = false} : vector<78x1024xf32>, vector<1x1024xf32>, vector<78x1xf32> -> vector<78x1xf32>
    %get3A_126 = arith.constant 9 : index
    %get3A_127 = arith.constant 0 : index
    %get3A_128 = vector.load %arg3[%get3A_126, %get3A_127] : memref<10x1024xf32, #tpu.memory_space<vmem>>, vector<1x1024xf32>
    %dot_general3A_129 = arith.constant dense<0.000000e+00> : vector<78x1xf32>
    %dot_general3A_130 = tpu.matmul %get3A_120, %get3A_128, %dot_general3A_129 {dimension_numbers = #tpu.dot_dimension_numbers<[1], [1], [0], [0], [0, 0, 1, 0], [], []>, transpose_lhs_hint = false} : vector<78x1024xf32>, vector<1x1024xf32>, vector<78x1xf32> -> vector<78x1xf32>
    %concatenate3A = tpu.concatenate %dot_general3A_8, %dot_general3A_21, %dot_general3A_34, %dot_general3A_47, %dot_general3A_60, %dot_general3A_73, %dot_general3A_86, %dot_general3A_99, %dot_general3A_112, %dot_general3A_125 in 1 : vector<78x1xf32>, vector<78x1xf32>, vector<78x1xf32>, vector<78x1xf32>, vector<78x1xf32>, vector<78x1xf32>, vector<78x1xf32>, vector<78x1xf32>, vector<78x1xf32>, vector<78x1xf32> -> vector<78x10xf32>
    %concatenate3A_131 = tpu.concatenate %dot_general3A_13, %dot_general3A_26, %dot_general3A_39, %dot_general3A_52, %dot_general3A_65, %dot_general3A_78, %dot_general3A_91, %dot_general3A_104, %dot_general3A_117, %dot_general3A_130 in 1 : vector<78x1xf32>, vector<78x1xf32>, vector<78x1xf32>, vector<78x1xf32>, vector<78x1xf32>, vector<78x1xf32>, vector<78x1xf32>, vector<78x1xf32>, vector<78x1xf32>, vector<78x1xf32> -> vector<78x10xf32>
    %dot_general3A_132 = arith.constant dense<0.000000e+00> : vector<4096x10xf32>
    %dot_general3A_133 = tpu.matmul %get3A_1, %concatenate3A, %dot_general3A_132 {dimension_numbers = #tpu.dot_dimension_numbers<[1], [0], [0], [1], [0, 0, 1, 1], [], []>, transpose_lhs_hint = false} : vector<4096x78xf32>, vector<78x10xf32>, vector<4096x10xf32> -> vector<4096x10xf32>
    %swap3A = arith.constant 0 : index
    %swap3A_134 = arith.constant 0 : index
    %swap3A_135 = vector.load %arg4[%swap3A, %swap3A_134] : memref<4096x10xf32, #tpu.memory_space<vmem>>, vector<4096x10xf32>
    tpu.vector_store %arg4[%swap3A, %swap3A_134], %dot_general3A_133 {strides = array<i32>} : memref<4096x10xf32, #tpu.memory_space<vmem>>, vector<4096x10xf32>,
    %dot_general3A_136 = arith.constant dense<0.000000e+00> : vector<4096x10xf32>
    %dot_general3A_137 = tpu.matmul %get3A_1, %concatenate3A_131, %dot_general3A_136 {dimension_numbers = #tpu.dot_dimension_numbers<[1], [0], [0], [1], [0, 0, 1, 1], [], []>, transpose_lhs_hint = false} : vector<4096x78xf32>, vector<78x10xf32>, vector<4096x10xf32> -> vector<4096x10xf32>
    %swap3A_138 = arith.constant 0 : index
    %swap3A_139 = arith.constant 0 : index
    %swap3A_140 = vector.load %arg5[%swap3A_138, %swap3A_139] : memref<4096x10xf32, #tpu.memory_space<vmem>>, vector<4096x10xf32>
    tpu.vector_store %arg5[%swap3A_138, %swap3A_139], %dot_general3A_137 {strides = array<i32>} : memref<4096x10xf32, #tpu.memory_space<vmem>>, vector<4096x10xf32>,
    return
  }
}

module attributes {stable_mosaic.version = 14 : i64} {
  func.func @_edge1_body(%arg0: i32, %arg1: memref<1x2048x10xf32, #tpu.memory_space<vmem>>, %arg2: memref<1x2048x10xf32, #tpu.memory_space<vmem>>, %arg3: memref<1x2048x78xf32, #tpu.memory_space<vmem>>, %arg4: memref<1x512x1xi32, #tpu.memory_space<vmem>>, %arg5: memref<1x512x1xi32, #tpu.memory_space<vmem>>, %arg6: memref<1x2048x1280xf32, #tpu.memory_space<vmem>>) attributes {dimension_semantics = [#tpu.dimension_semantics<arbitrary>], iteration_bounds = array<i64: 16>, scalar_prefetch = 0 : i64, scratch_operands = 0 : i64, tpu.core_type = #tpu.core_type<tc>, window_params = [{transform_indices = @transform_0, window_bounds = array<i64: 1, 2048, 10>}, {transform_indices = @transform_1, window_bounds = array<i64: 1, 2048, 10>}, {transform_indices = @transform_2, window_bounds = array<i64: 1, 2048, 78>}, {transform_indices = @transform_3, window_bounds = array<i64: 1, 512, 1>}, {transform_indices = @transform_4, window_bounds = array<i64: 1, 512, 1>}, {transform_indices = @transform_5, window_bounds = array<i64: 1, 2048, 1280>}]} {
    %get3A = arith.constant 0 : index
    %get3A_0 = arith.constant 0 : index
    %get3A_1 = arith.constant 0 : index
    %get3A_2 = vector.load %arg4[%get3A, %get3A_0, %get3A_1] : memref<1x512x1xi32, #tpu.memory_space<vmem>>, vector<1x512x1xi32>
    %get3A_3 = vector.shape_cast %get3A_2 : vector<1x512x1xi32> to vector<512x1xi32>
    %get3A_4 = arith.constant 0 : index
    %get3A_5 = arith.constant 0 : index
    %get3A_6 = arith.constant 0 : index
    %get3A_7 = vector.load %arg5[%get3A_4, %get3A_5, %get3A_6] : memref<1x512x1xi32, #tpu.memory_space<vmem>>, vector<1x512x1xi32>
    %get3A_8 = vector.shape_cast %get3A_7 : vector<1x512x1xi32> to vector<512x1xi32>
    %iota3A = tpu.iota {dimensions = array<i32: 1>} : vector<512x2048xi32>
    %eq3A = vector.broadcast %get3A_3 : vector<512x1xi32> to vector<512x2048xi32>
    %eq3A_9 = arith.cmpi eq, %iota3A, %eq3A : vector<512x2048xi32>
    %convert_element_type3A = arith.extui %eq3A_9 : vector<512x2048xi1> to vector<512x2048xi32>
    %convert_element_type3A_10 = arith.sitofp %convert_element_type3A : vector<512x2048xi32> to vector<512x2048xf32>
    %eq3A_11 = vector.broadcast %get3A_8 : vector<512x1xi32> to vector<512x2048xi32>
    %eq3A_12 = arith.cmpi eq, %iota3A, %eq3A_11 : vector<512x2048xi32>
    %convert_element_type3A_13 = arith.extui %eq3A_12 : vector<512x2048xi1> to vector<512x2048xi32>
    %convert_element_type3A_14 = arith.sitofp %convert_element_type3A_13 : vector<512x2048xi32> to vector<512x2048xf32>
    %get3A_15 = arith.constant 0 : index
    %get3A_16 = arith.constant 0 : index
    %get3A_17 = arith.constant 0 : index
    %get3A_18 = vector.load %arg1[%get3A_15, %get3A_16, %get3A_17] : memref<1x2048x10xf32, #tpu.memory_space<vmem>>, vector<1x2048x10xf32>
    %get3A_19 = vector.shape_cast %get3A_18 : vector<1x2048x10xf32> to vector<2048x10xf32>
    %dot_general3A = arith.constant dense<0.000000e+00> : vector<512x10xf32>
    %dot_general3A_20 = tpu.matmul %convert_element_type3A_10, %get3A_19, %dot_general3A {dimension_numbers = #tpu.dot_dimension_numbers<[1], [0], [0], [1], [0, 0, 1, 1], [], []>, transpose_lhs_hint = false} : vector<512x2048xf32>, vector<2048x10xf32>, vector<512x10xf32> -> vector<512x10xf32>
    %get3A_21 = arith.constant 0 : index
    %get3A_22 = arith.constant 0 : index
    %get3A_23 = arith.constant 0 : index
    %get3A_24 = vector.load %arg2[%get3A_21, %get3A_22, %get3A_23] : memref<1x2048x10xf32, #tpu.memory_space<vmem>>, vector<1x2048x10xf32>
    %get3A_25 = vector.shape_cast %get3A_24 : vector<1x2048x10xf32> to vector<2048x10xf32>
    %dot_general3A_26 = arith.constant dense<0.000000e+00> : vector<512x10xf32>
    %dot_general3A_27 = tpu.matmul %convert_element_type3A_14, %get3A_25, %dot_general3A_26 {dimension_numbers = #tpu.dot_dimension_numbers<[1], [0], [0], [1], [0, 0, 1, 1], [], []>, transpose_lhs_hint = false} : vector<512x2048xf32>, vector<2048x10xf32>, vector<512x10xf32> -> vector<512x10xf32>
    %add3A = arith.addf %dot_general3A_20, %dot_general3A_27 : vector<512x10xf32>
    %ge3A = arith.constant 0.000000e+00 : f32
    %ge3A_28 = vector.broadcast %ge3A : f32 to vector<512x10xf32>
    %ge3A_29 = arith.cmpf oge, %add3A, %ge3A_28 : vector<512x10xf32>
    %mul3A = arith.constant 2.000000e-01 : f32
    %mul3A_30 = vector.broadcast %mul3A : f32 to vector<512x10xf32>
    %mul3A_31 = arith.mulf %mul3A_30, %add3A : vector<512x10xf32>
    %select_n3A = arith.select %ge3A_29, %add3A, %mul3A_31 : vector<512x10xi1>, vector<512x10xf32>
    %exp3A = math.exp %select_n3A : vector<512x10xf32>
    %get3A_32 = arith.constant 0 : index
    %get3A_33 = arith.constant 0 : index
    %get3A_34 = arith.constant 0 : index
    %get3A_35 = vector.load %arg3[%get3A_32, %get3A_33, %get3A_34] : memref<1x2048x78xf32, #tpu.memory_space<vmem>>, vector<1x2048x78xf32>
    %get3A_36 = vector.shape_cast %get3A_35 : vector<1x2048x78xf32> to vector<2048x78xf32>
    %dot_general3A_37 = arith.constant dense<0.000000e+00> : vector<512x78xf32>
    %dot_general3A_38 = tpu.matmul %convert_element_type3A_10, %get3A_36, %dot_general3A_37 {dimension_numbers = #tpu.dot_dimension_numbers<[1], [0], [0], [1], [0, 0, 1, 1], [], []>, transpose_lhs_hint = false} : vector<512x2048xf32>, vector<2048x78xf32>, vector<512x78xf32> -> vector<512x78xf32>
    %broadcast_in_dim3A = arith.constant 1.000000e+00 : f32
    %broadcast_in_dim3A_39 = vector.broadcast %broadcast_in_dim3A : f32 to vector<512x1xf32>
    %broadcast_in_dim3A_40 = arith.constant 0.000000e+00 : f32
    %broadcast_in_dim3A_41 = vector.broadcast %broadcast_in_dim3A_40 : f32 to vector<512x49xf32>
    %concatenate3A = tpu.concatenate %dot_general3A_38, %broadcast_in_dim3A_39, %broadcast_in_dim3A_41 in 1 : vector<512x78xf32>, vector<512x1xf32>, vector<512x49xf32> -> vector<512x128xf32>
    %slice3A = vector.extract_strided_slice %exp3A {offsets = [0, 0], sizes = [512, 1], strides = [1, 1]} : vector<512x10xf32> to vector<512x1xf32>
    %mul3A_42 = vector.broadcast %slice3A : vector<512x1xf32> to vector<512x128xf32>
    %mul3A_43 = arith.mulf %mul3A_42, %concatenate3A : vector<512x128xf32>
    %slice3A_44 = vector.extract_strided_slice %exp3A {offsets = [0, 1], sizes = [512, 1], strides = [1, 1]} : vector<512x10xf32> to vector<512x1xf32>
    %mul3A_45 = vector.broadcast %slice3A_44 : vector<512x1xf32> to vector<512x128xf32>
    %mul3A_46 = arith.mulf %mul3A_45, %concatenate3A : vector<512x128xf32>
    %slice3A_47 = vector.extract_strided_slice %exp3A {offsets = [0, 2], sizes = [512, 1], strides = [1, 1]} : vector<512x10xf32> to vector<512x1xf32>
    %mul3A_48 = vector.broadcast %slice3A_47 : vector<512x1xf32> to vector<512x128xf32>
    %mul3A_49 = arith.mulf %mul3A_48, %concatenate3A : vector<512x128xf32>
    %slice3A_50 = vector.extract_strided_slice %exp3A {offsets = [0, 3], sizes = [512, 1], strides = [1, 1]} : vector<512x10xf32> to vector<512x1xf32>
    %mul3A_51 = vector.broadcast %slice3A_50 : vector<512x1xf32> to vector<512x128xf32>
    %mul3A_52 = arith.mulf %mul3A_51, %concatenate3A : vector<512x128xf32>
    %slice3A_53 = vector.extract_strided_slice %exp3A {offsets = [0, 4], sizes = [512, 1], strides = [1, 1]} : vector<512x10xf32> to vector<512x1xf32>
    %mul3A_54 = vector.broadcast %slice3A_53 : vector<512x1xf32> to vector<512x128xf32>
    %mul3A_55 = arith.mulf %mul3A_54, %concatenate3A : vector<512x128xf32>
    %slice3A_56 = vector.extract_strided_slice %exp3A {offsets = [0, 5], sizes = [512, 1], strides = [1, 1]} : vector<512x10xf32> to vector<512x1xf32>
    %mul3A_57 = vector.broadcast %slice3A_56 : vector<512x1xf32> to vector<512x128xf32>
    %mul3A_58 = arith.mulf %mul3A_57, %concatenate3A : vector<512x128xf32>
    %slice3A_59 = vector.extract_strided_slice %exp3A {offsets = [0, 6], sizes = [512, 1], strides = [1, 1]} : vector<512x10xf32> to vector<512x1xf32>
    %mul3A_60 = vector.broadcast %slice3A_59 : vector<512x1xf32> to vector<512x128xf32>
    %mul3A_61 = arith.mulf %mul3A_60, %concatenate3A : vector<512x128xf32>
    %slice3A_62 = vector.extract_strided_slice %exp3A {offsets = [0, 7], sizes = [512, 1], strides = [1, 1]} : vector<512x10xf32> to vector<512x1xf32>
    %mul3A_63 = vector.broadcast %slice3A_62 : vector<512x1xf32> to vector<512x128xf32>
    %mul3A_64 = arith.mulf %mul3A_63, %concatenate3A : vector<512x128xf32>
    %slice3A_65 = vector.extract_strided_slice %exp3A {offsets = [0, 8], sizes = [512, 1], strides = [1, 1]} : vector<512x10xf32> to vector<512x1xf32>
    %mul3A_66 = vector.broadcast %slice3A_65 : vector<512x1xf32> to vector<512x128xf32>
    %mul3A_67 = arith.mulf %mul3A_66, %concatenate3A : vector<512x128xf32>
    %slice3A_68 = vector.extract_strided_slice %exp3A {offsets = [0, 9], sizes = [512, 1], strides = [1, 1]} : vector<512x10xf32> to vector<512x1xf32>
    %mul3A_69 = vector.broadcast %slice3A_68 : vector<512x1xf32> to vector<512x128xf32>
    %mul3A_70 = arith.mulf %mul3A_69, %concatenate3A : vector<512x128xf32>
    %concatenate3A_71 = tpu.concatenate %mul3A_43, %mul3A_46, %mul3A_49, %mul3A_52, %mul3A_55, %mul3A_58, %mul3A_61, %mul3A_64, %mul3A_67, %mul3A_70 in 1 : vector<512x128xf32>, vector<512x128xf32>, vector<512x128xf32>, vector<512x128xf32>, vector<512x128xf32>, vector<512x128xf32>, vector<512x128xf32>, vector<512x128xf32>, vector<512x128xf32>, vector<512x128xf32> -> vector<512x1280xf32>
    %jit3A = arith.constant 8 : i32
    %eq3A_72 = arith.constant 0 : i32
    %eq3A_73 = arith.cmpi eq, %jit3A, %eq3A_72 : i32
    %jit3A_74 = arith.constant 1 : i32
    %select_n3A_75 = arith.select %eq3A_73, %jit3A_74, %jit3A : i32
    %rem3A = arith.remsi %arg0, %select_n3A_75 : i32
    %ne3A = arith.constant 0 : i32
    %ne3A_76 = arith.cmpi ne, %rem3A, %ne3A : i32
    %lt3A = arith.constant 0 : i32
    %lt3A_77 = arith.cmpi slt, %rem3A, %lt3A : i32
    %lt3A_78 = arith.constant 0 : i32
    %lt3A_79 = arith.cmpi slt, %select_n3A_75, %lt3A_78 : i32
    %ne3A_80 = arith.xori %lt3A_77, %lt3A_79 : i1
    %and3A = arith.andi %ne3A_80, %ne3A_76 : i1
    %add3A_81 = arith.addi %rem3A, %select_n3A_75 : i32
    %select_n3A_82 = arith.select %and3A, %add3A_81, %rem3A : i32
    %eq3A_83 = arith.constant 0 : i32
    %eq3A_84 = arith.cmpi eq, %select_n3A_82, %eq3A_83 : i32
    %convert_element_type3A_85 = arith.extui %eq3A_84 : i1 to i32
    %cond3A = arith.constant 0 : i32
    %cond3A_86 = arith.cmpi ne, %convert_element_type3A_85, %cond3A : i32
    scf.if %cond3A_86 {
      %broadcast_in_dim3A_121 = arith.constant 0.000000e+00 : f32
      %broadcast_in_dim3A_122 = vector.broadcast %broadcast_in_dim3A_121 : f32 to vector<2048x1280xf32>
      %swap3A_123 = arith.constant 0 : index
      %swap3A_124 = arith.constant 0 : index
      %swap3A_125 = arith.constant 0 : index
      %swap3A_126 = vector.load %arg6[%swap3A_123, %swap3A_124, %swap3A_125] : memref<1x2048x1280xf32, #tpu.memory_space<vmem>>, vector<1x2048x1280xf32>
      %swap3A_127 = vector.shape_cast %swap3A_126 : vector<1x2048x1280xf32> to vector<2048x1280xf32>
      %swap3A_128 = vector.shape_cast %broadcast_in_dim3A_122 : vector<2048x1280xf32> to vector<1x2048x1280xf32>
      tpu.vector_store %arg6[%swap3A_123, %swap3A_124, %swap3A_125], %swap3A_128 {strides = array<i32>} : memref<1x2048x1280xf32, #tpu.memory_space<vmem>>, vector<1x2048x1280xf32>,
    } else {
    }
    %get3A_87 = arith.constant 0 : index
    %get3A_88 = arith.constant 0 : index
    %get3A_89 = arith.constant 0 : index
    %get3A_90 = vector.load %arg6[%get3A_87, %get3A_88, %get3A_89] : memref<1x2048x1280xf32, #tpu.memory_space<vmem>>, vector<1x2048x1280xf32>
    %get3A_91 = vector.shape_cast %get3A_90 : vector<1x2048x1280xf32> to vector<2048x1280xf32>
    %dot_general3A_92 = arith.constant dense<0.000000e+00> : vector<2048x1280xf32>
    %dot_general3A_93 = tpu.matmul %convert_element_type3A_14, %concatenate3A_71, %dot_general3A_92 {dimension_numbers = #tpu.dot_dimension_numbers<[0], [0], [1], [1], [0, 1, 1, 1], [], []>, transpose_lhs_hint = false} : vector<512x2048xf32>, vector<512x1280xf32>, vector<2048x1280xf32> -> vector<2048x1280xf32>
    %add3A_94 = arith.addf %get3A_91, %dot_general3A_93 : vector<2048x1280xf32>
    %swap3A = arith.constant 0 : index
    %swap3A_95 = arith.constant 0 : index
    %swap3A_96 = arith.constant 0 : index
    %swap3A_97 = vector.load %arg6[%swap3A, %swap3A_95, %swap3A_96] : memref<1x2048x1280xf32, #tpu.memory_space<vmem>>, vector<1x2048x1280xf32>
    %swap3A_98 = vector.shape_cast %swap3A_97 : vector<1x2048x1280xf32> to vector<2048x1280xf32>
    %swap3A_99 = vector.shape_cast %add3A_94 : vector<2048x1280xf32> to vector<1x2048x1280xf32>
    tpu.vector_store %arg6[%swap3A, %swap3A_95, %swap3A_96], %swap3A_99 {strides = array<i32>} : memref<1x2048x1280xf32, #tpu.memory_space<vmem>>, vector<1x2048x1280xf32>,
    %jit3A_100 = arith.constant 8 : i32
    %eq3A_101 = arith.constant 0 : i32
    %eq3A_102 = arith.cmpi eq, %jit3A_100, %eq3A_101 : i32
    %jit3A_103 = arith.constant 1 : i32
    %select_n3A_104 = arith.select %eq3A_102, %jit3A_103, %jit3A_100 : i32
    %rem3A_105 = arith.remsi %arg0, %select_n3A_104 : i32
    %ne3A_106 = arith.constant 0 : i32
    %ne3A_107 = arith.cmpi ne, %rem3A_105, %ne3A_106 : i32
    %lt3A_108 = arith.constant 0 : i32
    %lt3A_109 = arith.cmpi slt, %rem3A_105, %lt3A_108 : i32
    %lt3A_110 = arith.constant 0 : i32
    %lt3A_111 = arith.cmpi slt, %select_n3A_104, %lt3A_110 : i32
    %ne3A_112 = arith.xori %lt3A_109, %lt3A_111 : i1
    %and3A_113 = arith.andi %ne3A_112, %ne3A_107 : i1
    %add3A_114 = arith.addi %rem3A_105, %select_n3A_104 : i32
    %select_n3A_115 = arith.select %and3A_113, %add3A_114, %rem3A_105 : i32
    %lt3A_116 = arith.constant 4 : i32
    %lt3A_117 = arith.cmpi slt, %select_n3A_115, %lt3A_116 : i32
    %convert_element_type3A_118 = arith.extui %lt3A_117 : i1 to i32
    %cond3A_119 = arith.constant 0 : i32
    %cond3A_120 = arith.cmpi ne, %convert_element_type3A_118, %cond3A_119 : i32
    scf.if %cond3A_120 {
      %mul3A_121 = arith.constant 512 : i32
      %mul3A_122 = arith.muli %select_n3A_115, %mul3A_121 : i32
      %get3A_123 = arith.constant 0 : index
      %get3A_124 = arith.index_cast %mul3A_122 : i32 to index
      %get3A_125 = arith.constant 0 : index
      %get3A_126 = vector.load %arg1[%get3A_123, %get3A_124, %get3A_125] : memref<1x2048x10xf32, #tpu.memory_space<vmem>>, vector<1x512x10xf32>
      %get3A_127 = vector.shape_cast %get3A_126 : vector<1x512x10xf32> to vector<512x10xf32>
      %get3A_128 = arith.constant 0 : index
      %get3A_129 = arith.index_cast %mul3A_122 : i32 to index
      %get3A_130 = arith.constant 0 : index
      %get3A_131 = vector.load %arg2[%get3A_128, %get3A_129, %get3A_130] : memref<1x2048x10xf32, #tpu.memory_space<vmem>>, vector<1x512x10xf32>
      %get3A_132 = vector.shape_cast %get3A_131 : vector<1x512x10xf32> to vector<512x10xf32>
      %get3A_133 = arith.constant 0 : index
      %get3A_134 = arith.index_cast %mul3A_122 : i32 to index
      %get3A_135 = arith.constant 0 : index
      %get3A_136 = vector.load %arg3[%get3A_133, %get3A_134, %get3A_135] : memref<1x2048x78xf32, #tpu.memory_space<vmem>>, vector<1x512x78xf32>
      %get3A_137 = vector.shape_cast %get3A_136 : vector<1x512x78xf32> to vector<512x78xf32>
      %add3A_138 = arith.addf %get3A_127, %get3A_132 : vector<512x10xf32>
      %ge3A_139 = arith.constant 0.000000e+00 : f32
      %ge3A_140 = vector.broadcast %ge3A_139 : f32 to vector<512x10xf32>
      %ge3A_141 = arith.cmpf oge, %add3A_138, %ge3A_140 : vector<512x10xf32>
      %mul3A_142 = arith.constant 2.000000e-01 : f32
      %mul3A_143 = vector.broadcast %mul3A_142 : f32 to vector<512x10xf32>
      %mul3A_144 = arith.mulf %mul3A_143, %add3A_138 : vector<512x10xf32>
      %select_n3A_145 = arith.select %ge3A_141, %add3A_138, %mul3A_144 : vector<512x10xi1>, vector<512x10xf32>
      %exp3A_146 = math.exp %select_n3A_145 : vector<512x10xf32>
      %broadcast_in_dim3A_147 = arith.constant 1.000000e+00 : f32
      %broadcast_in_dim3A_148 = vector.broadcast %broadcast_in_dim3A_147 : f32 to vector<512x1xf32>
      %broadcast_in_dim3A_149 = arith.constant 0.000000e+00 : f32
      %broadcast_in_dim3A_150 = vector.broadcast %broadcast_in_dim3A_149 : f32 to vector<512x49xf32>
      %concatenate3A_151 = tpu.concatenate %get3A_137, %broadcast_in_dim3A_148, %broadcast_in_dim3A_150 in 1 : vector<512x78xf32>, vector<512x1xf32>, vector<512x49xf32> -> vector<512x128xf32>
      %slice3A_152 = vector.extract_strided_slice %exp3A_146 {offsets = [0, 0], sizes = [512, 1], strides = [1, 1]} : vector<512x10xf32> to vector<512x1xf32>
      %mul3A_153 = vector.broadcast %slice3A_152 : vector<512x1xf32> to vector<512x128xf32>
      %mul3A_154 = arith.mulf %mul3A_153, %concatenate3A_151 : vector<512x128xf32>
      %slice3A_155 = vector.extract_strided_slice %exp3A_146 {offsets = [0, 1], sizes = [512, 1], strides = [1, 1]} : vector<512x10xf32> to vector<512x1xf32>
      %mul3A_156 = vector.broadcast %slice3A_155 : vector<512x1xf32> to vector<512x128xf32>
      %mul3A_157 = arith.mulf %mul3A_156, %concatenate3A_151 : vector<512x128xf32>
      %slice3A_158 = vector.extract_strided_slice %exp3A_146 {offsets = [0, 2], sizes = [512, 1], strides = [1, 1]} : vector<512x10xf32> to vector<512x1xf32>
      %mul3A_159 = vector.broadcast %slice3A_158 : vector<512x1xf32> to vector<512x128xf32>
      %mul3A_160 = arith.mulf %mul3A_159, %concatenate3A_151 : vector<512x128xf32>
      %slice3A_161 = vector.extract_strided_slice %exp3A_146 {offsets = [0, 3], sizes = [512, 1], strides = [1, 1]} : vector<512x10xf32> to vector<512x1xf32>
      %mul3A_162 = vector.broadcast %slice3A_161 : vector<512x1xf32> to vector<512x128xf32>
      %mul3A_163 = arith.mulf %mul3A_162, %concatenate3A_151 : vector<512x128xf32>
      %slice3A_164 = vector.extract_strided_slice %exp3A_146 {offsets = [0, 4], sizes = [512, 1], strides = [1, 1]} : vector<512x10xf32> to vector<512x1xf32>
      %mul3A_165 = vector.broadcast %slice3A_164 : vector<512x1xf32> to vector<512x128xf32>
      %mul3A_166 = arith.mulf %mul3A_165, %concatenate3A_151 : vector<512x128xf32>
      %slice3A_167 = vector.extract_strided_slice %exp3A_146 {offsets = [0, 5], sizes = [512, 1], strides = [1, 1]} : vector<512x10xf32> to vector<512x1xf32>
      %mul3A_168 = vector.broadcast %slice3A_167 : vector<512x1xf32> to vector<512x128xf32>
      %mul3A_169 = arith.mulf %mul3A_168, %concatenate3A_151 : vector<512x128xf32>
      %slice3A_170 = vector.extract_strided_slice %exp3A_146 {offsets = [0, 6], sizes = [512, 1], strides = [1, 1]} : vector<512x10xf32> to vector<512x1xf32>
      %mul3A_171 = vector.broadcast %slice3A_170 : vector<512x1xf32> to vector<512x128xf32>
      %mul3A_172 = arith.mulf %mul3A_171, %concatenate3A_151 : vector<512x128xf32>
      %slice3A_173 = vector.extract_strided_slice %exp3A_146 {offsets = [0, 7], sizes = [512, 1], strides = [1, 1]} : vector<512x10xf32> to vector<512x1xf32>
      %mul3A_174 = vector.broadcast %slice3A_173 : vector<512x1xf32> to vector<512x128xf32>
      %mul3A_175 = arith.mulf %mul3A_174, %concatenate3A_151 : vector<512x128xf32>
      %slice3A_176 = vector.extract_strided_slice %exp3A_146 {offsets = [0, 8], sizes = [512, 1], strides = [1, 1]} : vector<512x10xf32> to vector<512x1xf32>
      %mul3A_177 = vector.broadcast %slice3A_176 : vector<512x1xf32> to vector<512x128xf32>
      %mul3A_178 = arith.mulf %mul3A_177, %concatenate3A_151 : vector<512x128xf32>
      %slice3A_179 = vector.extract_strided_slice %exp3A_146 {offsets = [0, 9], sizes = [512, 1], strides = [1, 1]} : vector<512x10xf32> to vector<512x1xf32>
      %mul3A_180 = vector.broadcast %slice3A_179 : vector<512x1xf32> to vector<512x128xf32>
      %mul3A_181 = arith.mulf %mul3A_180, %concatenate3A_151 : vector<512x128xf32>
      %concatenate3A_182 = tpu.concatenate %mul3A_154, %mul3A_157, %mul3A_160, %mul3A_163, %mul3A_166, %mul3A_169, %mul3A_172, %mul3A_175, %mul3A_178, %mul3A_181 in 1 : vector<512x128xf32>, vector<512x128xf32>, vector<512x128xf32>, vector<512x128xf32>, vector<512x128xf32>, vector<512x128xf32>, vector<512x128xf32>, vector<512x128xf32>, vector<512x128xf32>, vector<512x128xf32> -> vector<512x1280xf32>
      %get3A_183 = arith.constant 0 : index
      %get3A_184 = arith.index_cast %mul3A_122 : i32 to index
      %get3A_185 = arith.constant 0 : index
      %get3A_186 = vector.load %arg6[%get3A_183, %get3A_184, %get3A_185] : memref<1x2048x1280xf32, #tpu.memory_space<vmem>>, vector<1x512x1280xf32>
      %get3A_187 = vector.shape_cast %get3A_186 : vector<1x512x1280xf32> to vector<512x1280xf32>
      %add3A_188 = arith.addf %get3A_187, %concatenate3A_182 : vector<512x1280xf32>
      %swap3A_189 = arith.constant 0 : index
      %swap3A_190 = arith.index_cast %mul3A_122 : i32 to index
      %swap3A_191 = arith.constant 0 : index
      %swap3A_192 = vector.load %arg6[%swap3A_189, %swap3A_190, %swap3A_191] : memref<1x2048x1280xf32, #tpu.memory_space<vmem>>, vector<1x512x1280xf32>
      %swap3A_193 = vector.shape_cast %swap3A_192 : vector<1x512x1280xf32> to vector<512x1280xf32>
      %swap3A_194 = vector.shape_cast %add3A_188 : vector<512x1280xf32> to vector<1x512x1280xf32>
      tpu.vector_store %arg6[%swap3A_189, %swap3A_190, %swap3A_191], %swap3A_194 {strides = array<i32>} : memref<1x2048x1280xf32, #tpu.memory_space<vmem>>, vector<1x512x1280xf32>,
    } else {
    }
    return
  }
  func.func @transform_0(%arg0: i32) -> (i32, i32, i32) {
    %jit3A = arith.constant 8 : i32
    %div3A = arith.divsi %arg0, %jit3A : i32
    %sign3A = arith.constant 0 : i32
    %sign3A_0 = arith.cmpi sgt, %arg0, %sign3A : i32
    %sign3A_1 = arith.extui %sign3A_0 : i1 to i32
    %sign3A_2 = arith.constant 0 : i32
    %sign3A_3 = arith.cmpi slt, %arg0, %sign3A_2 : i32
    %sign3A_4 = arith.extui %sign3A_3 : i1 to i32
    %sign3A_5 = arith.subi %sign3A_1, %sign3A_4 : i32
    %sign3A_6 = arith.constant 0 : i32
    %sign3A_7 = arith.cmpi sgt, %jit3A, %sign3A_6 : i32
    %sign3A_8 = arith.extui %sign3A_7 : i1 to i32
    %sign3A_9 = arith.constant 0 : i32
    %sign3A_10 = arith.cmpi slt, %jit3A, %sign3A_9 : i32
    %sign3A_11 = arith.extui %sign3A_10 : i1 to i32
    %sign3A_12 = arith.subi %sign3A_8, %sign3A_11 : i32
    %ne3A = arith.cmpi ne, %sign3A_5, %sign3A_12 : i32
    %rem3A = arith.remsi %arg0, %jit3A : i32
    %ne3A_13 = arith.constant 0 : i32
    %ne3A_14 = arith.cmpi ne, %rem3A, %ne3A_13 : i32
    %and3A = arith.andi %ne3A, %ne3A_14 : i1
    %sub3A = arith.constant 1 : i32
    %sub3A_15 = arith.subi %div3A, %sub3A : i32
    %select_n3A = arith.select %and3A, %sub3A_15, %div3A : i32
    %c0_i32 = arith.constant 0 : i32
    %c0_i32_16 = arith.constant 0 : i32
    %c0_i32_17 = arith.constant 0 : i32
    return %select_n3A, %c0_i32, %c0_i32_16 : i32, i32, i32
  }
  func.func @transform_1(%arg0: i32) -> (i32, i32, i32) {
    %jit3A = arith.constant 8 : i32
    %div3A = arith.divsi %arg0, %jit3A : i32
    %sign3A = arith.constant 0 : i32
    %sign3A_0 = arith.cmpi sgt, %arg0, %sign3A : i32
    %sign3A_1 = arith.extui %sign3A_0 : i1 to i32
    %sign3A_2 = arith.constant 0 : i32
    %sign3A_3 = arith.cmpi slt, %arg0, %sign3A_2 : i32
    %sign3A_4 = arith.extui %sign3A_3 : i1 to i32
    %sign3A_5 = arith.subi %sign3A_1, %sign3A_4 : i32
    %sign3A_6 = arith.constant 0 : i32
    %sign3A_7 = arith.cmpi sgt, %jit3A, %sign3A_6 : i32
    %sign3A_8 = arith.extui %sign3A_7 : i1 to i32
    %sign3A_9 = arith.constant 0 : i32
    %sign3A_10 = arith.cmpi slt, %jit3A, %sign3A_9 : i32
    %sign3A_11 = arith.extui %sign3A_10 : i1 to i32
    %sign3A_12 = arith.subi %sign3A_8, %sign3A_11 : i32
    %ne3A = arith.cmpi ne, %sign3A_5, %sign3A_12 : i32
    %rem3A = arith.remsi %arg0, %jit3A : i32
    %ne3A_13 = arith.constant 0 : i32
    %ne3A_14 = arith.cmpi ne, %rem3A, %ne3A_13 : i32
    %and3A = arith.andi %ne3A, %ne3A_14 : i1
    %sub3A = arith.constant 1 : i32
    %sub3A_15 = arith.subi %div3A, %sub3A : i32
    %select_n3A = arith.select %and3A, %sub3A_15, %div3A : i32
    %c0_i32 = arith.constant 0 : i32
    %c0_i32_16 = arith.constant 0 : i32
    %c0_i32_17 = arith.constant 0 : i32
    return %select_n3A, %c0_i32, %c0_i32_16 : i32, i32, i32
  }
  func.func @transform_2(%arg0: i32) -> (i32, i32, i32) {
    %jit3A = arith.constant 8 : i32
    %div3A = arith.divsi %arg0, %jit3A : i32
    %sign3A = arith.constant 0 : i32
    %sign3A_0 = arith.cmpi sgt, %arg0, %sign3A : i32
    %sign3A_1 = arith.extui %sign3A_0 : i1 to i32
    %sign3A_2 = arith.constant 0 : i32
    %sign3A_3 = arith.cmpi slt, %arg0, %sign3A_2 : i32
    %sign3A_4 = arith.extui %sign3A_3 : i1 to i32
    %sign3A_5 = arith.subi %sign3A_1, %sign3A_4 : i32
    %sign3A_6 = arith.constant 0 : i32
    %sign3A_7 = arith.cmpi sgt, %jit3A, %sign3A_6 : i32
    %sign3A_8 = arith.extui %sign3A_7 : i1 to i32
    %sign3A_9 = arith.constant 0 : i32
    %sign3A_10 = arith.cmpi slt, %jit3A, %sign3A_9 : i32
    %sign3A_11 = arith.extui %sign3A_10 : i1 to i32
    %sign3A_12 = arith.subi %sign3A_8, %sign3A_11 : i32
    %ne3A = arith.cmpi ne, %sign3A_5, %sign3A_12 : i32
    %rem3A = arith.remsi %arg0, %jit3A : i32
    %ne3A_13 = arith.constant 0 : i32
    %ne3A_14 = arith.cmpi ne, %rem3A, %ne3A_13 : i32
    %and3A = arith.andi %ne3A, %ne3A_14 : i1
    %sub3A = arith.constant 1 : i32
    %sub3A_15 = arith.subi %div3A, %sub3A : i32
    %select_n3A = arith.select %and3A, %sub3A_15, %div3A : i32
    %c0_i32 = arith.constant 0 : i32
    %c0_i32_16 = arith.constant 0 : i32
    %c0_i32_17 = arith.constant 0 : i32
    return %select_n3A, %c0_i32, %c0_i32_16 : i32, i32, i32
  }
  func.func @transform_3(%arg0: i32) -> (i32, i32, i32) {
    %c0_i32 = arith.constant 0 : i32
    %c0_i32_0 = arith.constant 0 : i32
    %c0_i32_1 = arith.constant 0 : i32
    return %arg0, %c0_i32, %c0_i32_0 : i32, i32, i32
  }
  func.func @transform_4(%arg0: i32) -> (i32, i32, i32) {
    %c0_i32 = arith.constant 0 : i32
    %c0_i32_0 = arith.constant 0 : i32
    %c0_i32_1 = arith.constant 0 : i32
    return %arg0, %c0_i32, %c0_i32_0 : i32, i32, i32
  }
  func.func @transform_5(%arg0: i32) -> (i32, i32, i32) {
    %jit3A = arith.constant 8 : i32
    %div3A = arith.divsi %arg0, %jit3A : i32
    %sign3A = arith.constant 0 : i32
    %sign3A_0 = arith.cmpi sgt, %arg0, %sign3A : i32
    %sign3A_1 = arith.extui %sign3A_0 : i1 to i32
    %sign3A_2 = arith.constant 0 : i32
    %sign3A_3 = arith.cmpi slt, %arg0, %sign3A_2 : i32
    %sign3A_4 = arith.extui %sign3A_3 : i1 to i32
    %sign3A_5 = arith.subi %sign3A_1, %sign3A_4 : i32
    %sign3A_6 = arith.constant 0 : i32
    %sign3A_7 = arith.cmpi sgt, %jit3A, %sign3A_6 : i32
    %sign3A_8 = arith.extui %sign3A_7 : i1 to i32
    %sign3A_9 = arith.constant 0 : i32
    %sign3A_10 = arith.cmpi slt, %jit3A, %sign3A_9 : i32
    %sign3A_11 = arith.extui %sign3A_10 : i1 to i32
    %sign3A_12 = arith.subi %sign3A_8, %sign3A_11 : i32
    %ne3A = arith.cmpi ne, %sign3A_5, %sign3A_12 : i32
    %rem3A = arith.remsi %arg0, %jit3A : i32
    %ne3A_13 = arith.constant 0 : i32
    %ne3A_14 = arith.cmpi ne, %rem3A, %ne3A_13 : i32
    %and3A = arith.andi %ne3A, %ne3A_14 : i1
    %sub3A = arith.constant 1 : i32
    %sub3A_15 = arith.subi %div3A, %sub3A : i32
    %select_n3A = arith.select %and3A, %sub3A_15, %div3A : i32
    %c0_i32 = arith.constant 0 : i32
    %c0_i32_16 = arith.constant 0 : i32
    %c0_i32_17 = arith.constant 0 : i32
    return %select_n3A, %c0_i32, %c0_i32_16 : i32, i32, i32
  }
}

module attributes {stable_mosaic.version = 14 : i64} {
  func.func @_heads_body(%arg0: i32, %arg1: i32, %arg2: memref<1x1024x128xf32, #tpu.memory_space<vmem>>, %arg3: memref<78x1024xf32, #tpu.memory_space<vmem>>, %arg4: memref<1x1x1024xf32, #tpu.memory_space<vmem>>, %arg5: memref<1x1024x512xf32, #tpu.memory_space<vmem>>, %arg6: memref<1x512xf32, #tpu.memory_space<vmem>>, %arg7: memref<1x512xf32, #tpu.memory_space<vmem>>, %arg8: memref<1024x512xf32, #tpu.memory_space<vmem>>, %arg9: memref<1024x16xf32, #tpu.memory_space<vmem>>) attributes {dimension_semantics = [#tpu.dimension_semantics<arbitrary>, #tpu.dimension_semantics<arbitrary>], iteration_bounds = array<i64: 4, 10>, scalar_prefetch = 0 : i64, scratch_operands = 0 : i64, tpu.core_type = #tpu.core_type<tc>, window_params = [{transform_indices = @transform_0, window_bounds = array<i64: 1, 1024, 128>}, {transform_indices = @transform_1, window_bounds = array<i64: 78, 1024>}, {transform_indices = @transform_2, window_bounds = array<i64: 1, 1, 1024>}, {transform_indices = @transform_3, window_bounds = array<i64: 1, 1024, 512>}, {pipeline_mode = #tpu.pipeline_mode<synchronous>, transform_indices = @transform_4, window_bounds = array<i64: 1, 512>}, {pipeline_mode = #tpu.pipeline_mode<synchronous>, transform_indices = @transform_5, window_bounds = array<i64: 1, 512>}, {transform_indices = @transform_6, window_bounds = array<i64: 1024, 512>}, {transform_indices = @transform_7, window_bounds = array<i64: 1024, 16>}]} {
    %get3A = arith.constant 0 : index
    %get3A_0 = arith.constant 0 : index
    %get3A_1 = arith.constant 0 : index
    %get3A_2 = vector.load %arg2[%get3A, %get3A_0, %get3A_1] : memref<1x1024x128xf32, #tpu.memory_space<vmem>>, vector<1x1024x128xf32>
    %get3A_3 = vector.shape_cast %get3A_2 : vector<1x1024x128xf32> to vector<1024x128xf32>
    %slice3A = vector.extract_strided_slice %get3A_3 {offsets = [0, 0], sizes = [1024, 78], strides = [1, 1]} : vector<1024x128xf32> to vector<1024x78xf32>
    %slice3A_4 = vector.extract_strided_slice %get3A_3 {offsets = [0, 78], sizes = [1024, 1], strides = [1, 1]} : vector<1024x128xf32> to vector<1024x1xf32>
    %div3A = vector.broadcast %slice3A_4 : vector<1024x1xf32> to vector<1024x78xf32>
    %div3A_5 = arith.divf %slice3A, %div3A : vector<1024x78xf32>
    %get3A_6 = arith.constant 0 : index
    %get3A_7 = arith.constant 0 : index
    %get3A_8 = vector.load %arg3[%get3A_6, %get3A_7] : memref<78x1024xf32, #tpu.memory_space<vmem>>, vector<78x1024xf32>
    %dot_general3A = arith.constant dense<0.000000e+00> : vector<1024x1024xf32>
    %dot_general3A_9 = tpu.matmul %div3A_5, %get3A_8, %dot_general3A {dimension_numbers = #tpu.dot_dimension_numbers<[1], [0], [0], [1], [0, 0, 1, 1], [], []>, transpose_lhs_hint = false} : vector<1024x78xf32>, vector<78x1024xf32>, vector<1024x1024xf32> -> vector<1024x1024xf32>
    %get3A_10 = arith.constant 0 : index
    %get3A_11 = arith.constant 0 : index
    %get3A_12 = arith.constant 0 : index
    %get3A_13 = vector.load %arg4[%get3A_10, %get3A_11, %get3A_12] : memref<1x1x1024xf32, #tpu.memory_space<vmem>>, vector<1x1x1024xf32>
    %get3A_14 = vector.shape_cast %get3A_13 : vector<1x1x1024xf32> to vector<1x1024xf32>
    %add3A = vector.broadcast %get3A_14 : vector<1x1024xf32> to vector<1024x1024xf32>
    %add3A_15 = arith.addf %dot_general3A_9, %add3A : vector<1024x1024xf32>
    %gt3A = arith.constant 0.000000e+00 : f32
    %gt3A_16 = vector.broadcast %gt3A : f32 to vector<1024x1024xf32>
    %gt3A_17 = arith.cmpf ogt, %add3A_15, %gt3A_16 : vector<1024x1024xf32>
    %min3A = arith.constant 0.000000e+00 : f32
    %min3A_18 = vector.broadcast %min3A : f32 to vector<1024x1024xf32>
    %min3A_19 = arith.minimumf %add3A_15, %min3A_18 : vector<1024x1024xf32>
    %exp3A = math.exp %min3A_19 : vector<1024x1024xf32>
    %sub3A = arith.constant 1.000000e+00 : f32
    %sub3A_20 = vector.broadcast %sub3A : f32 to vector<1024x1024xf32>
    %sub3A_21 = arith.subf %exp3A, %sub3A_20 : vector<1024x1024xf32>
    %select_n3A = arith.select %gt3A_17, %add3A_15, %sub3A_21 : vector<1024x1024xi1>, vector<1024x1024xf32>
    %get3A_22 = arith.constant 0 : index
    %get3A_23 = arith.constant 0 : index
    %get3A_24 = arith.constant 0 : index
    %get3A_25 = vector.load %arg5[%get3A_22, %get3A_23, %get3A_24] : memref<1x1024x512xf32, #tpu.memory_space<vmem>>, vector<1x1024x512xf32>
    %get3A_26 = vector.shape_cast %get3A_25 : vector<1x1024x512xf32> to vector<1024x512xf32>
    %dot_general3A_27 = arith.constant dense<0.000000e+00> : vector<1024x512xf32>
    %dot_general3A_28 = tpu.matmul %select_n3A, %get3A_26, %dot_general3A_27 {dimension_numbers = #tpu.dot_dimension_numbers<[1], [0], [0], [1], [0, 0, 1, 1], [], []>, transpose_lhs_hint = false} : vector<1024x1024xf32>, vector<1024x512xf32>, vector<1024x512xf32> -> vector<1024x512xf32>
    %eq3A = arith.constant 0 : i32
    %eq3A_29 = arith.cmpi eq, %arg1, %eq3A : i32
    %convert_element_type3A = arith.extui %eq3A_29 : i1 to i32
    %cond3A = arith.constant 0 : i32
    %cond3A_30 = arith.cmpi ne, %convert_element_type3A, %cond3A : i32
    scf.if %cond3A_30 {
      %broadcast_in_dim3A = arith.constant 0.000000e+00 : f32
      %broadcast_in_dim3A_42 = vector.broadcast %broadcast_in_dim3A : f32 to vector<1024x512xf32>
      %swap3A_43 = arith.constant 0 : index
      %swap3A_44 = arith.constant 0 : index
      %swap3A_45 = vector.load %arg8[%swap3A_43, %swap3A_44] : memref<1024x512xf32, #tpu.memory_space<vmem>>, vector<1024x512xf32>
      tpu.vector_store %arg8[%swap3A_43, %swap3A_44], %broadcast_in_dim3A_42 {strides = array<i32>} : memref<1024x512xf32, #tpu.memory_space<vmem>>, vector<1024x512xf32>,
    } else {
    }
    %get3A_31 = arith.constant 0 : index
    %get3A_32 = arith.constant 0 : index
    %get3A_33 = vector.load %arg8[%get3A_31, %get3A_32] : memref<1024x512xf32, #tpu.memory_space<vmem>>, vector<1024x512xf32>
    %add3A_34 = arith.addf %get3A_33, %dot_general3A_28 : vector<1024x512xf32>
    %swap3A = arith.constant 0 : index
    %swap3A_35 = arith.constant 0 : index
    %swap3A_36 = vector.load %arg8[%swap3A, %swap3A_35] : memref<1024x512xf32, #tpu.memory_space<vmem>>, vector<1024x512xf32>
    tpu.vector_store %arg8[%swap3A, %swap3A_35], %add3A_34 {strides = array<i32>} : memref<1024x512xf32, #tpu.memory_space<vmem>>, vector<1024x512xf32>,
    %eq3A_37 = arith.constant 9 : i32
    %eq3A_38 = arith.cmpi eq, %arg1, %eq3A_37 : i32
    %convert_element_type3A_39 = arith.extui %eq3A_38 : i1 to i32
    %cond3A_40 = arith.constant 0 : i32
    %cond3A_41 = arith.cmpi ne, %convert_element_type3A_39, %cond3A_40 : i32
    scf.if %cond3A_41 {
      %get3A_42 = arith.constant 0 : index
      %get3A_43 = arith.constant 0 : index
      %get3A_44 = vector.load %arg8[%get3A_42, %get3A_43] : memref<1024x512xf32, #tpu.memory_space<vmem>>, vector<1024x512xf32>
      %get3A_45 = arith.constant 0 : index
      %get3A_46 = arith.constant 0 : index
      %get3A_47 = vector.load %arg6[%get3A_45, %get3A_46] : memref<1x512xf32, #tpu.memory_space<vmem>>, vector<1x512xf32>
      %dot_general3A_48 = arith.constant dense<0.000000e+00> : vector<1024x1xf32>
      %dot_general3A_49 = tpu.matmul %get3A_44, %get3A_47, %dot_general3A_48 {dimension_numbers = #tpu.dot_dimension_numbers<[1], [1], [0], [0], [0, 0, 1, 0], [], []>, transpose_lhs_hint = false} : vector<1024x512xf32>, vector<1x512xf32>, vector<1024x1xf32> -> vector<1024x1xf32>
      %get3A_50 = arith.constant 0 : index
      %get3A_51 = arith.constant 0 : index
      %get3A_52 = vector.load %arg7[%get3A_50, %get3A_51] : memref<1x512xf32, #tpu.memory_space<vmem>>, vector<1x512xf32>
      %dot_general3A_53 = arith.constant dense<0.000000e+00> : vector<1024x1xf32>
      %dot_general3A_54 = tpu.matmul %get3A_44, %get3A_52, %dot_general3A_53 {dimension_numbers = #tpu.dot_dimension_numbers<[1], [1], [0], [0], [0, 0, 1, 0], [], []>, transpose_lhs_hint = false} : vector<1024x512xf32>, vector<1x512xf32>, vector<1024x1xf32> -> vector<1024x1xf32>
      %broadcast_in_dim3A = arith.constant 0.000000e+00 : f32
      %broadcast_in_dim3A_55 = vector.broadcast %broadcast_in_dim3A : f32 to vector<1024x14xf32>
      %concatenate3A = tpu.concatenate %dot_general3A_49, %dot_general3A_54, %broadcast_in_dim3A_55 in 1 : vector<1024x1xf32>, vector<1024x1xf32>, vector<1024x14xf32> -> vector<1024x16xf32>
      %swap3A_56 = arith.constant 0 : index
      %swap3A_57 = arith.constant 0 : index
      %swap3A_58 = vector.load %arg9[%swap3A_56, %swap3A_57] : memref<1024x16xf32, #tpu.memory_space<vmem>>, vector<1024x16xf32>
      tpu.vector_store %arg9[%swap3A_56, %swap3A_57], %concatenate3A {strides = array<i32>} : memref<1024x16xf32, #tpu.memory_space<vmem>>, vector<1024x16xf32>,
    } else {
    }
    return
  }
  func.func @transform_0(%arg0: i32, %arg1: i32) -> (i32, i32, i32) {
    %jit3A = arith.constant 2 : i32
    %div3A = arith.divsi %arg0, %jit3A : i32
    %sign3A = arith.constant 0 : i32
    %sign3A_0 = arith.cmpi sgt, %arg0, %sign3A : i32
    %sign3A_1 = arith.extui %sign3A_0 : i1 to i32
    %sign3A_2 = arith.constant 0 : i32
    %sign3A_3 = arith.cmpi slt, %arg0, %sign3A_2 : i32
    %sign3A_4 = arith.extui %sign3A_3 : i1 to i32
    %sign3A_5 = arith.subi %sign3A_1, %sign3A_4 : i32
    %sign3A_6 = arith.constant 0 : i32
    %sign3A_7 = arith.cmpi sgt, %jit3A, %sign3A_6 : i32
    %sign3A_8 = arith.extui %sign3A_7 : i1 to i32
    %sign3A_9 = arith.constant 0 : i32
    %sign3A_10 = arith.cmpi slt, %jit3A, %sign3A_9 : i32
    %sign3A_11 = arith.extui %sign3A_10 : i1 to i32
    %sign3A_12 = arith.subi %sign3A_8, %sign3A_11 : i32
    %ne3A = arith.cmpi ne, %sign3A_5, %sign3A_12 : i32
    %rem3A = arith.remsi %arg0, %jit3A : i32
    %ne3A_13 = arith.constant 0 : i32
    %ne3A_14 = arith.cmpi ne, %rem3A, %ne3A_13 : i32
    %and3A = arith.andi %ne3A, %ne3A_14 : i1
    %sub3A = arith.constant 1 : i32
    %sub3A_15 = arith.subi %div3A, %sub3A : i32
    %select_n3A = arith.select %and3A, %sub3A_15, %div3A : i32
    %jit3A_16 = arith.constant 2 : i32
    %eq3A = arith.constant 0 : i32
    %eq3A_17 = arith.cmpi eq, %jit3A_16, %eq3A : i32
    %jit3A_18 = arith.constant 1 : i32
    %select_n3A_19 = arith.select %eq3A_17, %jit3A_18, %jit3A_16 : i32
    %rem3A_20 = arith.remsi %arg0, %select_n3A_19 : i32
    %ne3A_21 = arith.constant 0 : i32
    %ne3A_22 = arith.cmpi ne, %rem3A_20, %ne3A_21 : i32
    %lt3A = arith.constant 0 : i32
    %lt3A_23 = arith.cmpi slt, %rem3A_20, %lt3A : i32
    %lt3A_24 = arith.constant 0 : i32
    %lt3A_25 = arith.cmpi slt, %select_n3A_19, %lt3A_24 : i32
    %ne3A_26 = arith.xori %lt3A_23, %lt3A_25 : i1
    %and3A_27 = arith.andi %ne3A_26, %ne3A_22 : i1
    %add3A = arith.addi %rem3A_20, %select_n3A_19 : i32
    %select_n3A_28 = arith.select %and3A_27, %add3A, %rem3A_20 : i32
    %c0_i32 = arith.constant 0 : i32
    return %select_n3A, %select_n3A_28, %arg1 : i32, i32, i32
  }
  func.func @transform_1(%arg0: i32, %arg1: i32) -> (i32, i32) {
    %c0_i32 = arith.constant 0 : i32
    %c0_i32_0 = arith.constant 0 : i32
    return %c0_i32, %arg1 : i32, i32
  }
  func.func @transform_2(%arg0: i32, %arg1: i32) -> (i32, i32, i32) {
    %c0_i32 = arith.constant 0 : i32
    %c0_i32_0 = arith.constant 0 : i32
    %c0_i32_1 = arith.constant 0 : i32
    return %arg1, %c0_i32, %c0_i32_0 : i32, i32, i32
  }
  func.func @transform_3(%arg0: i32, %arg1: i32) -> (i32, i32, i32) {
    %c0_i32 = arith.constant 0 : i32
    %c0_i32_0 = arith.constant 0 : i32
    %c0_i32_1 = arith.constant 0 : i32
    return %arg1, %c0_i32, %c0_i32_0 : i32, i32, i32
  }
  func.func @transform_4(%arg0: i32, %arg1: i32) -> (i32, i32) {
    %c0_i32 = arith.constant 0 : i32
    %c0_i32_0 = arith.constant 0 : i32
    %c0_i32_1 = arith.constant 0 : i32
    return %c0_i32, %c0_i32_0 : i32, i32
  }
  func.func @transform_5(%arg0: i32, %arg1: i32) -> (i32, i32) {
    %c0_i32 = arith.constant 0 : i32
    %c0_i32_0 = arith.constant 0 : i32
    %c0_i32_1 = arith.constant 0 : i32
    return %c0_i32, %c0_i32_0 : i32, i32
  }
  func.func @transform_6(%arg0: i32, %arg1: i32) -> (i32, i32) {
    %c0_i32 = arith.constant 0 : i32
    %c0_i32_0 = arith.constant 0 : i32
    return %arg0, %c0_i32 : i32, i32
  }
  func.func @transform_7(%arg0: i32, %arg1: i32) -> (i32, i32) {
    %c0_i32 = arith.constant 0 : i32
    %c0_i32_0 = arith.constant 0 : i32
    return %arg0, %c0_i32 : i32, i32
  }
}

module attributes {stable_mosaic.version = 14 : i64} {
  func.func @_pool_body(%arg0: i32, %arg1: memref<16x512x32xf32, #tpu.memory_space<vmem>>, %arg2: memref<512x1xf32, #tpu.memory_space<vmem>>, %arg3: memref<512x512xf32, #tpu.memory_space<vmem>>, %arg4: memref<512x16xf32, #tpu.memory_space<vmem>>, %arg5: memref<1x512xf32, #tpu.memory_space<vmem>>, %arg6: memref<512x128xf32, #tpu.memory_space<vmem>>, %arg7: memref<1x128xf32, #tpu.memory_space<vmem>>, %arg8: memref<32x128xf32, #tpu.memory_space<vmem>>) attributes {dimension_semantics = [#tpu.dimension_semantics<arbitrary>], iteration_bounds = array<i64: 8>, scalar_prefetch = 0 : i64, scratch_operands = 0 : i64, tpu.core_type = #tpu.core_type<tc>, window_params = [{transform_indices = @transform_0, window_bounds = array<i64: 16, 512, 32>}, {transform_indices = @transform_1, window_bounds = array<i64: 512, 1>}, {transform_indices = @transform_2, window_bounds = array<i64: 512, 512>}, {transform_indices = @transform_3, window_bounds = array<i64: 512, 16>}, {pipeline_mode = #tpu.pipeline_mode<synchronous>, transform_indices = @transform_4, window_bounds = array<i64: 1, 512>}, {pipeline_mode = #tpu.pipeline_mode<synchronous>, transform_indices = @transform_5, window_bounds = array<i64: 512, 128>}, {pipeline_mode = #tpu.pipeline_mode<synchronous>, transform_indices = @transform_6, window_bounds = array<i64: 1, 128>}, {transform_indices = @transform_7, window_bounds = array<i64: 32, 128>}]} {
    %get3A = arith.constant 0 : index
    %get3A_0 = arith.constant 0 : index
    %get3A_1 = arith.constant 0 : index
    %get3A_2 = vector.load %arg1[%get3A, %get3A_0, %get3A_1] : memref<16x512x32xf32, #tpu.memory_space<vmem>>, vector<1x512x32xf32>
    %get3A_3 = vector.shape_cast %get3A_2 : vector<1x512x32xf32> to vector<512x32xf32>
    %get3A_4 = arith.constant 1 : index
    %get3A_5 = arith.constant 0 : index
    %get3A_6 = arith.constant 0 : index
    %get3A_7 = vector.load %arg1[%get3A_4, %get3A_5, %get3A_6] : memref<16x512x32xf32, #tpu.memory_space<vmem>>, vector<1x512x32xf32>
    %get3A_8 = vector.shape_cast %get3A_7 : vector<1x512x32xf32> to vector<512x32xf32>
    %get3A_9 = arith.constant 2 : index
    %get3A_10 = arith.constant 0 : index
    %get3A_11 = arith.constant 0 : index
    %get3A_12 = vector.load %arg1[%get3A_9, %get3A_10, %get3A_11] : memref<16x512x32xf32, #tpu.memory_space<vmem>>, vector<1x512x32xf32>
    %get3A_13 = vector.shape_cast %get3A_12 : vector<1x512x32xf32> to vector<512x32xf32>
    %get3A_14 = arith.constant 3 : index
    %get3A_15 = arith.constant 0 : index
    %get3A_16 = arith.constant 0 : index
    %get3A_17 = vector.load %arg1[%get3A_14, %get3A_15, %get3A_16] : memref<16x512x32xf32, #tpu.memory_space<vmem>>, vector<1x512x32xf32>
    %get3A_18 = vector.shape_cast %get3A_17 : vector<1x512x32xf32> to vector<512x32xf32>
    %get3A_19 = arith.constant 4 : index
    %get3A_20 = arith.constant 0 : index
    %get3A_21 = arith.constant 0 : index
    %get3A_22 = vector.load %arg1[%get3A_19, %get3A_20, %get3A_21] : memref<16x512x32xf32, #tpu.memory_space<vmem>>, vector<1x512x32xf32>
    %get3A_23 = vector.shape_cast %get3A_22 : vector<1x512x32xf32> to vector<512x32xf32>
    %get3A_24 = arith.constant 5 : index
    %get3A_25 = arith.constant 0 : index
    %get3A_26 = arith.constant 0 : index
    %get3A_27 = vector.load %arg1[%get3A_24, %get3A_25, %get3A_26] : memref<16x512x32xf32, #tpu.memory_space<vmem>>, vector<1x512x32xf32>
    %get3A_28 = vector.shape_cast %get3A_27 : vector<1x512x32xf32> to vector<512x32xf32>
    %get3A_29 = arith.constant 6 : index
    %get3A_30 = arith.constant 0 : index
    %get3A_31 = arith.constant 0 : index
    %get3A_32 = vector.load %arg1[%get3A_29, %get3A_30, %get3A_31] : memref<16x512x32xf32, #tpu.memory_space<vmem>>, vector<1x512x32xf32>
    %get3A_33 = vector.shape_cast %get3A_32 : vector<1x512x32xf32> to vector<512x32xf32>
    %get3A_34 = arith.constant 7 : index
    %get3A_35 = arith.constant 0 : index
    %get3A_36 = arith.constant 0 : index
    %get3A_37 = vector.load %arg1[%get3A_34, %get3A_35, %get3A_36] : memref<16x512x32xf32, #tpu.memory_space<vmem>>, vector<1x512x32xf32>
    %get3A_38 = vector.shape_cast %get3A_37 : vector<1x512x32xf32> to vector<512x32xf32>
    %get3A_39 = arith.constant 8 : index
    %get3A_40 = arith.constant 0 : index
    %get3A_41 = arith.constant 0 : index
    %get3A_42 = vector.load %arg1[%get3A_39, %get3A_40, %get3A_41] : memref<16x512x32xf32, #tpu.memory_space<vmem>>, vector<1x512x32xf32>
    %get3A_43 = vector.shape_cast %get3A_42 : vector<1x512x32xf32> to vector<512x32xf32>
    %get3A_44 = arith.constant 9 : index
    %get3A_45 = arith.constant 0 : index
    %get3A_46 = arith.constant 0 : index
    %get3A_47 = vector.load %arg1[%get3A_44, %get3A_45, %get3A_46] : memref<16x512x32xf32, #tpu.memory_space<vmem>>, vector<1x512x32xf32>
    %get3A_48 = vector.shape_cast %get3A_47 : vector<1x512x32xf32> to vector<512x32xf32>
    %get3A_49 = arith.constant 10 : index
    %get3A_50 = arith.constant 0 : index
    %get3A_51 = arith.constant 0 : index
    %get3A_52 = vector.load %arg1[%get3A_49, %get3A_50, %get3A_51] : memref<16x512x32xf32, #tpu.memory_space<vmem>>, vector<1x512x32xf32>
    %get3A_53 = vector.shape_cast %get3A_52 : vector<1x512x32xf32> to vector<512x32xf32>
    %get3A_54 = arith.constant 11 : index
    %get3A_55 = arith.constant 0 : index
    %get3A_56 = arith.constant 0 : index
    %get3A_57 = vector.load %arg1[%get3A_54, %get3A_55, %get3A_56] : memref<16x512x32xf32, #tpu.memory_space<vmem>>, vector<1x512x32xf32>
    %get3A_58 = vector.shape_cast %get3A_57 : vector<1x512x32xf32> to vector<512x32xf32>
    %get3A_59 = arith.constant 12 : index
    %get3A_60 = arith.constant 0 : index
    %get3A_61 = arith.constant 0 : index
    %get3A_62 = vector.load %arg1[%get3A_59, %get3A_60, %get3A_61] : memref<16x512x32xf32, #tpu.memory_space<vmem>>, vector<1x512x32xf32>
    %get3A_63 = vector.shape_cast %get3A_62 : vector<1x512x32xf32> to vector<512x32xf32>
    %get3A_64 = arith.constant 13 : index
    %get3A_65 = arith.constant 0 : index
    %get3A_66 = arith.constant 0 : index
    %get3A_67 = vector.load %arg1[%get3A_64, %get3A_65, %get3A_66] : memref<16x512x32xf32, #tpu.memory_space<vmem>>, vector<1x512x32xf32>
    %get3A_68 = vector.shape_cast %get3A_67 : vector<1x512x32xf32> to vector<512x32xf32>
    %get3A_69 = arith.constant 14 : index
    %get3A_70 = arith.constant 0 : index
    %get3A_71 = arith.constant 0 : index
    %get3A_72 = vector.load %arg1[%get3A_69, %get3A_70, %get3A_71] : memref<16x512x32xf32, #tpu.memory_space<vmem>>, vector<1x512x32xf32>
    %get3A_73 = vector.shape_cast %get3A_72 : vector<1x512x32xf32> to vector<512x32xf32>
    %get3A_74 = arith.constant 15 : index
    %get3A_75 = arith.constant 0 : index
    %get3A_76 = arith.constant 0 : index
    %get3A_77 = vector.load %arg1[%get3A_74, %get3A_75, %get3A_76] : memref<16x512x32xf32, #tpu.memory_space<vmem>>, vector<1x512x32xf32>
    %get3A_78 = vector.shape_cast %get3A_77 : vector<1x512x32xf32> to vector<512x32xf32>
    %concatenate3A = tpu.concatenate %get3A_3, %get3A_8, %get3A_13, %get3A_18, %get3A_23, %get3A_28, %get3A_33, %get3A_38, %get3A_43, %get3A_48, %get3A_53, %get3A_58, %get3A_63, %get3A_68, %get3A_73, %get3A_78 in 1 : vector<512x32xf32>, vector<512x32xf32>, vector<512x32xf32>, vector<512x32xf32>, vector<512x32xf32>, vector<512x32xf32>, vector<512x32xf32>, vector<512x32xf32>, vector<512x32xf32>, vector<512x32xf32>, vector<512x32xf32>, vector<512x32xf32>, vector<512x32xf32>, vector<512x32xf32>, vector<512x32xf32>, vector<512x32xf32> -> vector<512x512xf32>
    %get3A_79 = arith.constant 0 : index
    %get3A_80 = arith.constant 0 : index
    %get3A_81 = vector.load %arg2[%get3A_79, %get3A_80] : memref<512x1xf32, #tpu.memory_space<vmem>>, vector<512x1xf32>
    %get3A_82 = arith.constant 0 : index
    %get3A_83 = arith.constant 0 : index
    %get3A_84 = vector.load %arg4[%get3A_82, %get3A_83] : memref<512x16xf32, #tpu.memory_space<vmem>>, vector<512x1xf32>
    %get3A_85 = arith.constant 0 : index
    %get3A_86 = arith.constant 1 : index
    %get3A_87 = vector.load %arg4[%get3A_85, %get3A_86] : memref<512x16xf32, #tpu.memory_space<vmem>>, vector<512x1xf32>
    %add3A = arith.addf %get3A_84, %get3A_87 : vector<512x1xf32>
    %ge3A = arith.constant 0.000000e+00 : f32
    %ge3A_88 = vector.broadcast %ge3A : f32 to vector<512x1xf32>
    %ge3A_89 = arith.cmpf oge, %add3A, %ge3A_88 : vector<512x1xf32>
    %mul3A = arith.constant 2.000000e-01 : f32
    %mul3A_90 = vector.broadcast %mul3A : f32 to vector<512x1xf32>
    %mul3A_91 = arith.mulf %mul3A_90, %add3A : vector<512x1xf32>
    %select_n3A = arith.select %ge3A_89, %add3A, %mul3A_91 : vector<512x1xi1>, vector<512x1xf32>
    %exp3A = math.exp %select_n3A : vector<512x1xf32>
    %get3A_92 = arith.constant 0 : index
    %get3A_93 = arith.constant 0 : index
    %get3A_94 = vector.load %arg3[%get3A_92, %get3A_93] : memref<512x512xf32, #tpu.memory_space<vmem>>, vector<512x512xf32>
    %mul3A_95 = vector.broadcast %exp3A : vector<512x1xf32> to vector<512x512xf32>
    %mul3A_96 = arith.mulf %mul3A_95, %get3A_94 : vector<512x512xf32>
    %add3A_97 = arith.addf %concatenate3A, %mul3A_96 : vector<512x512xf32>
    %add3A_98 = arith.addf %get3A_81, %exp3A : vector<512x1xf32>
    %div3A = vector.broadcast %add3A_98 : vector<512x1xf32> to vector<512x512xf32>
    %div3A_99 = arith.divf %add3A_97, %div3A : vector<512x512xf32>
    %get3A_100 = arith.constant 0 : index
    %get3A_101 = arith.constant 0 : index
    %get3A_102 = vector.load %arg5[%get3A_100, %get3A_101] : memref<1x512xf32, #tpu.memory_space<vmem>>, vector<1x512xf32>
    %add3A_103 = vector.broadcast %get3A_102 : vector<1x512xf32> to vector<512x512xf32>
    %add3A_104 = arith.addf %div3A_99, %add3A_103 : vector<512x512xf32>
    %gt3A = arith.constant 0.000000e+00 : f32
    %gt3A_105 = vector.broadcast %gt3A : f32 to vector<512x512xf32>
    %gt3A_106 = arith.cmpf ogt, %add3A_104, %gt3A_105 : vector<512x512xf32>
    %min3A = arith.constant 0.000000e+00 : f32
    %min3A_107 = vector.broadcast %min3A : f32 to vector<512x512xf32>
    %min3A_108 = arith.minimumf %add3A_104, %min3A_107 : vector<512x512xf32>
    %exp3A_109 = math.exp %min3A_108 : vector<512x512xf32>
    %sub3A = arith.constant 1.000000e+00 : f32
    %sub3A_110 = vector.broadcast %sub3A : f32 to vector<512x512xf32>
    %sub3A_111 = arith.subf %exp3A_109, %sub3A_110 : vector<512x512xf32>
    %select_n3A_112 = arith.select %gt3A_106, %add3A_104, %sub3A_111 : vector<512x512xi1>, vector<512x512xf32>
    %reshape3A = vector.shape_cast %select_n3A_112 : vector<512x512xf32> to vector<32x16x512xf32>
    %reduce_max3A = arith.constant dense<0xFF800000> : vector<32x512xf32>
    %reduce_max3A_113 = vector.multi_reduction <maximumf>, %reshape3A, %reduce_max3A [1] : vector<32x16x512xf32> to vector<32x512xf32>
    %get3A_114 = arith.constant 0 : index
    %get3A_115 = arith.constant 0 : index
    %get3A_116 = vector.load %arg6[%get3A_114, %get3A_115] : memref<512x128xf32, #tpu.memory_space<vmem>>, vector<512x128xf32>
    %dot_general3A = arith.constant dense<0.000000e+00> : vector<32x128xf32>
    %dot_general3A_117 = tpu.matmul %reduce_max3A_113, %get3A_116, %dot_general3A {dimension_numbers = #tpu.dot_dimension_numbers<[1], [0], [0], [1], [0, 0, 1, 1], [], []>, transpose_lhs_hint = false} : vector<32x512xf32>, vector<512x128xf32>, vector<32x128xf32> -> vector<32x128xf32>
    %get3A_118 = arith.constant 0 : index
    %get3A_119 = arith.constant 0 : index
    %get3A_120 = vector.load %arg7[%get3A_118, %get3A_119] : memref<1x128xf32, #tpu.memory_space<vmem>>, vector<1x128xf32>
    %add3A_121 = vector.broadcast %get3A_120 : vector<1x128xf32> to vector<32x128xf32>
    %add3A_122 = arith.addf %dot_general3A_117, %add3A_121 : vector<32x128xf32>
    %max3A = arith.constant 0.000000e+00 : f32
    %max3A_123 = vector.broadcast %max3A : f32 to vector<32x128xf32>
    %max3A_124 = arith.maximumf %add3A_122, %max3A_123 : vector<32x128xf32>
    %swap3A = arith.constant 0 : index
    %swap3A_125 = arith.constant 0 : index
    %swap3A_126 = vector.load %arg8[%swap3A, %swap3A_125] : memref<32x128xf32, #tpu.memory_space<vmem>>, vector<32x128xf32>
    tpu.vector_store %arg8[%swap3A, %swap3A_125], %max3A_124 {strides = array<i32>} : memref<32x128xf32, #tpu.memory_space<vmem>>, vector<32x128xf32>,
    return
  }
  func.func @transform_0(%arg0: i32) -> (i32, i32, i32) {
    %c0_i32 = arith.constant 0 : i32
    %c0_i32_0 = arith.constant 0 : i32
    %c0_i32_1 = arith.constant 0 : i32
    return %c0_i32, %arg0, %c0_i32_0 : i32, i32, i32
  }
  func.func @transform_1(%arg0: i32) -> (i32, i32) {
    %c0_i32 = arith.constant 0 : i32
    %c0_i32_0 = arith.constant 0 : i32
    return %arg0, %c0_i32 : i32, i32
  }
  func.func @transform_2(%arg0: i32) -> (i32, i32) {
    %c0_i32 = arith.constant 0 : i32
    %c0_i32_0 = arith.constant 0 : i32
    return %arg0, %c0_i32 : i32, i32
  }
  func.func @transform_3(%arg0: i32) -> (i32, i32) {
    %c0_i32 = arith.constant 0 : i32
    %c0_i32_0 = arith.constant 0 : i32
    return %arg0, %c0_i32 : i32, i32
  }
  func.func @transform_4(%arg0: i32) -> (i32, i32) {
    %c0_i32 = arith.constant 0 : i32
    %c0_i32_0 = arith.constant 0 : i32
    %c0_i32_1 = arith.constant 0 : i32
    return %c0_i32, %c0_i32_0 : i32, i32
  }
  func.func @transform_5(%arg0: i32) -> (i32, i32) {
    %c0_i32 = arith.constant 0 : i32
    %c0_i32_0 = arith.constant 0 : i32
    %c0_i32_1 = arith.constant 0 : i32
    return %c0_i32, %c0_i32_0 : i32, i32
  }
  func.func @transform_6(%arg0: i32) -> (i32, i32) {
    %c0_i32 = arith.constant 0 : i32
    %c0_i32_0 = arith.constant 0 : i32
    %c0_i32_1 = arith.constant 0 : i32
    return %c0_i32, %c0_i32_0 : i32, i32
  }
  func.func @transform_7(%arg0: i32) -> (i32, i32) {
    %c0_i32 = arith.constant 0 : i32
    %c0_i32_0 = arith.constant 0 : i32
    return %arg0, %c0_i32 : i32, i32
  }
}

module attributes {stable_mosaic.version = 14 : i64} {
  func.func @_head_body(%arg0: memref<256x128xf32, #tpu.memory_space<vmem>>, %arg1: memref<128x954xf32, #tpu.memory_space<vmem>>, %arg2: memref<954x2048xf32, #tpu.memory_space<vmem>>, %arg3: memref<1x2048xf32, #tpu.memory_space<vmem>>, %arg4: memref<2048x512xf32, #tpu.memory_space<vmem>>, %arg5: memref<1x512xf32, #tpu.memory_space<vmem>>, %arg6: memref<512x256xf32, #tpu.memory_space<vmem>>, %arg7: memref<1x256xf32, #tpu.memory_space<vmem>>, %arg8: memref<512x1024xf32, #tpu.memory_space<vmem>>, %arg9: memref<1x1024xf32, #tpu.memory_space<vmem>>, %arg10: memref<1024x512xf32, #tpu.memory_space<vmem>>, %arg11: memref<1x512xf32, #tpu.memory_space<vmem>>, %arg12: memref<512x128xf32, #tpu.memory_space<vmem>>, %arg13: memref<1x128xf32, #tpu.memory_space<vmem>>, %arg14: memref<128x2xf32, #tpu.memory_space<vmem>>, %arg15: memref<1x2xf32, #tpu.memory_space<vmem>>, %arg16: memref<128x2xf32, #tpu.memory_space<vmem>>) attributes {dimension_semantics = [], scalar_prefetch = 0 : i64, scratch_operands = 0 : i64, tpu.core_type = #tpu.core_type<tc>} {
    %get3A = arith.constant 0 : index
    %get3A_0 = arith.constant 0 : index
    %get3A_1 = vector.load %arg1[%get3A, %get3A_0] : memref<128x954xf32, #tpu.memory_space<vmem>>, vector<128x954xf32>
    %mul3A = arith.mulf %get3A_1, %get3A_1 : vector<128x954xf32>
    %reduce_sum3A = arith.constant dense<0.000000e+00> : vector<128xf32>
    %reduce_sum3A_2 = vector.multi_reduction <add>, %mul3A, %reduce_sum3A [1] : vector<128x954xf32> to vector<128xf32>
    %broadcast_in_dim3A = vector.shape_cast %reduce_sum3A_2 : vector<128xf32> to vector<128x1xf32>
    %sqrt3A = math.sqrt %broadcast_in_dim3A : vector<128x1xf32>
    %max3A = arith.constant 9.99999996E-13 : f32
    %max3A_3 = vector.broadcast %max3A : f32 to vector<128x1xf32>
    %max3A_4 = arith.maximumf %sqrt3A, %max3A_3 : vector<128x1xf32>
    %div3A = vector.broadcast %max3A_4 : vector<128x1xf32> to vector<128x954xf32>
    %div3A_5 = arith.divf %get3A_1, %div3A : vector<128x954xf32>
    %get3A_6 = arith.constant 0 : index
    %get3A_7 = arith.constant 0 : index
    %get3A_8 = vector.load %arg2[%get3A_6, %get3A_7] : memref<954x2048xf32, #tpu.memory_space<vmem>>, vector<954x2048xf32>
    %dot_general3A = arith.constant dense<0.000000e+00> : vector<128x2048xf32>
    %dot_general3A_9 = tpu.matmul %div3A_5, %get3A_8, %dot_general3A {dimension_numbers = #tpu.dot_dimension_numbers<[1], [0], [0], [1], [0, 0, 1, 1], [], []>, transpose_lhs_hint = false} : vector<128x954xf32>, vector<954x2048xf32>, vector<128x2048xf32> -> vector<128x2048xf32>
    %get3A_10 = arith.constant 0 : index
    %get3A_11 = arith.constant 0 : index
    %get3A_12 = vector.load %arg3[%get3A_10, %get3A_11] : memref<1x2048xf32, #tpu.memory_space<vmem>>, vector<1x2048xf32>
    %add3A = vector.broadcast %get3A_12 : vector<1x2048xf32> to vector<128x2048xf32>
    %add3A_13 = arith.addf %dot_general3A_9, %add3A : vector<128x2048xf32>
    %max3A_14 = arith.constant 0.000000e+00 : f32
    %max3A_15 = vector.broadcast %max3A_14 : f32 to vector<128x2048xf32>
    %max3A_16 = arith.maximumf %add3A_13, %max3A_15 : vector<128x2048xf32>
    %get3A_17 = arith.constant 0 : index
    %get3A_18 = arith.constant 0 : index
    %get3A_19 = vector.load %arg4[%get3A_17, %get3A_18] : memref<2048x512xf32, #tpu.memory_space<vmem>>, vector<2048x512xf32>
    %dot_general3A_20 = arith.constant dense<0.000000e+00> : vector<128x512xf32>
    %dot_general3A_21 = tpu.matmul %max3A_16, %get3A_19, %dot_general3A_20 {dimension_numbers = #tpu.dot_dimension_numbers<[1], [0], [0], [1], [0, 0, 1, 1], [], []>, transpose_lhs_hint = false} : vector<128x2048xf32>, vector<2048x512xf32>, vector<128x512xf32> -> vector<128x512xf32>
    %get3A_22 = arith.constant 0 : index
    %get3A_23 = arith.constant 0 : index
    %get3A_24 = vector.load %arg5[%get3A_22, %get3A_23] : memref<1x512xf32, #tpu.memory_space<vmem>>, vector<1x512xf32>
    %add3A_25 = vector.broadcast %get3A_24 : vector<1x512xf32> to vector<128x512xf32>
    %add3A_26 = arith.addf %dot_general3A_21, %add3A_25 : vector<128x512xf32>
    %max3A_27 = arith.constant 0.000000e+00 : f32
    %max3A_28 = vector.broadcast %max3A_27 : f32 to vector<128x512xf32>
    %max3A_29 = arith.maximumf %add3A_26, %max3A_28 : vector<128x512xf32>
    %get3A_30 = arith.constant 0 : index
    %get3A_31 = arith.constant 0 : index
    %get3A_32 = vector.load %arg6[%get3A_30, %get3A_31] : memref<512x256xf32, #tpu.memory_space<vmem>>, vector<512x256xf32>
    %dot_general3A_33 = arith.constant dense<0.000000e+00> : vector<128x256xf32>
    %dot_general3A_34 = tpu.matmul %max3A_29, %get3A_32, %dot_general3A_33 {dimension_numbers = #tpu.dot_dimension_numbers<[1], [0], [0], [1], [0, 0, 1, 1], [], []>, transpose_lhs_hint = false} : vector<128x512xf32>, vector<512x256xf32>, vector<128x256xf32> -> vector<128x256xf32>
    %get3A_35 = arith.constant 0 : index
    %get3A_36 = arith.constant 0 : index
    %get3A_37 = vector.load %arg7[%get3A_35, %get3A_36] : memref<1x256xf32, #tpu.memory_space<vmem>>, vector<1x256xf32>
    %add3A_38 = vector.broadcast %get3A_37 : vector<1x256xf32> to vector<128x256xf32>
    %add3A_39 = arith.addf %dot_general3A_34, %add3A_38 : vector<128x256xf32>
    %max3A_40 = arith.constant 0.000000e+00 : f32
    %max3A_41 = vector.broadcast %max3A_40 : f32 to vector<128x256xf32>
    %max3A_42 = arith.maximumf %add3A_39, %max3A_41 : vector<128x256xf32>
    %get3A_43 = arith.constant 0 : index
    %get3A_44 = arith.constant 0 : index
    %get3A_45 = vector.load %arg0[%get3A_43, %get3A_44] : memref<256x128xf32, #tpu.memory_space<vmem>>, vector<256x128xf32>
    %slice3A = vector.extract_strided_slice %get3A_45 {offsets = [0, 0], sizes = [128, 128], strides = [1, 1]} : vector<256x128xf32> to vector<128x128xf32>
    %slice3A_46 = vector.extract_strided_slice %get3A_45 {offsets = [128, 0], sizes = [128, 128], strides = [1, 1]} : vector<256x128xf32> to vector<128x128xf32>
    %concatenate3A = tpu.concatenate %slice3A, %slice3A_46, %max3A_42 in 1 : vector<128x128xf32>, vector<128x128xf32>, vector<128x256xf32> -> vector<128x512xf32>
    %mul3A_47 = arith.mulf %concatenate3A, %concatenate3A : vector<128x512xf32>
    %reduce_sum3A_48 = arith.constant dense<0.000000e+00> : vector<128xf32>
    %reduce_sum3A_49 = vector.multi_reduction <add>, %mul3A_47, %reduce_sum3A_48 [1] : vector<128x512xf32> to vector<128xf32>
    %broadcast_in_dim3A_50 = vector.shape_cast %reduce_sum3A_49 : vector<128xf32> to vector<128x1xf32>
    %sqrt3A_51 = math.sqrt %broadcast_in_dim3A_50 : vector<128x1xf32>
    %max3A_52 = arith.constant 9.99999996E-13 : f32
    %max3A_53 = vector.broadcast %max3A_52 : f32 to vector<128x1xf32>
    %max3A_54 = arith.maximumf %sqrt3A_51, %max3A_53 : vector<128x1xf32>
    %div3A_55 = vector.broadcast %max3A_54 : vector<128x1xf32> to vector<128x512xf32>
    %div3A_56 = arith.divf %concatenate3A, %div3A_55 : vector<128x512xf32>
    %get3A_57 = arith.constant 0 : index
    %get3A_58 = arith.constant 0 : index
    %get3A_59 = vector.load %arg8[%get3A_57, %get3A_58] : memref<512x1024xf32, #tpu.memory_space<vmem>>, vector<512x1024xf32>
    %dot_general3A_60 = arith.constant dense<0.000000e+00> : vector<128x1024xf32>
    %dot_general3A_61 = tpu.matmul %div3A_56, %get3A_59, %dot_general3A_60 {dimension_numbers = #tpu.dot_dimension_numbers<[1], [0], [0], [1], [0, 0, 1, 1], [], []>, transpose_lhs_hint = false} : vector<128x512xf32>, vector<512x1024xf32>, vector<128x1024xf32> -> vector<128x1024xf32>
    %get3A_62 = arith.constant 0 : index
    %get3A_63 = arith.constant 0 : index
    %get3A_64 = vector.load %arg9[%get3A_62, %get3A_63] : memref<1x1024xf32, #tpu.memory_space<vmem>>, vector<1x1024xf32>
    %add3A_65 = vector.broadcast %get3A_64 : vector<1x1024xf32> to vector<128x1024xf32>
    %add3A_66 = arith.addf %dot_general3A_61, %add3A_65 : vector<128x1024xf32>
    %max3A_67 = arith.constant 0.000000e+00 : f32
    %max3A_68 = vector.broadcast %max3A_67 : f32 to vector<128x1024xf32>
    %max3A_69 = arith.maximumf %add3A_66, %max3A_68 : vector<128x1024xf32>
    %get3A_70 = arith.constant 0 : index
    %get3A_71 = arith.constant 0 : index
    %get3A_72 = vector.load %arg10[%get3A_70, %get3A_71] : memref<1024x512xf32, #tpu.memory_space<vmem>>, vector<1024x512xf32>
    %dot_general3A_73 = arith.constant dense<0.000000e+00> : vector<128x512xf32>
    %dot_general3A_74 = tpu.matmul %max3A_69, %get3A_72, %dot_general3A_73 {dimension_numbers = #tpu.dot_dimension_numbers<[1], [0], [0], [1], [0, 0, 1, 1], [], []>, transpose_lhs_hint = false} : vector<128x1024xf32>, vector<1024x512xf32>, vector<128x512xf32> -> vector<128x512xf32>
    %get3A_75 = arith.constant 0 : index
    %get3A_76 = arith.constant 0 : index
    %get3A_77 = vector.load %arg11[%get3A_75, %get3A_76] : memref<1x512xf32, #tpu.memory_space<vmem>>, vector<1x512xf32>
    %add3A_78 = vector.broadcast %get3A_77 : vector<1x512xf32> to vector<128x512xf32>
    %add3A_79 = arith.addf %dot_general3A_74, %add3A_78 : vector<128x512xf32>
    %max3A_80 = arith.constant 0.000000e+00 : f32
    %max3A_81 = vector.broadcast %max3A_80 : f32 to vector<128x512xf32>
    %max3A_82 = arith.maximumf %add3A_79, %max3A_81 : vector<128x512xf32>
    %get3A_83 = arith.constant 0 : index
    %get3A_84 = arith.constant 0 : index
    %get3A_85 = vector.load %arg12[%get3A_83, %get3A_84] : memref<512x128xf32, #tpu.memory_space<vmem>>, vector<512x128xf32>
    %dot_general3A_86 = arith.constant dense<0.000000e+00> : vector<128x128xf32>
    %dot_general3A_87 = tpu.matmul %max3A_82, %get3A_85, %dot_general3A_86 {dimension_numbers = #tpu.dot_dimension_numbers<[1], [0], [0], [1], [0, 0, 1, 1], [], []>, transpose_lhs_hint = false} : vector<128x512xf32>, vector<512x128xf32>, vector<128x128xf32> -> vector<128x128xf32>
    %get3A_88 = arith.constant 0 : index
    %get3A_89 = arith.constant 0 : index
    %get3A_90 = vector.load %arg13[%get3A_88, %get3A_89] : memref<1x128xf32, #tpu.memory_space<vmem>>, vector<1x128xf32>
    %add3A_91 = vector.broadcast %get3A_90 : vector<1x128xf32> to vector<128x128xf32>
    %add3A_92 = arith.addf %dot_general3A_87, %add3A_91 : vector<128x128xf32>
    %max3A_93 = arith.constant 0.000000e+00 : f32
    %max3A_94 = vector.broadcast %max3A_93 : f32 to vector<128x128xf32>
    %max3A_95 = arith.maximumf %add3A_92, %max3A_94 : vector<128x128xf32>
    %get3A_96 = arith.constant 0 : index
    %get3A_97 = arith.constant 0 : index
    %get3A_98 = vector.load %arg14[%get3A_96, %get3A_97] : memref<128x2xf32, #tpu.memory_space<vmem>>, vector<128x2xf32>
    %dot_general3A_99 = arith.constant dense<0.000000e+00> : vector<128x2xf32>
    %dot_general3A_100 = tpu.matmul %max3A_95, %get3A_98, %dot_general3A_99 {dimension_numbers = #tpu.dot_dimension_numbers<[1], [0], [0], [1], [0, 0, 1, 1], [], []>, transpose_lhs_hint = false} : vector<128x128xf32>, vector<128x2xf32>, vector<128x2xf32> -> vector<128x2xf32>
    %get3A_101 = arith.constant 0 : index
    %get3A_102 = arith.constant 0 : index
    %get3A_103 = vector.load %arg15[%get3A_101, %get3A_102] : memref<1x2xf32, #tpu.memory_space<vmem>>, vector<1x2xf32>
    %add3A_104 = vector.broadcast %get3A_103 : vector<1x2xf32> to vector<128x2xf32>
    %add3A_105 = arith.addf %dot_general3A_100, %add3A_104 : vector<128x2xf32>
    %swap3A = arith.constant 0 : index
    %swap3A_106 = arith.constant 0 : index
    %swap3A_107 = vector.load %arg16[%swap3A, %swap3A_106] : memref<128x2xf32, #tpu.memory_space<vmem>>, vector<128x2xf32>
    tpu.vector_store %arg16[%swap3A, %swap3A_106], %add3A_105 {strides = array<i32>} : memref<128x2xf32, #tpu.memory_space<vmem>>, vector<128x2xf32>,
    return
  }
}

</mosaic_0001>

<sc_bundles>
// kernel: kernel.8.cloned.1.call-start
scs
__scs_entry_jumppad:
0x0: {  	(pc) =	sbr.rel $0x88, $3  }
0x1: {  	(tag) =	ssettag $0x0;
	lr =	simm.s32 $0x1  }
0x2: {  	[smem:$0x3F84] =	sst lr;
	_ =	strace $0xD0000000  }
0x3: {  	_ = 	snop  }
0x4: {  	_ = 	snop  }
0x5: {  	_ = 	snop  }
0x6: {  	_ = 	snop  }
0x7: {  	_ = 	snop  }
__scs_overlays_trampoline_lowered:
0x8: {  	[smem:$0x3F93] =	sst s0  }
0x9: {  	[smem:$0x3F94] =	sst s1  }
0xa: {  	[smem:$0x3F95] =	sst s2  }
0xb: {  	[smem:$0x3F96] =	sst s3  }
0xc: {  	[smem:$0x3F97] =	sst s4  }
0xd: {  	[smem:$0x3F98] =	sst s5  }
0xe: {  	[smem:$0x3F99] =	sst s6  }
0xf: {  	[smem:$0x3F9A] =	sst s7  }
0x10: {  	[smem:$0x3F9B] =	sst s8  }
0x11: {  	[smem:$0x3F9C] =	sst s9;
	s0 =	simm.s32 @!p0 $0x0  }
0x12: {  	s1 =	sld [smem:$0x3F82];
	s0 =	simm.s32 @p0 $0x1  }
0x13: {  	[smem:$0x3F9D] =	sst s0;
	s0 =	simm.s32 @!p1 $0x0  }
0x14: {  	s2 =	sld [smem:$0x3F81];
	s0 =	simm.s32 @p1 $0x1  }
0x15: {  	[smem:$0x3F9E] =	sst s0;
	s0 =	simm.s32 @!p2 $0x0  }
0x16: {  	s3 =	sld [smem:$0x3FDB];
	s0 =	simm.s32 @p2 $0x1  }
0x17: {  	s4 =	simm.s32 $0x1BF5;
	[smem:$0x3FA0] =	sst s0  }
0x18: {  	s0 =	sld [smem:$0x3F83];
	_ =	swait.ge [sflag:s4], $0x0  }
0x19: {  	s7 =	sld [smem:$0x3F84]  }
0x1a: {  	s8 =	sadd.s32 $0xFFFFE003, lr  }
0x1b: {  	s9 =	sadd.s32 $0xFFFFFEF7, lr;
	s5 =	simm.s32 $0xFFFFFFFF;
	p2 =	slt.u32 s8, $0xFFFFF086  }
0x1c: {  	p1 =	slt.u32 s9, $0xF7A;
	s5 =	simm.s32 @!p2 $0x0  }
0x1d: {  	s5 =	simm.s32 @p1 $0x1;
	p0 =	seq.s32 s7, s2  }
0x1e: {  	s7 =	smul.u32 @!p0 $0xF7A, s2;
	p2 =	seq.s32 @!p0 s5, $0x0  }
0x1f: {  	s9 =	smul.u32 $0xF7A, s1;
	s8 =	simm.s32 @!p0 $0x1BF5;
	p2 =	por !p2, p0  }
0x20: {  	[sflag:s8] =	ssyncset.s32 @!p0 $0xFFFFF086;
	s6 =	sadd.s32 @!p0 s3, s7;
	s7 =	simm.s32 @!p0 $0x108  }
0x21: {  	s3 =	sadd.s32 s3, s9;
	s6 =	sadd.s32 @!p0 $0x88, s6;
	s7 =	simm.s32 @p2 $0x1082  }
0x22: {  	[simem:s7], [sflag:s8] =	dma.local @!p0 [hbm:s6], $0xF7A  }
0x23: {  	s9 =	sor.u32 $0xD0000000, s2;
	s6 =	simm.s32 $0x108;
	_ =	swait.ge @!p0 [sflag:s8], $0x0  }
0x24: {  	s3 =	sadd.s32 $0x88, s3;
	s6 =	simm.s32 @!p1 $0x1082;
	[sflag:s4] =	ssyncset.s32 $0xFFFFF086  }
0x25: {  	[simem:s6], [sflag:s4] =	dma.local [hbm:s3], $0xF7A  }
0x26: {  	[smem:$0x3F84] =	sst s1;
	(tag) =	ssettag s2;
	_ =	strace s9  }
0x27: {  	s1 =	sld [smem:$0x3F94]  }
0x28: {  	s2 =	sld [smem:$0x3F95]  }
0x29: {  	s4 =	sld [smem:$0x3F97]  }
0x2a: {  	p0 =	seq.s32 s5, $0x0;
	s5 =	sld [smem:$0x3F98]  }
0x2b: {  	s6 =	sld [smem:$0x3F99]  }
0x2c: {  	s7 =	sld [smem:$0x3F9A]  }
0x2d: {  	s3 =	simm.s32 $0x108;
	s8 =	sld [smem:$0x3F9B]  }
0x2e: {  	s3 =	simm.s32 @!p0 $0x1082;
	s9 =	sld [smem:$0x3F9C]  }
0x2f: {  	lr =	sadd.s32 s0, s3;
	s0 =	sld [smem:$0x3F93]  }
0x30: {  	s3 =	sld [smem:$0x3F96]  }
0x31: {  	[smem:$0x3F9F] =	sst s10  }
0x32: {  	s10 =	sld [smem:$0x3F9D];
	_ =	sdelay $0x3  }
0x33: {  	p0 =	seq.s32 s10, $0x1;
	s10 =	sld [smem:$0x3F9F];
	_ =	sdelay $0x3  }
0x34: {  	[smem:$0x3F9F] =	sst s10  }
0x35: {  	s10 =	sld [smem:$0x3F9E];
	_ =	sdelay $0x3  }
0x36: {  	p1 =	seq.s32 s10, $0x1;
	s10 =	sld [smem:$0x3F9F];
	_ =	sdelay $0x3  }
0x37: {  	[smem:$0x3F9F] =	sst s10  }
0x38: {  	s10 =	sld [smem:$0x3FA0]  }
0x39: {  	_ = 	snop;
	(pc) =	sbr.ind lr, $3  }
0x3a: {  	_ = 	snop  }
0x3b: {  	_ = 	snop  }
0x3c: {  	p2 =	seq.s32 s10, $0x1;
	s10 =	sld [smem:$0x3F9F]  }
0x3d: {  	_ =	shalt  }
0x3e: {  	_ =	shalt  }
0x3f: {  	_ =	shalt  }
0x40: {  	_ =	shalt  }
0x41: {  	_ =	shalt  }
0x42: {  	_ =	shalt  }
0x43: {  	_ =	shalt  }
0x44: {  	_ =	shalt  }
0x45: {  	_ =	shalt  }
0x46: {  	_ =	shalt  }
0x47: {  	_ =	shalt  }
0x48: {  	_ =	shalt  }
0x49: {  	_ =	shalt  }
0x4a: {  	_ =	shalt  }
0x4b: {  	_ =	shalt  }
0x4c: {  	_ =	shalt  }
0x4d: {  	_ =	shalt  }
0x4e: {  	_ =	shalt  }
0x4f: {  	_ =	shalt  }
0x50: {  	_ =	shalt  }
0x51: {  	_ =	shalt  }
0x52: {  	_ =	shalt  }
0x53: {  	_ =	shalt  }
0x54: {  	_ =	shalt  }
0x55: {  	_ =	shalt  }
0x56: {  	_ =	shalt  }
0x57: {  	_ =	shalt  }
0x58: {  	_ =	shalt  }
0x59: {  	_ =	shalt  }
0x5a: {  	_ =	shalt  }
0x5b: {  	_ =	shalt  }
0x5c: {  	_ =	shalt  }
0x5d: {  	_ =	shalt  }
0x5e: {  	_ =	shalt  }
0x5f: {  	_ =	shalt  }
0x60: {  	_ =	shalt  }
0x61: {  	_ =	shalt  }
0x62: {  	_ =	shalt  }
0x63: {  	_ =	shalt  }
0x64: {  	_ =	shalt  }
0x65: {  	_ =	shalt  }
0x66: {  	_ =	shalt  }
0x67: {  	_ =	shalt  }
0x68: {  	_ =	shalt  }
0x69: {  	_ =	shalt  }
0x6a: {  	_ =	shalt  }
0x6b: {  	_ =	shalt  }
0x6c: {  	_ =	shalt  }
0x6d: {  	_ =	shalt  }
0x6e: {  	_ =	shalt  }
0x6f: {  	_ =	shalt  }
0x70: {  	_ =	shalt  }
0x71: {  	_ =	shalt  }
0x72: {  	_ =	shalt  }
0x73: {  	_ =	shalt  }
0x74: {  	_ =	shalt  }
0x75: {  	_ =	shalt  }
0x76: {  	_ =	shalt  }
0x77: {  	_ =	shalt  }
0x78: {  	_ =	shalt  }
0x79: {  	_ =	shalt  }
0x7a: {  	_ =	shalt  }
0x7b: {  	_ =	shalt  }
0x7c: {  	_ =	shalt  }
0x7d: {  	_ =	shalt  }
0x7e: {  	_ =	shalt  }
0x7f: {  	_ =	shalt  }
0x80: {  	_ =	shalt  }
0x81: {  	_ =	shalt  }
0x82: {  	_ =	shalt  }
0x83: {  	_ =	shalt  }
0x84: {  	_ =	shalt  }
0x85: {  	_ =	shalt  }
0x86: {  	_ =	shalt  }
0x87: {  	_ =	shalt  }
.Lfunc_end0:
.L_simem_size_0:
called_computation_lowered:
.L_overlay_start_0:
0x88: {  	s2 =	sld [smem:$0x3FD9]  }
0x89: {  	s3 =	sld [smem:$0x3FFE];
	_ =	sdelay $0x1  }
0x8a: {  	s1 =	srdreg.scid  }
0x8b: {  	s0 =	sand.u32 $0x1, s1  }
0x8c: {  	s16 =	sshll.u32 s0, $0xA;
	s2 =	sadd.s32 s3, s2  }
0x8d: {  	s2 =	sadd.s32 s2, s16  }
0x8e: {  	[smem:$0x3FAB] =	sst s2  }
0x8f: {  	_ = 	snop  }
0x90: {  	(tm) =	ssettm $0x1  }
0x91: {  	s17 =	sld [smem:$0x3FFB];
	_ =	sdelay $0x3  }
0x92: {  	_ =	strace s17  }
0x93: {  	s2 =	sld [smem:$0x3FFC];
	_ =	sdelay $0x3  }
0x94: {  	_ =	strace s2  }
0x95: {  	s2 =	sld [smem:$0x3FFD];
	_ =	sdelay $0x3  }
0x96: {  	_ =	strace s2  }
0x97: {  	_ =	strace $0x8FFFFFFF  }
0x98: {  	s18 =	sld [smem:$0x3FDB];
	_ =	sdelay $0x1  }
0x99: {  	s19 =	simm.s32 $_scs_section_size  }
0x9a: {  	s4 =	simm.s32 $_size__tile_overlayer_lowered;
	s5 =	simm.s32 $_tile_overlayer_lowered  }
0x9b: {  	s22 =	simm.s32 $0x1BFF;
	s21 =	sshll.u32 s5, $0x1;
	s2 =	sadd.s32 s19, s18  }
0x9c: {  	s6 =	simm.s32 $0x0;
	s20 =	sshll.u32 s4, $0x1;
	s4 =	sadd.s32 s21, s2  }
0x9d: {  	[timem:s6], [sflag:s22] =	dma.local [hbm:s4], s20  }
0x9e: {  	_ =	swait.ge [sflag:s22], s20  }
0x9f: {  	s3 =	ssub.s32 $0x0, s20;
	[sflag:s22] =	ssyncset.done $0x0  }
0xa0: {  	[sflag:s22] =	ssyncadd.s32 s3;
	_ =	sdelay $0x1  }
0xa1: {  	s23 =	simm.s32 $0x1B8B  }
0xa2: {  	_ =	swait.ge [sflag:s23], $0x1  }
0xa3: {  	[sflag:s23] =	ssyncset.done $0x0  }
0xa4: {  	s25 =	simm.s32 $0x1B8E;
	s24 =	sld [smem:$0x3FFE];
	[sflag:s23] =	ssyncadd.s32 $0xFFFFFFFF  }
0xa5: {  	s26 =	simm.s32 $execute0_lowered;
	[smem:$0x3FD2] =	sst s25  }
0xa6: {  	s4 =	sshll.u32 s26, $0x1;
	_ =	strace $0x80000046;
	[dreg:$0x1] =	wrdreg $0xFFFFFFFF  }
0xa7: {  	s28 =	simm.s32 $_size_execute0_lowered;
	s2 =	sadd.s32 s2, s4;
	[dreg:$0x0] =	wrdreg $0x0  }
0xa8: {  	s4 =	sshll.u32 s28, $0x1;
	[dreg:$0x2] =	wrdreg s2  }
0xa9: {  	[dreg:$0x3] =	wrdreg s4  }
0xaa: {  	[dreg:$0x4] =	wrdreg $0xC0  }
0xab: {  	_ =	task [dreg:s6], $0x5FFFF  }
0xac: {  	[dreg:$0x1] =	wrdreg $0xFFFFFFFF  }
0xad: {  	[dreg:$0x0] =	wrdreg $0x60  }
0xae: {  	[dreg:$0x2] =	wrdreg s24  }
0xaf: {  	[dreg:$0x3] =	wrdreg $0x1D0100  }
0xb0: {  	[dreg:$0x4] =	wrdreg $0x9  }
0xb1: {  	_ =	task.clear_ibuf [dreg:s6], $0x5FFFF;
	_ =	strace $0x90000046  }
0xb2: {  	s29 =	simm.s32 $0x9;
	_ =	strace $0x80000048  }
0xb3: {  	_ =	swait.ge [sflag:s29], $0x1  }
0xb4: {  	[sflag:s29] =	ssyncadd.s32 $0xFFFFFFFF  }
0xb5: {  	_ =	strace $0x90000048  }
0xb6: {  	_ =	sfence  }
0xb7: {  	s30 =	sld [smem:$0x0];
	_ =	sdelay $0x2  }
0xb8: {  	s31 =	sshll.u32 s1, $0xD;
	s1 =	sshrl.u32 s1, $0x2  }
0xb9: {  	s3 =	sand.u32 $0x4000, s31;
	s1 =	sadd.s32 s1, s30  }
0xba: {  	s0 =	sor.u32 s3, s0;
	s1 =	sshll.u32 s1, $0x11  }
0xbb: {  	s0 =	sor.u32 s1, s0  }
0xbc: {  	s0 =	sadd.s32 $0x8F2B, s0  }
0xbd: {  	[sflag:s0] =	ssyncadd.remote.s32 $0x1  }
0xbe: {  	_ =	sfence.sel $0xFFFF  }
0xbf: {  	[dreg:$0x0] =	wrdreg $0xFFFFFFFF;
	(pc) =	sbr.abs _section_cstart, $3  }
0xc0: {  	[dreg:$0x1] =	wrdreg $0xFFFFFFFF  }
0xc1: {  	_ =	task.clear_ibuf [dreg:s6], $0x2FFFF;
	_ =	strace $0x9FFFFFFF  }
0xc2: {  	(tm) =	ssettm $0x7FFFFFFF  }
0xc3: {  	_ =	shalt  }
tec
execute0_lowered:
.L_overlay_start_1:
0x0: {  	(tag) =	ssettag $0x1  }
0x1: {  	s0 =	rddreg [dreg:$0x0]  }
0x2: {  	s2 =	rddreg [dreg:$0x1];
	s3 =	srdreg.scid;
	s1 =	simm.s32 $0x0  }
0x3: {  	s14 =	stileid.u32;
	s15 =	simm.s32 $0x800;
	s18 =	simm.s32 $0x1C000  }
0x4: {  	s19 =	simm.s32 $0x100;
	s20 =	simm.s32 $0x4000;
	s21 =	simm.s32 $0x1  }
0x5: {  	s22 =	simm.s32 $0xC000;
	s23 =	simm.s32 $0x80;
	s4 =	sand.u32 $0x1, s3  }
0x6: {  	[smem:$0x7FF] =	sst s1;
	s10 =	sshll.u32 s14, $0x7;
	s29 =	sshll.u32 s14, $0xE  }
0x7: {  	s11 =	sshll.u32 s14, $0xB;
	s16 =	sshrl.u32 s14, $0x2;
	s30 =	sand.u32 $0x3, s14  }
0x8: {  	s31 =	sshll.u32 s14, $0x8;
	s14 =	simm.s32 $0x2;
	s3 =	sshll.u32 s4, $0x8  }
0x9: {  	_ =	strace $0x80000047;
	s6 =	sshll.u32 s4, $0x9;
	s13 =	sshll.u32 s4, $0xB  }
0xa: {  	s25 =	sshll.u32 s4, $0xD;
	s4 =	ssub.s32 $0x2, s4;
	s24 =	sor.u32 $0x2000, s31  }
0xb: {  	s5 =	sadd.s32 s3, s0;
	s3 =	sadd.s32 $0x2E00, s0;
	s7 =	sadd.s32 s6, s0  }
0xc: {  	s8 =	sor.u32 s10, s13;
	s9 =	sadd.s32 s25, s0;
	s28 =	sshrl.u32 s4, $0x1  }
0xd: {  	s10 =	sadd.s32 s10, s2;
	v4 =	vmov s24;
	s24 =	simm.s32 $0x1C810;
	s25 =	simm.s32 $0x0  }
0xe: {  	s26 =	sshrl.u32 s8, $0x3;
	s12 =	ssub.s32 s4, s28;
	s4 =	sadd.s32 $0x2C00, s5  }
0xf: {  	s5 =	sadd.s32 $0x2A00, s5;
	s6 =	sadd.s32 $0x43200, s7;
	s7 =	sadd.s32 $0x42E00, s7  }
0x10: {  	v2 =	vimm.f32 $0.0e+00;
	vm0 =	vcmask $0x300;
	s9 =	sadd.s32 s29, s9;
	s8 =	sadd.s32 s11, s2;
	s0 =	sadd.s32 s26, s0  }
0x11: {  	v3 =	vsel vm0, $0x3F800000, v2;
	s2 =	sor.u32 $0x3000, s31;
	s11 =	sadd.s32 $0x83600, s0;
	s0 =	sshll.u32 s30, $0x5  }
0x12: {  	v1 =	vmov s16;
	v0 =	vmov s13;
	s9 =	sadd.s32 $0x43600, s9;
	s12 =	smax.u32 s12, $0x1;
	v5 =	vmov s2;
	s0 =	sor.u32 $0x4400, s0  }
.LBB2_1:
0x13: {  	[tilespmem:s1], [sflag:$0x2] =	stream.linear.gather [hbm4b:s4+s1], $0x800, $0x38;
	[tilespmem:$0x1D810] =	vst v63  }
0x14: {  	_ =	swait.ge [sflag:s14], $0x800  }
0x15: {  	[sflag:s14] =	ssyncset.done $0x0  }
0x16: {  	[sflag:s14] =	ssyncadd.s32 $0xFFFFF800  }
0x17: {  	[tilespmem:s15], [sflag:$0x2] =	stream.linear.gather [hbm4b:s5+s1], $0x800, $0x38;
	[tilespmem:$0x1D810] =	vst v63  }
0x18: {  	_ =	swait.ge [sflag:s14], $0x800  }
0x19: {  	[sflag:s14] =	ssyncset.done $0x0  }
0x1a: {  	s2 =	simm.s32 $0x1000;
	[sflag:s14] =	ssyncadd.s32 $0xFFFFF800  }
0x1b: {  	[tilespmem:s2], [sflag:$0x2] =	stream.linear.gather [hbm4b:s6+s1], $0x1000, $0x38;
	[tilespmem:$0x1D810] =	vst v63  }
0x1c: {  	_ =	swait.ge [sflag:s14], $0x1000  }
0x1d: {  	[sflag:s14] =	ssyncset.done $0x0  }
0x1e: {  	s31 =	simm.s32 $0x2000;
	[sflag:s14] =	ssyncadd.s32 $0xFFFFF000  }
0x1f: {  	[tilespmem:s31], [sflag:$0x2] =	stream.linear.gather [hbm4b:s7+s1], $0x1000, $0x38;
	[tilespmem:$0x1D810] =	vst v63  }
0x20: {  	_ =	swait.ge [sflag:s14], $0x1000  }
0x21: {  	[sflag:s14] =	ssyncset.done $0x0  }
0x22: {  	s13 =	simm.s32 $0x0;
	[sflag:s14] =	ssyncadd.s32 $0xFFFFF000  }
0x23: {  	v6 =	vld [tilespmem:s13+$0x2000]  }
0x24: {  	v7 =	vld [tilespmem:s13+$0x1000];
	_ =	sdelay $0x6  }
0x25: {  	v6 =	vld.idx.msk [tilespmem:v6+s15+$0x0], $0xffff  }
0x26: {  	v7 =	vld.idx.msk [tilespmem:v7+s1+$0x0], $0xffff;
	_ =	sdelay $0x4  }
0x27: {  	v6 =	vadd.f32 v6, v7;
	_ =	sdelay $0x1  }
0x28: {  	v7 =	vmul.f32 $2.000000030e-01, v6  }
0x29: {  	vm0 =	vge.f32 v6, $0.0e+00  }
0x2a: {  	v6 =	vsel vm0, v6, v7  }
0x2b: {  	v6 =	vmul.f32 $1.442695020e+00, v6;
	_ =	sdelay $0x1  }
0x2c: {  	(erf) = vpow2.f32 v6;
	_ =	sdelay $0x1  }
0x2d: {  	s16 =	simm.s32 $0x10  }
0x2e: {  	s2 =	simm.s32 $0x80;
	v6 =	vld [tilespmem:s16+$0x2000]  }
.LBB2_2:
0x2f: {  	p0 =	sne.s32 s2, $0x3FC0;
	v7 =	vld [tilespmem:s16+$0x1000];
	_ =	sdelay $0x4  }
0x30: {  	v8 =	vpop (erf)  }
0x31: {  	[tilespmem:s13+$0x3000] =	vst v8;
	s13 =	smov.u32 s16  }
0x32: {  	s26 =	simm.s32 $0x0;
	v6 =	vld.idx.msk [tilespmem:v6+s15+$0x0], $0xffff  }
0x33: {  	v7 =	vld.idx.msk [tilespmem:v7+s26+$0x0], $0xffff;
	_ =	sdelay $0x5  }
0x34: {  	v6 =	vadd.f32 v6, v7;
	_ =	sdelay $0x1  }
0x35: {  	v7 =	vmul.f32 $2.000000030e-01, v6  }
0x36: {  	vm0 =	vge.f32 v6, $0.0e+00  }
0x37: {  	v6 =	vsel vm0, v6, v7  }
0x38: {  	v6 =	vmul.f32 $1.442695020e+00, v6  }
.Ltmp0:
0x39: {  	(pc) =	sbr.rel @p0 .LBB2_2-.Ltmp0, $3  }
0x3a: {  	(erf) = vpow2.f32 v6;
	_ =	sdelay $0x1  }
0x3b: {  	s16 =	sshra.s32 s2, $0x2  }
0x3c: {  	s2 =	sadd.s32 $0x40, s2;
	v6 =	vld [tilespmem:s16+$0x2000]  }
0x3d: {  	_ = 	snop  }
0x3e: {  	v7 =	vld [tilespmem:s16+$0x1000];
	_ =	sdelay $0x4  }
0x3f: {  	v8 =	vpop (erf)  }
0x40: {  	[tilespmem:s13+$0x3000] =	vst v8  }
0x41: {  	v6 =	vld.idx.msk [tilespmem:v6+s15+$0x0], $0xffff  }
0x42: {  	v7 =	vld.idx.msk [tilespmem:v7+s26+$0x0], $0xffff;
	_ =	sdelay $0x4  }
0x43: {  	v6 =	vadd.f32 v6, v7;
	_ =	sdelay $0x1  }
0x44: {  	v7 =	vmul.f32 $2.000000030e-01, v6  }
0x45: {  	vm0 =	vge.f32 v6, $0.0e+00  }
0x46: {  	v6 =	vsel vm0, v6, v7  }
0x47: {  	v6 =	vmul.f32 $1.442695020e+00, v6;
	_ =	sdelay $0x1  }
0x48: {  	(erf) = vpow2.f32 v6;
	_ =	sdelay $0x4  }
0x49: {  	p0 =	por $0x1, $0x1  }
.Ltmp1:
0x4a: {  	_ = 	snop;
	(pc) =	sbr.rel @!p0 .LBB2_5-.Ltmp1, $3  }
0x4b: {  	_ =	sdelay $0x1  }
0x4c: {  	v6 =	vpop (erf)  }
0x4d: {  	s2 =	simm.s32 $0x40;
	s13 =	simm.s32 $0x0;
	[tilespmem:s16+$0x3000] =	vst v6  }
.LBB2_4:
0x4e: {  	p0 =	sne.s32 s2, $0x2000;
	[tilespmem:s13+$0x1C000] =	vst v2;
	s13 =	smov.u32 s2;
	s2 =	sadd.s32 $0x40, s2  }
.Ltmp2:
0x4f: {  	(pc) =	sbr.rel @p0 .LBB2_4-.Ltmp2, $2  }
0x50: {  	_ =	sdelay $0x2  }
0x51: {  	s13 =	sshra.s32 s13, $0x2  }
.LBB2_5:
0x52: {  	p1 =	por $0x1, $0x1  }
.Ltmp3:
0x53: {  	_ = 	snop;
	(pc) =	sbr.rel @!p1 .LBB2_10-.Ltmp3, $2  }
0x54: {  	_ =	sdelay $0x2  }
0x55: {  	[tilespmem:s13+$0x1C000] =	vst v2;
	s13 =	simm.s32 $0x40;
	p0 =	por $0x0, $0x0  }
0x56: {  	_ =	sdelay $0x2  }
0x57: {  	s2 =	simm.s32 $0x0  }
0x58: {  	v6 =	vld.idx.msk [tilespmem:v4+s2+$0x0 ss:$0x1], $0xffff;
	_ =	sdelay $0x4  }
0x59: {  	v6 =	vadd.s32 $0x1C000, v6  }
0x5a: {  	(v2sf) =	vpush v6, $0x0  }
0x5b: {  	(v2sf) =	vpush v6, $0x1  }
0x5c: {  	(v2sf) =	vpush v6, $0x2  }
0x5d: {  	(v2sf) =	vpush v6, $0x3  }
0x5e: {  	(v2sf) =	vpush v6, $0x4  }
0x5f: {  	(v2sf) =	vpush v6, $0x5  }
0x60: {  	(v2sf) =	vpush v6, $0x6  }
0x61: {  	v7 =	vld.idx.msk [tilespmem:v5+s2+$0x0 ss:$0x1], $0xffff;
	(v2sf) =	vpush v6, $0x7  }
0x62: {  	(v2sf) =	vpush v6, $0x8  }
0x63: {  	(v2sf) =	vpush v6, $0x9  }
0x64: {  	(v2sf) =	vpush v6, $0xA  }
0x65: {  	(v2sf) =	vpush v6, $0xB  }
0x66: {  	v8 =	vbroadcast v7, $0x0;
	(v2sf) =	vpush v6, $0xC  }
0x67: {  	v9 =	vbroadcast v7, $0x1;
	(v2sf) =	vpush v6, $0xD  }
0x68: {  	v10 =	vbroadcast v7, $0x2;
	v8 =	vmul.f32 v3, v8;
	(v2sf) =	vpush v6, $0xE  }
0x69: {  	v11 =	vbroadcast v7, $0x3;
	v9 =	vmul.f32 v3, v9;
	s31 =	spop (v2sf);
	(v2sf) =	vpush v6, $0xF  }
0x6a: {  	v6 =	vbroadcast v7, $0x4;
	[tilespmem:s31+$0x0] =	vst.add.f32.msk $0xffff, v8;
	v8 =	vmul.f32 v3, v10;
	s16 =	spop (v2sf)  }
0x6b: {  	v53 =	vbroadcast v7, $0x5;
	v54 =	vmul.f32 v3, v11;
	[tilespmem:s16+$0x0] =	vst.add.f32.msk $0xffff, v9;
	s17 =	spop (v2sf)  }
0x6c: {  	v55 =	vbroadcast v7, $0x6;
	v6 =	vmul.f32 v3, v6;
	[tilespmem:s17+$0x0] =	vst.add.f32.msk $0xffff, v8;
	s26 =	spop (v2sf)  }
0x6d: {  	v56 =	vmul.f32 v3, v53;
	v8 =	vbroadcast v7, $0x7;
	[tilespmem:s26+$0x0] =	vst.add.f32.msk $0xffff, v54;
	s28 =	spop (v2sf)  }
0x6e: {  	v57 =	vbroadcast v7, $0x8;
	[tilespmem:s28+$0x0] =	vst.add.f32.msk $0xffff, v6;
	v6 =	vmul.f32 v3, v55;
	s29 =	spop (v2sf)  }
0x6f: {  	v58 =	vbroadcast v7, $0x9;
	v8 =	vmul.f32 v3, v8;
	[tilespmem:s29+$0x0] =	vst.add.f32.msk $0xffff, v56;
	s30 =	spop (v2sf)  }
0x70: {  	v59 =	vbroadcast v7, $0xA;
	[tilespmem:s30+$0x0] =	vst.add.f32.msk $0xffff, v6;
	v6 =	vmul.f32 v3, v57;
	s31 =	spop (v2sf)  }
0x71: {  	v60 =	vbroadcast v7, $0xB;
	[tilespmem:s31+$0x0] =	vst.add.f32.msk $0xffff, v8;
	v8 =	vmul.f32 v3, v58;
	s16 =	spop (v2sf)  }
0x72: {  	v61 =	vbroadcast v7, $0xC;
	[tilespmem:s16+$0x0] =	vst.add.f32.msk $0xffff, v6;
	v6 =	vmul.f32 v3, v59;
	s17 =	spop (v2sf)  }
0x73: {  	p1 =	por $0x1, $0x1;
	v62 =	vbroadcast v7, $0xD;
	[tilespmem:s17+$0x0] =	vst.add.f32.msk $0xffff, v8;
	v8 =	vmul.f32 v3, v60;
	s26 =	spop (v2sf)  }
.Ltmp4:
0x74: {  	v63 =	vbroadcast v7, $0xE;
	[tilespmem:s26+$0x0] =	vst.add.f32.msk $0xffff, v6;
	v6 =	vmul.f32 v3, v61;
	s28 =	spop (v2sf);
	(pc) =	sbr.rel @!p1 .LBB2_7-.Ltmp4, $4  }
0x75: {  	[tilespmem:s28+$0x0] =	vst.add.f32.msk $0xffff, v8;
	v8 =	vmul.f32 v3, v62;
	s29 =	spop (v2sf)  }
0x76: {  	v9 =	vmul.f32 v3, v63;
	v7 =	vbroadcast v7, $0xF;
	[tilespmem:s29+$0x0] =	vst.add.f32.msk $0xffff, v6;
	s30 =	spop (v2sf)  }
0x77: {  	[tilespmem:s30+$0x0] =	vst.add.f32.msk $0xffff, v8;
	s31 =	spop (v2sf)  }
0x78: {  	p0 =	por $0x1, $0x1;
	s26 =	simm.s32 $0x80;
	v6 =	vmul.f32 v3, v7;
	[tilespmem:s31+$0x0] =	vst.add.f32.msk $0xffff, v9;
	s2 =	spop (v2sf)  }
.LBB2_8:
0x79: {  	p1 =	sne.s32 s26, $0x3C0  }
0x7a: {  	s16 =	sshra.s32 s13, $0x2;
	[tilespmem:s2+$0x0] =	vst.add.f32.msk $0xffff, v6;
	s13 =	smov.u32 s26;
	s26 =	sadd.s32 $0x40, s26  }
0x7b: {  	v6 =	vld.idx.msk [tilespmem:v4+s16+$0x0 ss:$0x1], $0xffff;
	_ =	sdelay $0x5  }
0x7c: {  	v6 =	vadd.s32 $0x1C000, v6  }
0x7d: {  	(v2sf) =	vpush v6, $0x0  }
0x7e: {  	(v2sf) =	vpush v6, $0x1  }
0x7f: {  	(v2sf) =	vpush v6, $0x2  }
0x80: {  	(v2sf) =	vpush v6, $0x3  }
0x81: {  	(v2sf) =	vpush v6, $0x4  }
0x82: {  	(v2sf) =	vpush v6, $0x5  }
0x83: {  	v7 =	vld.idx.msk [tilespmem:v5+s16+$0x0 ss:$0x1], $0xffff;
	(v2sf) =	vpush v6, $0x6  }
0x84: {  	(v2sf) =	vpush v6, $0x7  }
0x85: {  	(v2sf) =	vpush v6, $0x8  }
0x86: {  	(v2sf) =	vpush v6, $0x9  }
0x87: {  	(v2sf) =	vpush v6, $0xA  }
0x88: {  	(v2sf) =	vpush v6, $0xB  }
0x89: {  	v8 =	vbroadcast v7, $0x0;
	v9 =	vbroadcast v7, $0x1;
	(v2sf) =	vpush v6, $0xC  }
0x8a: {  	v10 =	vbroadcast v7, $0x2;
	v11 =	vbroadcast v7, $0x4;
	(v2sf) =	vpush v6, $0xD  }
0x8b: {  	v12 =	vbroadcast v7, $0xC;
	v8 =	vmul.f32 v3, v8;
	(v2sf) =	vpush v6, $0xE  }
0x8c: {  	v13 =	vbroadcast v7, $0x3;
	v9 =	vmul.f32 v3, v9;
	s2 =	spop (v2sf);
	(v2sf) =	vpush v6, $0xF  }
0x8d: {  	v6 =	vmul.f32 v3, v10;
	[tilespmem:s2+$0x0] =	vst.add.f32.msk $0xffff, v8;
	v8 =	vbroadcast v7, $0x5;
	s2 =	spop (v2sf)  }
0x8e: {  	v10 =	vbroadcast v7, $0x6;
	[tilespmem:s2+$0x0] =	vst.add.f32.msk $0xffff, v9;
	v9 =	vmul.f32 v3, v13;
	s2 =	spop (v2sf)  }
0x8f: {  	[tilespmem:s2+$0x0] =	vst.add.f32.msk $0xffff, v6;
	v6 =	vmul.f32 v3, v11;
	v11 =	vbroadcast v7, $0x7;
	s2 =	spop (v2sf)  }
0x90: {  	v8 =	vmul.f32 v3, v8;
	[tilespmem:s2+$0x0] =	vst.add.f32.msk $0xffff, v9;
	v9 =	vbroadcast v7, $0xD;
	s2 =	spop (v2sf)  }
0x91: {  	[tilespmem:s2+$0x0] =	vst.add.f32.msk $0xffff, v6;
	v6 =	vmul.f32 v3, v10;
	v10 =	vbroadcast v7, $0x8;
	s2 =	spop (v2sf)  }
0x92: {  	[tilespmem:s2+$0x0] =	vst.add.f32.msk $0xffff, v8;
	v8 =	vmul.f32 v3, v11;
	v11 =	vbroadcast v7, $0x9;
	s2 =	spop (v2sf)  }
0x93: {  	[tilespmem:s2+$0x0] =	vst.add.f32.msk $0xffff, v6;
	v6 =	vmul.f32 v3, v10;
	v10 =	vbroadcast v7, $0xA;
	s2 =	spop (v2sf)  }
0x94: {  	[tilespmem:s2+$0x0] =	vst.add.f32.msk $0xffff, v8;
	v8 =	vmul.f32 v3, v11;
	v11 =	vbroadcast v7, $0xB;
	s2 =	spop (v2sf)  }
0x95: {  	[tilespmem:s2+$0x0] =	vst.add.f32.msk $0xffff, v6;
	v6 =	vmul.f32 v3, v10;
	v10 =	vbroadcast v7, $0xE;
	s2 =	spop (v2sf)  }
0x96: {  	v7 =	vbroadcast v7, $0xF;
	[tilespmem:s2+$0x0] =	vst.add.f32.msk $0xffff, v8;
	v8 =	vmul.f32 v3, v11;
	s2 =	spop (v2sf)  }
.Ltmp5:
0x97: {  	[tilespmem:s2+$0x0] =	vst.add.f32.msk $0xffff, v6;
	v6 =	vmul.f32 v3, v12;
	s2 =	spop (v2sf);
	(pc) =	sbr.rel @p1 .LBB2_8-.Ltmp5, $4  }
0x98: {  	[tilespmem:s2+$0x0] =	vst.add.f32.msk $0xffff, v8;
	v8 =	vmul.f32 v3, v9;
	s2 =	spop (v2sf)  }
0x99: {  	v9 =	vmul.f32 v3, v10;
	[tilespmem:s2+$0x0] =	vst.add.f32.msk $0xffff, v6;
	s2 =	spop (v2sf)  }
0x9a: {  	v6 =	vmul.f32 v3, v7;
	[tilespmem:s2+$0x0] =	vst.add.f32.msk $0xffff, v8;
	s2 =	spop (v2sf)  }
0x9b: {  	[tilespmem:s2+$0x0] =	vst.add.f32.msk $0xffff, v9;
	s2 =	spop (v2sf)  }
0x9c: {  	s26 =	smov.u32 s13  }
.LBB2_10:
0x9d: {  	_ =	sdelay $0x2  }
0x9e: {  	s13 =	sshra.s32 s26, $0x2;
	[tilespmem:s2+$0x0] =	vst.add.f32.msk @p0 $0xffff, v6  }
0x9f: {  	v6 =	vld.idx.msk [tilespmem:v4+s13+$0x0 ss:$0x1], $0xffff;
	_ =	sdelay $0x4  }
0xa0: {  	v6 =	vadd.s32 $0x1C000, v6  }
0xa1: {  	(v2sf) =	vpush v6, $0x0  }
0xa2: {  	(v2sf) =	vpush v6, $0x1  }
0xa3: {  	(v2sf) =	vpush v6, $0x2  }
0xa4: {  	(v2sf) =	vpush v6, $0x3  }
0xa5: {  	(v2sf) =	vpush v6, $0x4  }
0xa6: {  	(v2sf) =	vpush v6, $0x5  }
0xa7: {  	(v2sf) =	vpush v6, $0x6  }
0xa8: {  	v7 =	vld.idx.msk [tilespmem:v5+s13+$0x0 ss:$0x1], $0xffff;
	(v2sf) =	vpush v6, $0x7  }
0xa9: {  	(v2sf) =	vpush v6, $0x8  }
0xaa: {  	(v2sf) =	vpush v6, $0x9  }
0xab: {  	(v2sf) =	vpush v6, $0xA  }
0xac: {  	(v2sf) =	vpush v6, $0xB  }
0xad: {  	v8 =	vbroadcast v7, $0x0;
	(v2sf) =	vpush v6, $0xC  }
0xae: {  	v9 =	vbroadcast v7, $0x1;
	(v2sf) =	vpush v6, $0xD  }
0xaf: {  	v10 =	vbroadcast v7, $0x2;
	v8 =	vmul.f32 v3, v8;
	(v2sf) =	vpush v6, $0xE  }
0xb0: {  	v11 =	vbroadcast v7, $0x3;
	v9 =	vmul.f32 v3, v9;
	s13 =	spop (v2sf);
	(v2sf) =	vpush v6, $0xF  }
0xb1: {  	v48 =	vmul.f32 v3, v10;
	v6 =	vbroadcast v7, $0x4;
	[tilespmem:s13+$0x0] =	vst.add.f32.msk $0xffff, v8;
	s16 =	spop (v2sf)  }
0xb2: {  	v49 =	vbroadcast v7, $0x5;
	v50 =	vmul.f32 v3, v11;
	[tilespmem:s16+$0x0] =	vst.add.f32.msk $0xffff, v9;
	s17 =	spop (v2sf)  }
0xb3: {  	v51 =	vbroadcast v7, $0x6;
	v6 =	vmul.f32 v3, v6;
	[tilespmem:s17+$0x0] =	vst.add.f32.msk $0xffff, v48;
	s26 =	spop (v2sf)  }
0xb4: {  	v52 =	vbroadcast v7, $0x7;
	v53 =	vmul.f32 v3, v49;
	[tilespmem:s26+$0x0] =	vst.add.f32.msk $0xffff, v50;
	s28 =	spop (v2sf)  }
0xb5: {  	v54 =	vbroadcast v7, $0x8;
	[tilespmem:s28+$0x0] =	vst.add.f32.msk $0xffff, v6;
	v6 =	vmul.f32 v3, v51;
	s29 =	spop (v2sf)  }
0xb6: {  	v55 =	vbroadcast v7, $0x9;
	v8 =	vmul.f32 v3, v52;
	[tilespmem:s29+$0x0] =	vst.add.f32.msk $0xffff, v53;
	s30 =	spop (v2sf)  }
0xb7: {  	v56 =	vbroadcast v7, $0xA;
	[tilespmem:s30+$0x0] =	vst.add.f32.msk $0xffff, v6;
	v6 =	vmul.f32 v3, v54;
	s31 =	spop (v2sf)  }
0xb8: {  	v58 =	vbroadcast v7, $0xB;
	v57 =	vmul.f32 v3, v55;
	[tilespmem:s31+$0x0] =	vst.add.f32.msk $0xffff, v8;
	s13 =	spop (v2sf)  }
0xb9: {  	v59 =	vbroadcast v7, $0xC;
	[tilespmem:s13+$0x0] =	vst.add.f32.msk $0xffff, v6;
	v6 =	vmul.f32 v3, v56;
	s16 =	spop (v2sf)  }
0xba: {  	v60 =	vbroadcast v7, $0xD;
	v61 =	vmul.f32 v3, v58;
	[tilespmem:s16+$0x0] =	vst.add.f32.msk $0xffff, v57;
	s17 =	spop (v2sf)  }
0xbb: {  	v62 =	vbroadcast v7, $0xE;
	[tilespmem:s17+$0x0] =	vst.add.f32.msk $0xffff, v6;
	v6 =	vmul.f32 v3, v59;
	s26 =	spop (v2sf)  }
0xbc: {  	v63 =	vmul.f32 v3, v60;
	v7 =	vbroadcast v7, $0xF;
	[tilespmem:s26+$0x0] =	vst.add.f32.msk $0xffff, v61;
	s28 =	spop (v2sf)  }
0xbd: {  	[tilespmem:s28+$0x0] =	vst.add.f32.msk $0xffff, v6;
	v6 =	vmul.f32 v3, v62;
	s29 =	spop (v2sf)  }
0xbe: {  	v7 =	vmul.f32 v3, v7;
	[tilespmem:s29+$0x0] =	vst.add.f32.msk $0xffff, v63;
	s30 =	spop (v2sf)  }
0xbf: {  	[tilespmem:s30+$0x0] =	vst.add.f32.msk $0xffff, v6;
	s31 =	spop (v2sf)  }
0xc0: {  	[tilespmem:s31+$0x0] =	vst.add.f32.msk $0xffff, v7  }
0xc1: {  	[spmem:s8] =	stream.linear.scatter [tilespmem:s18], [sflag:$0x2], $0x800, $0x38;
	[tilespmem:$0x1D810] =	vst v63  }
0xc2: {  	_ =	swait.ge [sflag:s14], $0x800  }
0xc3: {  	s2 =	simm.s32 $0x0;
	[sflag:s14] =	ssyncset.done $0x0  }
0xc4: {  	s13 =	simm.s32 $0x0;
	s16 =	simm.s32 $0x40;
	[sflag:s14] =	ssyncadd.s32 $0xFFFFF800  }
.LBB2_11:
0xc5: {  	p0 =	sne.s32 s16, $0x3FC0;
	v6 =	vld [tilespmem:s13+$0x1000];
	_ =	sdelay $0x3  }
.Ltmp6:
0xc6: {  	(pc) =	sbr.rel @p0 .LBB2_11-.Ltmp6, $4  }
0xc7: {  	v6 =	vadd.s32 v0, v6  }
0xc8: {  	v6 =	vshll.u32 v6, $0x2  }
0xc9: {  	v6 =	vor.u32 v1, v6  }
0xca: {  	[tilespmem:s13+$0x1000] =	vst v6;
	s13 =	sshra.s32 s16, $0x2;
	s16 =	sadd.s32 $0x40, s16  }
0xcb: {  	v6 =	vld [tilespmem:s13+$0x1000];
	_ =	sdelay $0x4  }
0xcc: {  	v6 =	vadd.s32 v0, v6  }
0xcd: {  	v6 =	vshll.u32 v6, $0x2  }
0xce: {  	v6 =	vor.u32 v1, v6  }
0xcf: {  	[tilespmem:s13+$0x1000] =	vst v6;
	s13 =	simm.s32 $0x0  }
.LBB2_13:
0xd0: {  	p0 =	sne.s32 s13, $0x3FFC0  }
.Ltmp7:
0xd1: {  	_ = 	snop;
	(pc) =	sbr.rel @p0 .LBB2_13-.Ltmp7, $4  }
0xd2: {  	s16 =	sand.u32 $0x3FF80, s13  }
0xd3: {  	s26 =	sand.u32 $0x10, s2;
	s16 =	sshrl.u32 s16, $0x2  }
0xd4: {  	s16 =	sor.u32 s26, s16  }
0xd5: {  	s2 =	sadd.s32 $0x10, s2;
	s13 =	sadd.s32 $0x40, s13;
	[tilespmem:s16+$0xC000] =	vst v2  }
0xd6: {  	s26 =	simm.s32 $0x0;
	s28 =	simm.s32 $0x3000;
	s29 =	simm.s32 $0x2000  }
.LBB2_15:
0xd7: {  	s2 =	sshll.u32 s26, $0x8  }
0xd8: {  	v6 =	vmov s29;
	s2 =	sadd.s32 $0x1000, s2  }
0xd9: {  	[tilespmem:s20], [sflag:$0x1] =	stream.indirect.gather [hbm4b:s3+s19], $0x80, s2, s19, $0xb8;
	[tilespmem:$0x1D810] =	vst v63  }
0xda: {  	_ =	swait.ge [sflag:s21], $0x8000  }
0xdb: {  	[sflag:s21] =	ssyncset.done $0x0  }
0xdc: {  	s13 =	simm.s32 $0x0;
	[sflag:s21] =	ssyncadd.s32 $0xFFFF8000  }
0xdd: {  	v7 =	vld.idx.msk [tilespmem:v6+s13+$0x0 ss:$0x1], $0xffff;
	_ =	sdelay $0x4  }
0xde: {  	v7 =	vshll.u32 v7, $0x7  }
0xdf: {  	v8 =	vshra.s32 v7, $0x2  }
0xe0: {  	v7 =	vmov s28;
	(v2sf) =	vpush v8, $0x0;
	_ =	sdelay $0x4  }
0xe1: {  	v9 =	vld.idx.msk [tilespmem:v7+s13+$0x0 ss:$0x1], $0xffff;
	_ =	sdelay $0x3  }
0xe2: {  	v10 =	vld [tilespmem:s0+$0xFFFFFC00];
	(v2sf) =	vpush v8, $0x1  }
0xe3: {  	v11 =	vld [tilespmem:s0+$0xFFFFFC10];
	v12 =	vadd.f32 $0.0e+00, v9;
	_ =	sdelay $0x1  }
0xe4: {  	v9 =	vbroadcast v12, $0x0;
	_ =	sdelay $0x1  }
0xe5: {  	v10 =	vmul.f32 v9, v10  }
0xe6: {  	v9 =	vmul.f32 v9, v11;
	s16 =	spop (v2sf)  }
0xe7: {  	[tilespmem:s16+$0xC000] =	vst.add.f32.msk $0xffff, v10  }
0xe8: {  	[tilespmem:s16+$0xC010] =	vst.add.f32.msk $0xffff, v9  }
0xe9: {  	(v2sf) =	vpush v8, $0x2;
	v9 =	vld [tilespmem:s0+$0xFFFFFC80]  }
0xea: {  	v10 =	vld [tilespmem:s0+$0xFFFFFC90];
	_ =	sdelay $0x1  }
0xeb: {  	v11 =	vbroadcast v12, $0x1;
	_ =	sdelay $0x1  }
0xec: {  	v9 =	vmul.f32 v9, v11  }
0xed: {  	s17 =	spop (v2sf);
	v10 =	vmul.f32 v10, v11  }
0xee: {  	[tilespmem:s17+$0xC000] =	vst.add.f32.msk $0xffff, v9  }
0xef: {  	[tilespmem:s17+$0xC010] =	vst.add.f32.msk $0xffff, v10  }
0xf0: {  	(v2sf) =	vpush v8, $0x3;
	v9 =	vld [tilespmem:s0+$0xFFFFFD00]  }
0xf1: {  	v10 =	vld [tilespmem:s0+$0xFFFFFD10];
	_ =	sdelay $0x1  }
0xf2: {  	v11 =	vbroadcast v12, $0x2;
	_ =	sdelay $0x1  }
0xf3: {  	v9 =	vmul.f32 v9, v11  }
0xf4: {  	s13 =	spop (v2sf);
	v10 =	vmul.f32 v10, v11  }
0xf5: {  	[tilespmem:s13+$0xC000] =	vst.add.f32.msk $0xffff, v9  }
0xf6: {  	[tilespmem:s13+$0xC010] =	vst.add.f32.msk $0xffff, v10  }
0xf7: {  	(v2sf) =	vpush v8, $0x4;
	v9 =	vld [tilespmem:s0+$0xFFFFFD80]  }
0xf8: {  	v10 =	vld [tilespmem:s0+$0xFFFFFD90];
	_ =	sdelay $0x1  }
0xf9: {  	v11 =	vbroadcast v12, $0x3;
	_ =	sdelay $0x1  }
0xfa: {  	v9 =	vmul.f32 v9, v11  }
0xfb: {  	s16 =	spop (v2sf);
	v10 =	vmul.f32 v10, v11  }
0xfc: {  	[tilespmem:s16+$0xC000] =	vst.add.f32.msk $0xffff, v9  }
0xfd: {  	[tilespmem:s16+$0xC010] =	vst.add.f32.msk $0xffff, v10  }
0xfe: {  	(v2sf) =	vpush v8, $0x5;
	v9 =	vld [tilespmem:s0+$0xFFFFFE00]  }
0xff: {  	v10 =	vld [tilespmem:s0+$0xFFFFFE10];
	_ =	sdelay $0x1  }
0x100: {  	v11 =	vbroadcast v12, $0x4;
	_ =	sdelay $0x1  }
0x101: {  	v9 =	vmul.f32 v9, v11  }
0x102: {  	s17 =	spop (v2sf);
	v10 =	vmul.f32 v10, v11  }
0x103: {  	[tilespmem:s17+$0xC000] =	vst.add.f32.msk $0xffff, v9  }
0x104: {  	[tilespmem:s17+$0xC010] =	vst.add.f32.msk $0xffff, v10  }
0x105: {  	(v2sf) =	vpush v8, $0x6;
	v9 =	vld [tilespmem:s0+$0xFFFFFE80]  }
0x106: {  	v10 =	vld [tilespmem:s0+$0xFFFFFE90];
	_ =	sdelay $0x1  }
0x107: {  	v11 =	vbroadcast v12, $0x5;
	_ =	sdelay $0x1  }
0x108: {  	v9 =	vmul.f32 v9, v11  }
0x109: {  	s13 =	spop (v2sf);
	v10 =	vmul.f32 v10, v11  }
0x10a: {  	[tilespmem:s13+$0xC000] =	vst.add.f32.msk $0xffff, v9  }
0x10b: {  	[tilespmem:s13+$0xC010] =	vst.add.f32.msk $0xffff, v10  }
0x10c: {  	(v2sf) =	vpush v8, $0x7;
	v9 =	vld [tilespmem:s0+$0xFFFFFF00]  }
0x10d: {  	v10 =	vld [tilespmem:s0+$0xFFFFFF10];
	_ =	sdelay $0x1  }
0x10e: {  	v11 =	vbroadcast v12, $0x6;
	_ =	sdelay $0x1  }
0x10f: {  	v9 =	vmul.f32 v9, v11  }
0x110: {  	s16 =	spop (v2sf);
	v10 =	vmul.f32 v10, v11  }
0x111: {  	[tilespmem:s16+$0xC000] =	vst.add.f32.msk $0xffff, v9  }
0x112: {  	[tilespmem:s16+$0xC010] =	vst.add.f32.msk $0xffff, v10  }
0x113: {  	(v2sf) =	vpush v8, $0x8;
	v9 =	vld [tilespmem:s0+$0xFFFFFF80]  }
0x114: {  	v10 =	vld [tilespmem:s0+$0xFFFFFF90];
	_ =	sdelay $0x1  }
0x115: {  	v11 =	vbroadcast v12, $0x7;
	_ =	sdelay $0x1  }
0x116: {  	v9 =	vmul.f32 v9, v11  }
0x117: {  	s17 =	spop (v2sf);
	v10 =	vmul.f32 v10, v11  }
0x118: {  	[tilespmem:s17+$0xC000] =	vst.add.f32.msk $0xffff, v9  }
0x119: {  	[tilespmem:s17+$0xC010] =	vst.add.f32.msk $0xffff, v10  }
0x11a: {  	(v2sf) =	vpush v8, $0x9;
	v9 =	vld [tilespmem:s0+$0x0]  }
0x11b: {  	v10 =	vld [tilespmem:s0+$0x10];
	_ =	sdelay $0x1  }
0x11c: {  	v11 =	vbroadcast v12, $0x8;
	_ =	sdelay $0x1  }
0x11d: {  	v9 =	vmul.f32 v9, v11  }
0x11e: {  	s13 =	spop (v2sf);
	v10 =	vmul.f32 v10, v11  }
0x11f: {  	[tilespmem:s13+$0xC000] =	vst.add.f32.msk $0xffff, v9  }
0x120: {  	[tilespmem:s13+$0xC010] =	vst.add.f32.msk $0xffff, v10  }
0x121: {  	(v2sf) =	vpush v8, $0xA;
	v9 =	vld [tilespmem:s0+$0x80]  }
0x122: {  	v10 =	vld [tilespmem:s0+$0x90];
	_ =	sdelay $0x1  }
0x123: {  	v11 =	vbroadcast v12, $0x9;
	_ =	sdelay $0x1  }
0x124: {  	v9 =	vmul.f32 v9, v11  }
0x125: {  	s16 =	spop (v2sf);
	v10 =	vmul.f32 v10, v11  }
0x126: {  	[tilespmem:s16+$0xC000] =	vst.add.f32.msk $0xffff, v9  }
0x127: {  	[tilespmem:s16+$0xC010] =	vst.add.f32.msk $0xffff, v10  }
0x128: {  	(v2sf) =	vpush v8, $0xB;
	v9 =	vld [tilespmem:s0+$0x100]  }
0x129: {  	v10 =	vld [tilespmem:s0+$0x110];
	_ =	sdelay $0x1  }
0x12a: {  	v11 =	vbroadcast v12, $0xA;
	_ =	sdelay $0x1  }
0x12b: {  	v9 =	vmul.f32 v9, v11  }
0x12c: {  	s17 =	spop (v2sf);
	v10 =	vmul.f32 v10, v11  }
0x12d: {  	[tilespmem:s17+$0xC000] =	vst.add.f32.msk $0xffff, v9  }
0x12e: {  	[tilespmem:s17+$0xC010] =	vst.add.f32.msk $0xffff, v10  }
0x12f: {  	(v2sf) =	vpush v8, $0xC;
	v9 =	vld [tilespmem:s0+$0x180]  }
0x130: {  	v10 =	vld [tilespmem:s0+$0x190];
	_ =	sdelay $0x1  }
0x131: {  	v11 =	vbroadcast v12, $0xB;
	_ =	sdelay $0x1  }
0x132: {  	v9 =	vmul.f32 v9, v11  }
0x133: {  	s13 =	spop (v2sf);
	v10 =	vmul.f32 v10, v11  }
0x134: {  	[tilespmem:s13+$0xC000] =	vst.add.f32.msk $0xffff, v9  }
0x135: {  	[tilespmem:s13+$0xC010] =	vst.add.f32.msk $0xffff, v10  }
0x136: {  	(v2sf) =	vpush v8, $0xD;
	v9 =	vld [tilespmem:s0+$0x200]  }
0x137: {  	v10 =	vld [tilespmem:s0+$0x210]  }
0x138: {  	(v2sf) =	vpush v8, $0xE  }
0x139: {  	(v2sf) =	vpush v8, $0xF;
	v11 =	vbroadcast v12, $0xC;
	_ =	sdelay $0x1  }
0x13a: {  	v8 =	vmul.f32 v9, v11  }
0x13b: {  	s16 =	spop (v2sf);
	v9 =	vmul.f32 v10, v11  }
0x13c: {  	[tilespmem:s16+$0xC000] =	vst.add.f32.msk $0xffff, v8  }
0x13d: {  	[tilespmem:s16+$0xC010] =	vst.add.f32.msk $0xffff, v9  }
0x13e: {  	v8 =	vld [tilespmem:s0+$0x280]  }
0x13f: {  	v9 =	vld [tilespmem:s0+$0x290];
	_ =	sdelay $0x1  }
0x140: {  	v10 =	vbroadcast v12, $0xD;
	_ =	sdelay $0x1  }
0x141: {  	v8 =	vmul.f32 v8, v10  }
0x142: {  	s17 =	spop (v2sf);
	v9 =	vmul.f32 v9, v10  }
0x143: {  	[tilespmem:s17+$0xC000] =	vst.add.f32.msk $0xffff, v8  }
0x144: {  	s31 =	simm.s32 $0x40;
	s16 =	spop (v2sf);
	[tilespmem:s17+$0xC010] =	vst.add.f32.msk $0xffff, v9  }
0x145: {  	s30 =	smov.u32 s0;
	s13 =	smov.u32 s0;
	s2 =	spop (v2sf);
	v9 =	vbroadcast v12, $0xE;
	v8 =	vbroadcast v12, $0xF;
	v10 =	vld [tilespmem:s0+$0x300]  }
.LBB2_16:
0x146: {  	p0 =	sne.s32 s31, $0x3C0  }
0x147: {  	v11 =	vld [tilespmem:s30+$0x310];
	s13 =	sadd.s32 $0x800, s13;
	s17 =	smov.u32 s31;
	s31 =	sadd.s32 $0x40, s31  }
0x148: {  	_ =	sdelay $0x2  }
0x149: {  	v10 =	vmul.f32 v10, v9  }
0x14a: {  	v9 =	vmul.f32 v11, v9  }
0x14b: {  	[tilespmem:s16+$0xC000] =	vst.add.f32.msk $0xffff, v10  }
0x14c: {  	[tilespmem:s16+$0xC010] =	vst.add.f32.msk $0xffff, v9  }
0x14d: {  	v9 =	vld [tilespmem:s30+$0x380]  }
0x14e: {  	v10 =	vld [tilespmem:s30+$0x390];
	s30 =	smov.u32 s13;
	_ =	sdelay $0x3  }
0x14f: {  	v9 =	vmul.f32 v9, v8  }
0x150: {  	v8 =	vmul.f32 v10, v8  }
0x151: {  	[tilespmem:s2+$0xC000] =	vst.add.f32.msk $0xffff, v9  }
0x152: {  	s16 =	sshra.s32 s17, $0x2;
	[tilespmem:s2+$0xC010] =	vst.add.f32.msk $0xffff, v8  }
0x153: {  	v8 =	vld.idx.msk [tilespmem:v6+s16+$0x0 ss:$0x1], $0xffff;
	_ =	sdelay $0x5  }
0x154: {  	v8 =	vshll.u32 v8, $0x7  }
0x155: {  	v9 =	vshra.s32 v8, $0x2  }
0x156: {  	(v2sf) =	vpush v9, $0x0;
	_ =	sdelay $0x3  }
0x157: {  	v8 =	vld.idx.msk [tilespmem:v7+s16+$0x0 ss:$0x1], $0xffff;
	_ =	sdelay $0x3  }
0x158: {  	v10 =	vld [tilespmem:s13+$0xFFFFFC10];
	(v2sf) =	vpush v9, $0x1  }
0x159: {  	v11 =	vld [tilespmem:s13+$0xFFFFFC00]  }
0x15a: {  	v8 =	vadd.f32 $0.0e+00, v8;
	_ =	sdelay $0x1  }
0x15b: {  	v12 =	vbroadcast v8, $0x0;
	_ =	sdelay $0x1  }
0x15c: {  	v10 =	vmul.f32 v12, v10;
	v11 =	vmul.f32 v12, v11  }
0x15d: {  	s2 =	spop (v2sf)  }
0x15e: {  	[tilespmem:s2+$0xC000] =	vst.add.f32.msk $0xffff, v11;
	(v2sf) =	vpush v9, $0x2  }
0x15f: {  	[tilespmem:s2+$0xC010] =	vst.add.f32.msk $0xffff, v10  }
0x160: {  	v10 =	vld [tilespmem:s13+$0xFFFFFC80]  }
0x161: {  	v11 =	vld [tilespmem:s13+$0xFFFFFC90]  }
0x162: {  	v12 =	vbroadcast v8, $0x1;
	_ =	sdelay $0x2  }
0x163: {  	v10 =	vmul.f32 v10, v12;
	s2 =	spop (v2sf)  }
0x164: {  	v11 =	vmul.f32 v11, v12;
	(v2sf) =	vpush v9, $0x3  }
0x165: {  	[tilespmem:s2+$0xC000] =	vst.add.f32.msk $0xffff, v10  }
0x166: {  	[tilespmem:s2+$0xC010] =	vst.add.f32.msk $0xffff, v11  }
0x167: {  	v10 =	vld [tilespmem:s13+$0xFFFFFD00]  }
0x168: {  	v11 =	vbroadcast v8, $0x2;
	v12 =	vld [tilespmem:s13+$0xFFFFFD10];
	_ =	sdelay $0x2  }
0x169: {  	s2 =	spop (v2sf)  }
0x16a: {  	v10 =	vmul.f32 v10, v11;
	(v2sf) =	vpush v9, $0x4  }
0x16b: {  	v11 =	vmul.f32 v12, v11  }
0x16c: {  	[tilespmem:s2+$0xC000] =	vst.add.f32.msk $0xffff, v10  }
0x16d: {  	[tilespmem:s2+$0xC010] =	vst.add.f32.msk $0xffff, v11  }
0x16e: {  	v10 =	vbroadcast v8, $0x3;
	v11 =	vld [tilespmem:s13+$0xFFFFFD80]  }
0x16f: {  	v12 =	vld [tilespmem:s13+$0xFFFFFD90];
	_ =	sdelay $0x1  }
0x170: {  	s2 =	spop (v2sf)  }
0x171: {  	(v2sf) =	vpush v9, $0x5  }
0x172: {  	v11 =	vmul.f32 v11, v10  }
0x173: {  	v10 =	vmul.f32 v12, v10  }
0x174: {  	[tilespmem:s2+$0xC000] =	vst.add.f32.msk $0xffff, v11  }
0x175: {  	[tilespmem:s2+$0xC010] =	vst.add.f32.msk $0xffff, v10;
	v10 =	vbroadcast v8, $0x4  }
0x176: {  	v11 =	vld [tilespmem:s13+$0xFFFFFE00]  }
0x177: {  	v12 =	vld [tilespmem:s13+$0xFFFFFE10]  }
0x178: {  	s2 =	spop (v2sf)  }
0x179: {  	(v2sf) =	vpush v9, $0x6;
	_ =	sdelay $0x1  }
0x17a: {  	v11 =	vmul.f32 v11, v10  }
0x17b: {  	v10 =	vmul.f32 v12, v10  }
0x17c: {  	[tilespmem:s2+$0xC000] =	vst.add.f32.msk $0xffff, v11;
	v11 =	vbroadcast v8, $0x5  }
0x17d: {  	[tilespmem:s2+$0xC010] =	vst.add.f32.msk $0xffff, v10  }
0x17e: {  	v10 =	vld [tilespmem:s13+$0xFFFFFE80]  }
0x17f: {  	v12 =	vld [tilespmem:s13+$0xFFFFFE90];
	s2 =	spop (v2sf)  }
0x180: {  	(v2sf) =	vpush v9, $0x7;
	_ =	sdelay $0x2  }
0x181: {  	v10 =	vmul.f32 v10, v11  }
0x182: {  	v11 =	vmul.f32 v12, v11;
	v12 =	vbroadcast v8, $0x6  }
0x183: {  	[tilespmem:s2+$0xC000] =	vst.add.f32.msk $0xffff, v10  }
0x184: {  	[tilespmem:s2+$0xC010] =	vst.add.f32.msk $0xffff, v11  }
0x185: {  	v10 =	vld [tilespmem:s13+$0xFFFFFF00];
	s2 =	spop (v2sf)  }
0x186: {  	v11 =	vld [tilespmem:s13+$0xFFFFFF10];
	(v2sf) =	vpush v9, $0x8;
	_ =	sdelay $0x3  }
0x187: {  	v13 =	vbroadcast v8, $0x7;
	v10 =	vmul.f32 v10, v12  }
0x188: {  	v11 =	vmul.f32 v11, v12  }
0x189: {  	[tilespmem:s2+$0xC000] =	vst.add.f32.msk $0xffff, v10  }
0x18a: {  	[tilespmem:s2+$0xC010] =	vst.add.f32.msk $0xffff, v11;
	s2 =	spop (v2sf)  }
0x18b: {  	v10 =	vld [tilespmem:s13+$0xFFFFFF80];
	(v2sf) =	vpush v9, $0x9  }
0x18c: {  	v11 =	vld [tilespmem:s13+$0xFFFFFF90];
	_ =	sdelay $0x2  }
0x18d: {  	v12 =	vbroadcast v8, $0x8  }
0x18e: {  	v10 =	vmul.f32 v10, v13  }
0x18f: {  	v11 =	vmul.f32 v11, v13  }
0x190: {  	[tilespmem:s2+$0xC000] =	vst.add.f32.msk $0xffff, v10;
	s16 =	spop (v2sf)  }
0x191: {  	[tilespmem:s2+$0xC010] =	vst.add.f32.msk $0xffff, v11;
	(v2sf) =	vpush v9, $0xA  }
0x192: {  	v10 =	vld [tilespmem:s13+$0x0]  }
0x193: {  	v11 =	vld [tilespmem:s13+$0x10];
	_ =	sdelay $0x1  }
0x194: {  	v13 =	vbroadcast v8, $0x9;
	_ =	sdelay $0x1  }
0x195: {  	v10 =	vmul.f32 v10, v12  }
0x196: {  	v11 =	vmul.f32 v11, v12;
	s2 =	spop (v2sf)  }
0x197: {  	[tilespmem:s16+$0xC000] =	vst.add.f32.msk $0xffff, v10;
	(v2sf) =	vpush v9, $0xB  }
0x198: {  	[tilespmem:s16+$0xC010] =	vst.add.f32.msk $0xffff, v11  }
0x199: {  	v10 =	vld [tilespmem:s13+$0x80]  }
0x19a: {  	v11 =	vld [tilespmem:s13+$0x90]  }
0x19b: {  	v12 =	vbroadcast v8, $0xA;
	_ =	sdelay $0x2  }
0x19c: {  	v10 =	vmul.f32 v10, v13;
	s16 =	spop (v2sf)  }
0x19d: {  	v11 =	vmul.f32 v11, v13;
	(v2sf) =	vpush v9, $0xC  }
0x19e: {  	[tilespmem:s2+$0xC000] =	vst.add.f32.msk $0xffff, v10  }
0x19f: {  	[tilespmem:s2+$0xC010] =	vst.add.f32.msk $0xffff, v11  }
0x1a0: {  	v10 =	vld [tilespmem:s13+$0x100]  }
0x1a1: {  	v13 =	vbroadcast v8, $0xB;
	v11 =	vld [tilespmem:s13+$0x110];
	_ =	sdelay $0x2  }
0x1a2: {  	s2 =	spop (v2sf)  }
0x1a3: {  	v10 =	vmul.f32 v10, v12;
	(v2sf) =	vpush v9, $0xD  }
0x1a4: {  	v11 =	vmul.f32 v11, v12  }
0x1a5: {  	[tilespmem:s16+$0xC000] =	vst.add.f32.msk $0xffff, v10  }
0x1a6: {  	[tilespmem:s16+$0xC010] =	vst.add.f32.msk $0xffff, v11  }
0x1a7: {  	v11 =	vbroadcast v8, $0xC;
	v10 =	vld [tilespmem:s13+$0x180]  }
0x1a8: {  	v12 =	vld [tilespmem:s13+$0x190];
	_ =	sdelay $0x1  }
0x1a9: {  	s16 =	spop (v2sf)  }
0x1aa: {  	(v2sf) =	vpush v9, $0xE  }
0x1ab: {  	v10 =	vmul.f32 v10, v13  }
0x1ac: {  	v12 =	vmul.f32 v12, v13  }
0x1ad: {  	[tilespmem:s2+$0xC000] =	vst.add.f32.msk $0xffff, v10  }
0x1ae: {  	v10 =	vbroadcast v8, $0xD;
	[tilespmem:s2+$0xC010] =	vst.add.f32.msk $0xffff, v12  }
0x1af: {  	v12 =	vld [tilespmem:s13+$0x200]  }
0x1b0: {  	v13 =	vld [tilespmem:s13+$0x210]  }
0x1b1: {  	s2 =	spop (v2sf)  }
0x1b2: {  	(v2sf) =	vpush v9, $0xF;
	_ =	sdelay $0x1  }
0x1b3: {  	v9 =	vmul.f32 v12, v11  }
0x1b4: {  	v11 =	vmul.f32 v13, v11  }
0x1b5: {  	[tilespmem:s16+$0xC000] =	vst.add.f32.msk $0xffff, v9;
	v9 =	vbroadcast v8, $0xE  }
0x1b6: {  	[tilespmem:s16+$0xC010] =	vst.add.f32.msk $0xffff, v11  }
0x1b7: {  	v11 =	vld [tilespmem:s13+$0x280]  }
0x1b8: {  	v12 =	vld [tilespmem:s13+$0x290];
	s16 =	spop (v2sf);
	_ =	sdelay $0x3  }
.Ltmp8:
0x1b9: {  	v11 =	vmul.f32 v11, v10;
	(pc) =	sbr.rel @p0 .LBB2_16-.Ltmp8, $4  }
0x1ba: {  	v8 =	vbroadcast v8, $0xF;
	v10 =	vmul.f32 v12, v10  }
0x1bb: {  	[tilespmem:s2+$0xC000] =	vst.add.f32.msk $0xffff, v11  }
0x1bc: {  	[tilespmem:s2+$0xC010] =	vst.add.f32.msk $0xffff, v10  }
0x1bd: {  	v10 =	vld [tilespmem:s13+$0x300];
	s2 =	spop (v2sf)  }
0x1be: {  	v6 =	vld [tilespmem:s30+$0x310];
	_ =	sdelay $0x3  }
0x1bf: {  	v7 =	vmul.f32 v10, v9  }
0x1c0: {  	v6 =	vmul.f32 v6, v9  }
0x1c1: {  	[tilespmem:s16+$0xC000] =	vst.add.f32.msk $0xffff, v7  }
0x1c2: {  	[tilespmem:s16+$0xC010] =	vst.add.f32.msk $0xffff, v6  }
0x1c3: {  	v6 =	vld [tilespmem:s30+$0x380]  }
0x1c4: {  	v7 =	vld [tilespmem:s30+$0x390]  }
0x1c5: {  	s26 =	sadd.s32 $0x1, s26  }
0x1c6: {  	p0 =	sne.s32 s26, $0x10  }
.Ltmp9:
0x1c7: {  	_ = 	snop;
	(pc) =	sbr.rel @p0 .LBB2_15-.Ltmp9, $4  }
0x1c8: {  	v6 =	vmul.f32 v6, v8  }
0x1c9: {  	v7 =	vmul.f32 v7, v8  }
0x1ca: {  	[tilespmem:s2+$0xC000] =	vst.add.f32.msk $0xffff, v6  }
0x1cb: {  	s28 =	sadd.s32 $0x100, s28;
	s29 =	sadd.s32 $0x100, s29;
	[tilespmem:s2+$0xC010] =	vst.add.f32.msk $0xffff, v7  }
0x1cc: {  	[hbm4b:s9+s1] =	stream.linear.scatter [tilespmem:s22], [sflag:$0x2], $0x10000, $0x38;
	[tilespmem:$0x1D810] =	vst v63  }
0x1cd: {  	_ =	swait.ge [sflag:s14], $0x10000  }
0x1ce: {  	[sflag:s14] =	ssyncset.done $0x0  }
0x1cf: {  	[sflag:s14] =	ssyncadd.s32 $0xFFFF0000  }
0x1d0: {  	[bflag:$0x0] =	sbarrier.arrive $0xFFFF  }
0x1d1: {  	[tilespmem:s24], [sflag:$0x2] =	stream.strided.gather [spmem:s10], $0x800, s15, s23, $0x38;
	[tilespmem:$0x1D810] =	vst v63  }
0x1d2: {  	_ =	swait.ge [sflag:s14], $0x800  }
0x1d3: {  	[sflag:s14] =	ssyncset.done $0x0  }
0x1d4: {  	s13 =	simm.s32 $0xFFFFFF80;
	s26 =	simm.s32 $0xFFFFFE40;
	[sflag:s14] =	ssyncadd.s32 $0xFFFFF800  }
.LBB2_19:
0x1d5: {  	p0 =	sne.s32 s26, $0xFFFFFFC0;
	v6 =	vld [tilespmem:s13+$0x1C890];
	_ =	sdelay $0x1  }
0x1d6: {  	v7 =	vld [tilespmem:s13+$0x1C910];
	_ =	sdelay $0x1  }
0x1d7: {  	v8 =	vld [tilespmem:s13+$0x1C990]  }
0x1d8: {  	v6 =	vadd.f32 $0.0e+00, v6  }
0x1d9: {  	v9 =	vld [tilespmem:s13+$0x1CA10]  }
0x1da: {  	v6 =	vadd.f32 v7, v6  }
0x1db: {  	v7 =	vld [tilespmem:s13+$0x1CA90]  }
0x1dc: {  	v6 =	vadd.f32 v8, v6  }
0x1dd: {  	v8 =	vld [tilespmem:s13+$0x1CB10]  }
0x1de: {  	v6 =	vadd.f32 v9, v6  }
0x1df: {  	v9 =	vld [tilespmem:s13+$0x1CB90]  }
0x1e0: {  	v6 =	vadd.f32 v7, v6  }
0x1e1: {  	v7 =	vld [tilespmem:s13+$0x1CC10]  }
0x1e2: {  	v6 =	vadd.f32 v8, v6  }
0x1e3: {  	v8 =	vld [tilespmem:s13+$0x1CC90]  }
0x1e4: {  	v6 =	vadd.f32 v9, v6  }
0x1e5: {  	v9 =	vld [tilespmem:s13+$0x1CD10]  }
0x1e6: {  	v6 =	vadd.f32 v7, v6  }
0x1e7: {  	v7 =	vld [tilespmem:s13+$0x1CD90]  }
0x1e8: {  	v6 =	vadd.f32 v8, v6  }
0x1e9: {  	v8 =	vld [tilespmem:s13+$0x1CE10]  }
0x1ea: {  	v6 =	vadd.f32 v9, v6  }
0x1eb: {  	v9 =	vld [tilespmem:s13+$0x1CE90]  }
0x1ec: {  	v6 =	vadd.f32 v7, v6  }
0x1ed: {  	v7 =	vld [tilespmem:s13+$0x1CF10]  }
0x1ee: {  	v6 =	vadd.f32 v8, v6  }
0x1ef: {  	v8 =	vld [tilespmem:s13+$0x1CF90]  }
0x1f0: {  	v6 =	vadd.f32 v9, v6  }
0x1f1: {  	v9 =	vld [tilespmem:s13+$0x1D010]  }
0x1f2: {  	v6 =	vadd.f32 v7, v6;
	_ =	sdelay $0x1  }
.Ltmp10:
0x1f3: {  	v6 =	vadd.f32 v8, v6;
	(pc) =	sbr.rel @p0 .LBB2_19-.Ltmp10, $3  }
0x1f4: {  	_ = 	snop  }
0x1f5: {  	v6 =	vadd.f32 v9, v6;
	_ =	sdelay $0x1  }
0x1f6: {  	[tilespmem:s13+$0x1C890] =	vst v6;
	s13 =	sshra.s32 s26, $0x2;
	s26 =	sadd.s32 $0x40, s26  }
0x1f7: {  	v6 =	vld [tilespmem:s13+$0x1C890];
	_ =	sdelay $0x1  }
0x1f8: {  	v7 =	vld [tilespmem:s13+$0x1C910];
	_ =	sdelay $0x1  }
0x1f9: {  	v8 =	vld [tilespmem:s13+$0x1C990]  }
0x1fa: {  	v6 =	vadd.f32 $0.0e+00, v6  }
0x1fb: {  	v9 =	vld [tilespmem:s13+$0x1CA10]  }
0x1fc: {  	v6 =	vadd.f32 v7, v6  }
0x1fd: {  	v7 =	vld [tilespmem:s13+$0x1CA90]  }
0x1fe: {  	v6 =	vadd.f32 v8, v6  }
0x1ff: {  	v56 =	vld [tilespmem:s13+$0x1CB10]  }
0x200: {  	v6 =	vadd.f32 v9, v6  }
0x201: {  	v57 =	vld [tilespmem:s13+$0x1CB90]  }
0x202: {  	v6 =	vadd.f32 v7, v6  }
0x203: {  	v7 =	vld [tilespmem:s13+$0x1CC10]  }
0x204: {  	v6 =	vadd.f32 v56, v6  }
0x205: {  	v58 =	vld [tilespmem:s13+$0x1CC90]  }
0x206: {  	v6 =	vadd.f32 v57, v6  }
0x207: {  	v59 =	vld [tilespmem:s13+$0x1CD10]  }
0x208: {  	v6 =	vadd.f32 v7, v6  }
0x209: {  	v7 =	vld [tilespmem:s13+$0x1CD90]  }
0x20a: {  	v6 =	vadd.f32 v58, v6  }
0x20b: {  	v60 =	vld [tilespmem:s13+$0x1CE10]  }
0x20c: {  	v6 =	vadd.f32 v59, v6  }
0x20d: {  	v61 =	vld [tilespmem:s13+$0x1CE90]  }
0x20e: {  	v6 =	vadd.f32 v7, v6  }
0x20f: {  	v7 =	vld [tilespmem:s13+$0x1CF10]  }
0x210: {  	v6 =	vadd.f32 v60, v6  }
0x211: {  	v62 =	vld [tilespmem:s13+$0x1CF90]  }
0x212: {  	v6 =	vadd.f32 v61, v6  }
0x213: {  	v63 =	vld [tilespmem:s13+$0x1D010]  }
0x214: {  	v6 =	vadd.f32 v7, v6;
	_ =	sdelay $0x1  }
0x215: {  	v6 =	vadd.f32 v62, v6;
	_ =	sdelay $0x1  }
0x216: {  	v6 =	vadd.f32 v63, v6  }
0x217: {  	s25 =	sadd.s32 $0x1, s25  }
0x218: {  	p0 =	sne.s32 s25, s12;
	[tilespmem:s13+$0x1C890] =	vst v6  }
0x219: {  	[hbm4b:s11+s1] =	stream.linear.scatter [tilespmem:s24], [sflag:$0x2], $0x80, $0x38;
	[tilespmem:$0x1D810] =	vst v63  }
.Ltmp11:
0x21a: {  	_ = 	snop;
	(pc) =	sbr.rel @p0 .LBB2_1-.Ltmp11, $4  }
.Ltmp12:
0x21b: {  	_ = 	snop;
	(pc) =	sbr.rel @!p0 .LBB2_21-.Ltmp12, $4  }
0x21c: {  	_ =	swait.ge [sflag:s14], $0x80  }
0x21d: {  	[sflag:s14] =	ssyncset.done $0x0  }
0x21e: {  	[sflag:s14] =	ssyncadd.s32 $0xFFFFFF80  }
0x21f: {  	_ = 	snop  }
.LBB2_7:
.Ltmp13:
0x220: {  	(pc) =	sbr.rel .LBB2_10-.Ltmp13, $2  }
0x221: {  	_ =	sdelay $0x2  }
0x222: {  	s26 =	simm.s32 $0x40  }
.LBB2_21:
0x223: {  	_ =	sfence.sel $0x180000  }
0x224: {  	[bflag:$0x0] =	sbarrier.arrive $0xFFFF  }
0x225: {  	_ =	strace $0x90000047  }
0x226: {  	s0 =	stileid.u32;
	[bflag:$0x2] =	sbarrier.arrive $0xFFFF  }
0x227: {  	p0 =	sne.s32 s0, $0x0;
	s0 =	rddreg [dreg:$0x2]  }
0x228: {  	s0 =	sadd.s32 @!p0 $0x100000, s0  }
0x229: {  	[sflag:s0] =	ssyncadd.tile.s32 @!p0 $0x1;
	_ =	shalt  }
.Lfunc_end2:
_tile_overlayer_lowered:
.L_overlay_start_2:
0x22a: {  	(tag) =	ssettag $0x2  }
0x22b: {  	s0 =	rddreg [dreg:$0x0];
	s2 =	stileid.u32  }
0x22c: {  	s1 =	rddreg [dreg:$0x1];
	p0 =	sne.s32 s2, $0x0  }
0x22d: {  	s3 =	rddreg [dreg:$0x2];
	[bflag:$0x3] =	sbarrier.arrive $0xFFFF;
	s2 =	simm.s32 @!p0 $0x1C02  }
0x22e: {  	[timem:s3], [sflag:s2] =	dma.local @!p0 [hbm:s0], s1  }
0x22f: {  	s0 =	simm.s32 @!p0 $0x2  }
0x230: {  	_ =	swait.ge @!p0 [sflag:s0], s1  }
0x231: {  	s1 =	ssub.s32 @!p0 $0x0, s1;
	[sflag:s0] =	ssyncset.done @!p0 $0x0  }
0x232: {  	[sflag:s0] =	ssyncadd.s32 @!p0 s1  }
0x233: {  	[bflag:$0x3] =	sbarrier.arrive $0xFFFF  }
0x234: {  	_ =	shalt  }

</sc_bundles>
